<compile_context>
chip_gen: v7x
topology: tpu7x:2x2x1
jax: 0.10.2.dev20260603
libtpu: 0.0.44.dev20260713+nightly
codegen_flags: <defaults>
</compile_context>

<pallas_src>
import functools

import jax
import jax.numpy as jnp
from jax import lax
from jax.experimental import pallas as pl
from jax.experimental.pallas import tpu as pltpu
from jax.experimental.pallas import tpu_sc as plsc

N = 10000
E = 320000
IN_DIM = 128
HID = 128
H0 = 4
NC = 40

BN = 1000
D1 = HID
DP1 = HID + 16
D2 = 48
DP2 = 48
NSUB = 16
NROW = N // NSUB
EB = 64
CS = 1024

CHUNK1 = E // NSUB
CHUNK2 = E // (2 * NSUB)
NCH1 = (CHUNK1 + CS - 1) // CS
NCH2 = (CHUNK2 + CS - 1) // CS
E_PAD = NSUB * NCH1 * CS



def _proj1_body(x_ref, w_ref, al_ref, ar_ref, feat_ref, el_ref, er_ref):
    feat = jnp.dot(x_ref[...], w_ref[...], preferred_element_type=jnp.float32)
    feat_ref[0] = feat
    el_ref[0] = jnp.sum(feat * al_ref[0], axis=-1)[None, :]
    er_ref[0] = jnp.sum(feat * ar_ref[0], axis=-1)[None, :]


def _tc_proj1(x, W0, al0, ar0):
    grid = (H0,)
    return pl.pallas_call(
        _proj1_body,
        grid=grid,
        in_specs=[
            pl.BlockSpec((N, IN_DIM), lambda h: (0, 0)),
            pl.BlockSpec((IN_DIM, D1), lambda h: (0, h)),
            pl.BlockSpec((1, 1, D1), lambda h: (h, 0, 0)),
            pl.BlockSpec((1, 1, D1), lambda h: (h, 0, 0)),
        ],
        out_specs=[
            pl.BlockSpec((1, N, D1), lambda h: (h, 0, 0)),
            pl.BlockSpec((1, 1, N), lambda h: (h, 0, 0)),
            pl.BlockSpec((1, 1, N), lambda h: (h, 0, 0)),
        ],
        out_shape=[
            jax.ShapeDtypeStruct((H0, N, D1), jnp.float32),
            jax.ShapeDtypeStruct((H0, 1, N), jnp.float32),
            jax.ShapeDtypeStruct((H0, 1, N), jnp.float32),
        ],
    )(x, W0.reshape(IN_DIM, H0 * D1), al0.reshape(H0, 1, D1),
      ar0.reshape(H0, 1, D1))


def _epi1_body(num_ref, b_ref, w2_ref, al_ref, ar_ref,
               feat_ref, el_ref, er_ref):
    parts = []
    for h in range(H0):
        blk = num_ref[h]
        den = blk[:, D1:D1 + 1]
        parts.append(blk[:, :D1] / (den + 1e-9))
    hfeat = jnp.concatenate(parts, axis=-1) + b_ref[...]
    hfeat = jnp.maximum(hfeat, 0.0)
    f2 = jnp.dot(hfeat, w2_ref[...], preferred_element_type=jnp.float32)
    feat_ref[...] = jnp.concatenate(
        [f2, jnp.zeros((BN, D2 - NC), jnp.float32)], axis=-1)
    el_ref[...] = jnp.sum(f2 * al_ref[...], axis=-1, keepdims=True)
    er_ref[...] = jnp.sum(f2 * ar_ref[...], axis=-1, keepdims=True)


def _tc_epi1(num1, b0, W2, al2, ar2):
    grid = (N // BN,)
    return pl.pallas_call(
        _epi1_body,
        grid=grid,
        in_specs=[
            pl.BlockSpec((H0, BN, DP1), lambda i: (0, i, 0)),
            pl.BlockSpec((1, H0 * HID), lambda i: (0, 0)),
            pl.BlockSpec((H0 * HID, NC), lambda i: (0, 0)),
            pl.BlockSpec((1, NC), lambda i: (0, 0)),
            pl.BlockSpec((1, NC), lambda i: (0, 0)),
        ],
        out_specs=[
            pl.BlockSpec((BN, D2), lambda i: (i, 0)),
            pl.BlockSpec((BN, 1), lambda i: (i, 0)),
            pl.BlockSpec((BN, 1), lambda i: (i, 0)),
        ],
        out_shape=[
            jax.ShapeDtypeStruct((N, D2), jnp.float32),
            jax.ShapeDtypeStruct((N, 1), jnp.float32),
            jax.ShapeDtypeStruct((N, 1), jnp.float32),
        ],
    )(num1, b0, W2, al2, ar2)


def _epi2_body(num_ref, b_ref, out_ref):
    s = num_ref[0] + num_ref[1]
    den = s[:, NC:NC + 1]
    out_ref[...] = s[:, :NC] / (den + 1e-9) + b_ref[...]


def _tc_epi2(num2, b2):
    grid = (N // BN,)
    return pl.pallas_call(
        _epi2_body,
        grid=grid,
        in_specs=[
            pl.BlockSpec((2, BN, DP2), lambda i: (0, i, 0)),
            pl.BlockSpec((1, NC), lambda i: (0, 0)),
        ],
        out_specs=pl.BlockSpec((BN, NC), lambda i: (i, 0)),
        out_shape=jax.ShapeDtypeStruct((N, NC), jnp.float32),
    )(num2, b2)



def _edge_batches(nchunks, nbatch_per_chunk, chunk_real, tile_base,
                  d_width, dp_groups, w_col, row_off,
                  src_hbm, dst_hbm, src_c, dst_c, el_v, er_v,
                  feat_hbm, num_sh, gidx, sidx, wbuf, rows, scaled, sem):
    lane = lax.iota(jnp.int32, 16)

    @pl.loop(0, nchunks)
    def _chunk(r):
        pltpu.sync_copy(src_hbm.at[pl.ds(tile_base + r * CS, CS)], src_c)
        pltpu.sync_copy(dst_hbm.at[pl.ds(tile_base + r * CS, CS)], dst_c)

        @pl.loop(0, nbatch_per_chunk)
        def _batch(b):
            off = b * EB
            goff = r * CS + b * EB
            for g in range(EB // 16):
                eoff = off + g * 16
                valid = (goff + g * 16 + lane) < chunk_real
                s16 = jnp.where(valid, src_c[pl.ds(eoff, 16)], 0)
                d16 = jnp.where(valid, dst_c[pl.ds(eoff, 16)], 0)
                e = plsc.load_gather(el_v, [s16]) + plsc.load_gather(er_v, [d16])
                e = jnp.where(e < 0, e * 0.2, e)
                w = jnp.where(valid, jnp.exp(e), 0.0)
                gidx[pl.ds(g * 16, 16)] = s16 + row_off
                sidx[pl.ds(g * 16, 16)] = d16
                wbuf[pl.ds(g * 16, 16)] = w
            pltpu.async_copy(feat_hbm.at[gidx], rows, sem).wait()

            @pl.loop(0, EB)
            def _scale(j):
                wv = plsc.load_gather(wbuf, [lane * 0 + j])
                for k in range(dp_groups):
                    base = k * 16
                    if base < d_width:
                        val = rows[j, pl.ds(base, 16)] * wv
                    else:
                        val = jnp.zeros((16,), jnp.float32)
                    if base <= w_col < base + 16:
                        val = jnp.where(lane == (w_col - base), wv, val)
                    scaled[j, pl.ds(base, 16)] = val

            pltpu.sync_copy(scaled, num_sh.at[sidx], add=True)


def _zero_accum_slice(s, scaled, num_sh, dp):
    @pl.loop(0, EB)
    def _z(j):
        for k in range(dp // 16):
            scaled[j, pl.ds(k * 16, 16)] = jnp.zeros((16,), jnp.float32)

    done = 0
    while done < NROW:
        step = min(EB, NROW - done)
        pltpu.sync_copy(scaled.at[pl.ds(0, step)],
                        num_sh.at[pl.ds(s * NROW + done, step)])
        done += step


def _sc_l1_body(feat_hbm, el_hbm, er_hbm, src_hbm, dst_hbm, out_hbm,
                src_c, dst_c, el_v, er_v, gidx, sidx, wbuf, rows, scaled,
                num_sh, sem):
    c = lax.axis_index("c")
    s = lax.axis_index("s")
    tile_base = s * CHUNK1
    for hp in range(2):
        h = c * 2 + hp
        pltpu.sync_copy(el_hbm.at[pl.ds(h * N, N)], el_v)
        pltpu.sync_copy(er_hbm.at[pl.ds(h * N, N)], er_v)
        _zero_accum_slice(s, scaled, num_sh, DP1)
        plsc.subcore_barrier()
        _edge_batches(NCH1, CS // EB, CHUNK1, tile_base,
                      D1, DP1 // 16, D1, h * N,
                      src_hbm, dst_hbm, src_c, dst_c, el_v, er_v,
                      feat_hbm, num_sh, gidx, sidx, wbuf, rows, scaled, sem)
        plsc.subcore_barrier()
        pltpu.sync_copy(num_sh.at[pl.ds(s * NROW, NROW)],
                        out_hbm.at[pl.ds(h * N + s * NROW, NROW)])
        plsc.subcore_barrier()


def _sc_layer1(featT, el, er, src, dst):
    mesh = plsc.VectorSubcoreMesh(core_axis_name="c", subcore_axis_name="s")
    return pl.kernel(
        _sc_l1_body,
        out_type=jax.ShapeDtypeStruct((H0 * N, DP1), jnp.float32),
        mesh=mesh,
        compiler_params=pltpu.CompilerParams(
            use_tc_tiling_on_sc=False, needs_layout_passes=False),
        scratch_types=[
            pltpu.VMEM((CS,), jnp.int32),
            pltpu.VMEM((CS,), jnp.int32),
            pltpu.VMEM((N,), jnp.float32),
            pltpu.VMEM((N,), jnp.float32),
            pltpu.VMEM((EB,), jnp.int32),
            pltpu.VMEM((EB,), jnp.int32),
            pltpu.VMEM((EB,), jnp.float32),
            pltpu.VMEM((EB, D1), jnp.float32),
            pltpu.VMEM((EB, DP1), jnp.float32),
            pltpu.VMEM_SHARED((N, DP1), jnp.float32),
            pltpu.SemaphoreType.DMA,
        ],
    )(featT, el, er, src, dst)


def _sc_l2_body(feat_hbm, el_hbm, er_hbm, src_hbm, dst_hbm, out_hbm,
                src_c, dst_c, el_v, er_v, gidx, sidx, wbuf, rows, scaled,
                num_sh, sem):
    c = lax.axis_index("c")
    s = lax.axis_index("s")
    tile_base = (c * NSUB + s) * CHUNK2
    pltpu.sync_copy(el_hbm, el_v)
    pltpu.sync_copy(er_hbm, er_v)
    _zero_accum_slice(s, scaled, num_sh, DP2)
    plsc.subcore_barrier()
    _edge_batches(NCH2, CS // EB, CHUNK2, tile_base,
                  D2, DP2 // 16, NC, 0,
                  src_hbm, dst_hbm, src_c, dst_c, el_v, er_v,
                  feat_hbm, num_sh, gidx, sidx, wbuf, rows, scaled, sem)
    plsc.subcore_barrier()
    pltpu.sync_copy(num_sh.at[pl.ds(s * NROW, NROW)],
                    out_hbm.at[pl.ds(c * N + s * NROW, NROW)])


def _sc_layer2(feat2, el2, er2, src, dst):
    mesh = plsc.VectorSubcoreMesh(core_axis_name="c", subcore_axis_name="s")
    return pl.kernel(
        _sc_l2_body,
        out_type=jax.ShapeDtypeStruct((2 * N, DP2), jnp.float32),
        mesh=mesh,
        compiler_params=pltpu.CompilerParams(
            use_tc_tiling_on_sc=False, needs_layout_passes=False),
        scratch_types=[
            pltpu.VMEM((CS,), jnp.int32),
            pltpu.VMEM((CS,), jnp.int32),
            pltpu.VMEM((N,), jnp.float32),
            pltpu.VMEM((N,), jnp.float32),
            pltpu.VMEM((EB,), jnp.int32),
            pltpu.VMEM((EB,), jnp.int32),
            pltpu.VMEM((EB,), jnp.float32),
            pltpu.VMEM((EB, D2), jnp.float32),
            pltpu.VMEM((EB, DP2), jnp.float32),
            pltpu.VMEM_SHARED((N, DP2), jnp.float32),
            pltpu.SemaphoreType.DMA,
        ],
    )(feat2, el2, er2, src, dst)



@jax.jit
def _run(x, edge_index, W0, al0, ar0, b0, W2, al2, ar2, b2):
    src = jnp.pad(edge_index[0], (0, E_PAD - E))
    dst = jnp.pad(edge_index[1], (0, E_PAD - E))
    featT, el1, er1 = _tc_proj1(x, W0, al0, ar0)
    num1 = _sc_layer1(featT.reshape(H0 * N, D1),
                      el1.reshape(H0 * N), er1.reshape(H0 * N), src, dst)
    feat2, el2, er2 = _tc_epi1(num1.reshape(H0, N, DP1),
                               b0.reshape(1, H0 * HID), W2, al2, ar2)
    num2 = _sc_layer2(feat2, el2.reshape(N), er2.reshape(N), src, dst)
    return _tc_epi2(num2.reshape(2, N, DP2), b2.reshape(1, NC))


def kernel(x, edge_index, W0, al0, ar0, b0, W2, al2, ar2, b2):
    return _run(x, edge_index, W0, al0, ar0, b0, W2, al2, ar2, b2)

# --- scband reference (transcript-rebuilt; emitter-appended) ---
"""Pipeline reference for scband-gat-8641474199574 (READ-ONLY COPY).

The authoritative reference and input builder live on the scoring server;
editing this copy changes nothing except your own understanding.
"""

import jax, jax.numpy as jnp
import numpy as np

N = 10000
E = 320000
IN_DIM = 128
HID = 128
H0 = 4
NC = 40


def setup_inputs(seed: int = 0) -> dict:
    key = jax.random.key(seed)
    ks = jax.random.split(key, 10)
    x = jax.random.normal(ks[0], (N, IN_DIM), dtype=jnp.float32)
    edge_index = jax.random.randint(ks[1], (2, E), 0, N, dtype=jnp.int32)
    W0 = jax.random.normal(ks[2], (IN_DIM, H0 * HID), dtype=jnp.float32) * 0.1
    al0 = jax.random.normal(ks[3], (H0, HID), dtype=jnp.float32) * 0.1
    ar0 = jax.random.normal(ks[4], (H0, HID), dtype=jnp.float32) * 0.1
    b0 = jnp.zeros((H0 * HID,), dtype=jnp.float32)
    W2 = jax.random.normal(ks[5], (H0 * HID, NC), dtype=jnp.float32) * 0.1
    al2 = jax.random.normal(ks[6], (1, NC), dtype=jnp.float32) * 0.1
    ar2 = jax.random.normal(ks[7], (1, NC), dtype=jnp.float32) * 0.1
    b2 = jnp.zeros((NC,), dtype=jnp.float32)
    return {"x": x, "edge_index": edge_index, "W0": W0, "al0": al0, "ar0": ar0, "b0": b0, "W2": W2, "al2": al2, "ar2": ar2, "b2": b2}


def gat_conv(x, edge_index, W, al, ar, b, H, D):
    # DGL-style GATConv: per-head linear projection + additive attention + segment softmax over dst
    n = x.shape[0]
    src = edge_index[0]
    dst = edge_index[1]
    feat = (x @ W).reshape(n, H, D)                      # [N, H, D]
    el = (feat * al[None, :, :]).sum(-1)                 # [N, H]
    er = (feat * ar[None, :, :]).sum(-1)                 # [N, H]
    e = jax.nn.leaky_relu(el[src] + er[dst], negative_slope=0.2)  # [E, H]
    m = jax.ops.segment_max(e, dst, num_segments=n)      # [N, H]
    ee = jnp.exp(e - m[dst])                             # [E, H]
    s = jax.ops.segment_sum(ee, dst, num_segments=n)     # [N, H]
    alpha = ee / (s[dst] + 1e-9)                         # [E, H]
    msg = alpha[:, :, None] * feat[src]                  # [E, H, D]
    out = jax.ops.segment_sum(msg, dst, num_segments=n)  # [N, H, D]
    return out.reshape(n, H * D) + b


def reference(x, edge_index, W0, al0, ar0, b0, W2, al2, ar2, b2):
    # num_layers = 2 -> forward loop runs for i in range(num_layers - 1) = {0}
    h = jax.nn.relu(gat_conv(x, edge_index, W0, al0, ar0, b0, H0, HID))
    # F.dropout with training=False is identity (eval mode)
    out = gat_conv(h, edge_index, W2, al2, ar2, b2, 1, NC)
    return out

if __name__ == "__main__":
    import jax
    _d = setup_inputs()
    print(jax.jit(kernel)(*tuple(_d.values())))

</pallas_src>

<mosaic_0001>
#map = affine_map<(d0, d1) -> (0, 0)>
#map1 = affine_map<(d0, d1) -> (0)>
module attributes {stable_mosaic.version = 14 : i64} {
  func.func @_sc_l1_body(%arg0: i32, %arg1: i32, %arg2: memref<40000x128xf32, #tpu.memory_space<hbm>>, %arg3: memref<40000xf32, #tpu.memory_space<hbm>>, %arg4: memref<40000xf32, #tpu.memory_space<hbm>>, %arg5: memref<327680xi32, #tpu.memory_space<hbm>>, %arg6: memref<327680xi32, #tpu.memory_space<hbm>>, %arg7: memref<40000x144xf32, #tpu.memory_space<hbm>>, %arg8: memref<1024xi32, #tpu.memory_space<vmem>>, %arg9: memref<1024xi32, #tpu.memory_space<vmem>>, %arg10: memref<10000xf32, #tpu.memory_space<vmem>>, %arg11: memref<10000xf32, #tpu.memory_space<vmem>>, %arg12: memref<64xi32, #tpu.memory_space<vmem>>, %arg13: memref<64xi32, #tpu.memory_space<vmem>>, %arg14: memref<64xf32, #tpu.memory_space<vmem>>, %arg15: memref<64x128xf32, #tpu.memory_space<vmem>>, %arg16: memref<64x144xf32, #tpu.memory_space<vmem>>, %arg17: memref<10000x144xf32, #tpu.memory_space<vmem_shared>>, %arg18: memref<!tpu.dma_semaphore, #tpu.memory_space<semaphore_mem>>) attributes {dimension_semantics = [#tpu.dimension_semantics<core_parallel>, #tpu.dimension_semantics<subcore_parallel>], iteration_bounds = array<i64: 2, 16>, scalar_prefetch = 0 : i64, scratch_operands = 11 : i64, tpu.core_type = #tpu.core_type<sc_vector_subcore>, window_params = [{transform_indices = #map}, {transform_indices = #map1}, {transform_indices = #map1}, {transform_indices = #map1}, {transform_indices = #map1}, {transform_indices = #map}]} {
    %mul3A = arith.constant 20000 : i32
    %mul3A_0 = arith.muli %arg1, %mul3A : i32
    %mul3A_1 = arith.constant 2 : i32
    %mul3A_2 = arith.muli %arg0, %mul3A_1 : i32
    %add3A = arith.constant 0 : i32
    %add3A_3 = arith.addi %mul3A_2, %add3A : i32
    %mul3A_4 = arith.constant 10000 : i32
    %mul3A_5 = arith.muli %add3A_3, %mul3A_4 : i32
    "tpu.region"() ({
      %run_scoped3A = tpu.sem_alloc : memref<!tpu.dma_semaphore, #tpu.memory_space<semaphore_mem>>
      %dma_start3A = tpu.memref_slice %arg3[%mul3A_5] : memref<40000xf32, #tpu.memory_space<hbm>> -> memref<10000xf32, #tpu.memory_space<hbm>>
      %dma_start3A_139 = tpu.memref_slice %arg3[%mul3A_5] : memref<40000xf32, #tpu.memory_space<hbm>> -> memref<10000xf32, #tpu.memory_space<hbm>>
      tpu.enqueue_dma source(%dma_start3A_139 : memref<10000xf32, #tpu.memory_space<hbm>>) target(%arg10 : memref<10000xf32, #tpu.memory_space<vmem>>) target_semaphore(%run_scoped3A : memref<!tpu.dma_semaphore, #tpu.memory_space<semaphore_mem>>)
      %dma_wait3A = tpu.memref_slice %arg3[%mul3A_5] : memref<40000xf32, #tpu.memory_space<hbm>> -> memref<10000xf32, #tpu.memory_space<hbm>>
      %dma_wait3A_140 = tpu.memref_slice %arg3[%mul3A_5] : memref<40000xf32, #tpu.memory_space<hbm>> -> memref<10000xf32, #tpu.memory_space<hbm>>
      tpu.wait_dma2 semaphore(%run_scoped3A : memref<!tpu.dma_semaphore, #tpu.memory_space<semaphore_mem>>) src(%dma_wait3A_140 : memref<10000xf32, #tpu.memory_space<hbm>>) dst(%arg10 : memref<10000xf32, #tpu.memory_space<vmem>>)
      tpu.yield
    }) : () -> ()
    %mul3A_6 = arith.constant 10000 : i32
    %mul3A_7 = arith.muli %add3A_3, %mul3A_6 : i32
    "tpu.region"() ({
      %run_scoped3A = tpu.sem_alloc : memref<!tpu.dma_semaphore, #tpu.memory_space<semaphore_mem>>
      %dma_start3A = tpu.memref_slice %arg4[%mul3A_7] : memref<40000xf32, #tpu.memory_space<hbm>> -> memref<10000xf32, #tpu.memory_space<hbm>>
      %dma_start3A_139 = tpu.memref_slice %arg4[%mul3A_7] : memref<40000xf32, #tpu.memory_space<hbm>> -> memref<10000xf32, #tpu.memory_space<hbm>>
      tpu.enqueue_dma source(%dma_start3A_139 : memref<10000xf32, #tpu.memory_space<hbm>>) target(%arg11 : memref<10000xf32, #tpu.memory_space<vmem>>) target_semaphore(%run_scoped3A : memref<!tpu.dma_semaphore, #tpu.memory_space<semaphore_mem>>)
      %dma_wait3A = tpu.memref_slice %arg4[%mul3A_7] : memref<40000xf32, #tpu.memory_space<hbm>> -> memref<10000xf32, #tpu.memory_space<hbm>>
      %dma_wait3A_140 = tpu.memref_slice %arg4[%mul3A_7] : memref<40000xf32, #tpu.memory_space<hbm>> -> memref<10000xf32, #tpu.memory_space<hbm>>
      tpu.wait_dma2 semaphore(%run_scoped3A : memref<!tpu.dma_semaphore, #tpu.memory_space<semaphore_mem>>) src(%dma_wait3A_140 : memref<10000xf32, #tpu.memory_space<hbm>>) dst(%arg11 : memref<10000xf32, #tpu.memory_space<vmem>>)
      tpu.yield
    }) : () -> ()
    %scan3A = arith.constant 0 : i32
    %scan3A_8 = arith.constant 64 : i32
    %scan3A_9 = arith.addi %scan3A, %scan3A_8 : i32
    %scan3A_10 = arith.constant 1 : i32
    scf.for %scan3A_139 = %scan3A to %scan3A_9 step %scan3A_10  : i32 {
      %mul3A_140 = arith.constant 1 : i32
      %mul3A_141 = arith.muli %scan3A_139, %mul3A_140 : i32
      %add3A_142 = arith.constant 0 : i32
      %add3A_143 = arith.addi %add3A_142, %mul3A_141 : i32
      %broadcast_in_dim3A = arith.constant 0.000000e+00 : f32
      %broadcast_in_dim3A_144 = vector.broadcast %broadcast_in_dim3A : f32 to vector<16xf32>
      %swap3A = arith.index_cast %add3A_143 : i32 to index
      %swap3A_145 = arith.constant 0 : index
      %swap3A_146 = tpu.vector_load %arg16[%swap3A, %swap3A_145] {strides = array<i32>} : memref<64x144xf32, #tpu.memory_space<vmem>>, vector<16xf32>,
      tpu.vector_store %arg16[%swap3A, %swap3A_145], %broadcast_in_dim3A_144 {strides = array<i32>} : memref<64x144xf32, #tpu.memory_space<vmem>>, vector<16xf32>,
      %broadcast_in_dim3A_147 = arith.constant 0.000000e+00 : f32
      %broadcast_in_dim3A_148 = vector.broadcast %broadcast_in_dim3A_147 : f32 to vector<16xf32>
      %swap3A_149 = arith.index_cast %add3A_143 : i32 to index
      %swap3A_150 = arith.constant 16 : index
      %swap3A_151 = tpu.vector_load %arg16[%swap3A_149, %swap3A_150] {strides = array<i32>} : memref<64x144xf32, #tpu.memory_space<vmem>>, vector<16xf32>,
      tpu.vector_store %arg16[%swap3A_149, %swap3A_150], %broadcast_in_dim3A_148 {strides = array<i32>} : memref<64x144xf32, #tpu.memory_space<vmem>>, vector<16xf32>,
      %broadcast_in_dim3A_152 = arith.constant 0.000000e+00 : f32
      %broadcast_in_dim3A_153 = vector.broadcast %broadcast_in_dim3A_152 : f32 to vector<16xf32>
      %swap3A_154 = arith.index_cast %add3A_143 : i32 to index
      %swap3A_155 = arith.constant 32 : index
      %swap3A_156 = tpu.vector_load %arg16[%swap3A_154, %swap3A_155] {strides = array<i32>} : memref<64x144xf32, #tpu.memory_space<vmem>>, vector<16xf32>,
      tpu.vector_store %arg16[%swap3A_154, %swap3A_155], %broadcast_in_dim3A_153 {strides = array<i32>} : memref<64x144xf32, #tpu.memory_space<vmem>>, vector<16xf32>,
      %broadcast_in_dim3A_157 = arith.constant 0.000000e+00 : f32
      %broadcast_in_dim3A_158 = vector.broadcast %broadcast_in_dim3A_157 : f32 to vector<16xf32>
      %swap3A_159 = arith.index_cast %add3A_143 : i32 to index
      %swap3A_160 = arith.constant 48 : index
      %swap3A_161 = tpu.vector_load %arg16[%swap3A_159, %swap3A_160] {strides = array<i32>} : memref<64x144xf32, #tpu.memory_space<vmem>>, vector<16xf32>,
      tpu.vector_store %arg16[%swap3A_159, %swap3A_160], %broadcast_in_dim3A_158 {strides = array<i32>} : memref<64x144xf32, #tpu.memory_space<vmem>>, vector<16xf32>,
      %broadcast_in_dim3A_162 = arith.constant 0.000000e+00 : f32
      %broadcast_in_dim3A_163 = vector.broadcast %broadcast_in_dim3A_162 : f32 to vector<16xf32>
      %swap3A_164 = arith.index_cast %add3A_143 : i32 to index
      %swap3A_165 = arith.constant 64 : index
      %swap3A_166 = tpu.vector_load %arg16[%swap3A_164, %swap3A_165] {strides = array<i32>} : memref<64x144xf32, #tpu.memory_space<vmem>>, vector<16xf32>,
      tpu.vector_store %arg16[%swap3A_164, %swap3A_165], %broadcast_in_dim3A_163 {strides = array<i32>} : memref<64x144xf32, #tpu.memory_space<vmem>>, vector<16xf32>,
      %broadcast_in_dim3A_167 = arith.constant 0.000000e+00 : f32
      %broadcast_in_dim3A_168 = vector.broadcast %broadcast_in_dim3A_167 : f32 to vector<16xf32>
      %swap3A_169 = arith.index_cast %add3A_143 : i32 to index
      %swap3A_170 = arith.constant 80 : index
      %swap3A_171 = tpu.vector_load %arg16[%swap3A_169, %swap3A_170] {strides = array<i32>} : memref<64x144xf32, #tpu.memory_space<vmem>>, vector<16xf32>,
      tpu.vector_store %arg16[%swap3A_169, %swap3A_170], %broadcast_in_dim3A_168 {strides = array<i32>} : memref<64x144xf32, #tpu.memory_space<vmem>>, vector<16xf32>,
      %broadcast_in_dim3A_172 = arith.constant 0.000000e+00 : f32
      %broadcast_in_dim3A_173 = vector.broadcast %broadcast_in_dim3A_172 : f32 to vector<16xf32>
      %swap3A_174 = arith.index_cast %add3A_143 : i32 to index
      %swap3A_175 = arith.constant 96 : index
      %swap3A_176 = tpu.vector_load %arg16[%swap3A_174, %swap3A_175] {strides = array<i32>} : memref<64x144xf32, #tpu.memory_space<vmem>>, vector<16xf32>,
      tpu.vector_store %arg16[%swap3A_174, %swap3A_175], %broadcast_in_dim3A_173 {strides = array<i32>} : memref<64x144xf32, #tpu.memory_space<vmem>>, vector<16xf32>,
      %broadcast_in_dim3A_177 = arith.constant 0.000000e+00 : f32
      %broadcast_in_dim3A_178 = vector.broadcast %broadcast_in_dim3A_177 : f32 to vector<16xf32>
      %swap3A_179 = arith.index_cast %add3A_143 : i32 to index
      %swap3A_180 = arith.constant 112 : index
      %swap3A_181 = tpu.vector_load %arg16[%swap3A_179, %swap3A_180] {strides = array<i32>} : memref<64x144xf32, #tpu.memory_space<vmem>>, vector<16xf32>,
      tpu.vector_store %arg16[%swap3A_179, %swap3A_180], %broadcast_in_dim3A_178 {strides = array<i32>} : memref<64x144xf32, #tpu.memory_space<vmem>>, vector<16xf32>,
      %broadcast_in_dim3A_182 = arith.constant 0.000000e+00 : f32
      %broadcast_in_dim3A_183 = vector.broadcast %broadcast_in_dim3A_182 : f32 to vector<16xf32>
      %swap3A_184 = arith.index_cast %add3A_143 : i32 to index
      %swap3A_185 = arith.constant 128 : index
      %swap3A_186 = tpu.vector_load %arg16[%swap3A_184, %swap3A_185] {strides = array<i32>} : memref<64x144xf32, #tpu.memory_space<vmem>>, vector<16xf32>,
      tpu.vector_store %arg16[%swap3A_184, %swap3A_185], %broadcast_in_dim3A_183 {strides = array<i32>} : memref<64x144xf32, #tpu.memory_space<vmem>>, vector<16xf32>,
    }
    %scan3A_11 = arith.constant 64 : i32
    %mul3A_12 = arith.constant 625 : i32
    %mul3A_13 = arith.muli %arg1, %mul3A_12 : i32
    %add3A_14 = arith.constant 0 : i32
    %add3A_15 = arith.addi %mul3A_13, %add3A_14 : i32
    "tpu.region"() ({
      %run_scoped3A = tpu.sem_alloc : memref<!tpu.dma_semaphore, #tpu.memory_space<semaphore_mem>>
      %dma_start3A = arith.constant 0 : i32
      %dma_start3A_139 = arith.constant 0 : i32
      %dma_start3A_140 = tpu.memref_slice %arg16[%dma_start3A, %dma_start3A_139] : memref<64x144xf32, #tpu.memory_space<vmem>> -> memref<64x144xf32, #tpu.memory_space<vmem>>
      %dma_start3A_141 = arith.constant 0 : i32
      %dma_start3A_142 = tpu.memref_slice %arg17[%add3A_15, %dma_start3A_141] : memref<10000x144xf32, #tpu.memory_space<vmem_shared>> -> memref<64x144xf32, #tpu.memory_space<vmem_shared>>
      %dma_start3A_143 = arith.constant 0 : i32
      %dma_start3A_144 = tpu.memref_slice %arg17[%add3A_15, %dma_start3A_143] : memref<10000x144xf32, #tpu.memory_space<vmem_shared>> -> memref<64x144xf32, #tpu.memory_space<vmem_shared>>
      %dma_start3A_145 = arith.constant 0 : i32
      %dma_start3A_146 = arith.constant 0 : i32
      %dma_start3A_147 = tpu.memref_slice %arg16[%dma_start3A_145, %dma_start3A_146] : memref<64x144xf32, #tpu.memory_space<vmem>> -> memref<64x144xf32, #tpu.memory_space<vmem>>
      tpu.enqueue_dma source(%dma_start3A_147 : memref<64x144xf32, #tpu.memory_space<vmem>>) target(%dma_start3A_144 : memref<64x144xf32, #tpu.memory_space<vmem_shared>>) target_semaphore(%run_scoped3A : memref<!tpu.dma_semaphore, #tpu.memory_space<semaphore_mem>>)
      %dma_wait3A = arith.constant 0 : i32
      %dma_wait3A_148 = arith.constant 0 : i32
      %dma_wait3A_149 = tpu.memref_slice %arg16[%dma_wait3A, %dma_wait3A_148] : memref<64x144xf32, #tpu.memory_space<vmem>> -> memref<64x144xf32, #tpu.memory_space<vmem>>
      %dma_wait3A_150 = arith.constant 0 : i32
      %dma_wait3A_151 = tpu.memref_slice %arg17[%add3A_15, %dma_wait3A_150] : memref<10000x144xf32, #tpu.memory_space<vmem_shared>> -> memref<64x144xf32, #tpu.memory_space<vmem_shared>>
      %dma_wait3A_152 = arith.constant 0 : i32
      %dma_wait3A_153 = tpu.memref_slice %arg17[%add3A_15, %dma_wait3A_152] : memref<10000x144xf32, #tpu.memory_space<vmem_shared>> -> memref<64x144xf32, #tpu.memory_space<vmem_shared>>
      %dma_wait3A_154 = arith.constant 0 : i32
      %dma_wait3A_155 = arith.constant 0 : i32
      %dma_wait3A_156 = tpu.memref_slice %arg16[%dma_wait3A_154, %dma_wait3A_155] : memref<64x144xf32, #tpu.memory_space<vmem>> -> memref<64x144xf32, #tpu.memory_space<vmem>>
      tpu.wait_dma2 semaphore(%run_scoped3A : memref<!tpu.dma_semaphore, #tpu.memory_space<semaphore_mem>>) src(%dma_wait3A_156 : memref<64x144xf32, #tpu.memory_space<vmem>>) dst(%dma_wait3A_153 : memref<64x144xf32, #tpu.memory_space<vmem_shared>>)
      tpu.yield
    }) : () -> ()
    %mul3A_16 = arith.constant 625 : i32
    %mul3A_17 = arith.muli %arg1, %mul3A_16 : i32
    %add3A_18 = arith.constant 64 : i32
    %add3A_19 = arith.addi %mul3A_17, %add3A_18 : i32
    "tpu.region"() ({
      %run_scoped3A = tpu.sem_alloc : memref<!tpu.dma_semaphore, #tpu.memory_space<semaphore_mem>>
      %dma_start3A = arith.constant 0 : i32
      %dma_start3A_139 = arith.constant 0 : i32
      %dma_start3A_140 = tpu.memref_slice %arg16[%dma_start3A, %dma_start3A_139] : memref<64x144xf32, #tpu.memory_space<vmem>> -> memref<64x144xf32, #tpu.memory_space<vmem>>
      %dma_start3A_141 = arith.constant 0 : i32
      %dma_start3A_142 = tpu.memref_slice %arg17[%add3A_19, %dma_start3A_141] : memref<10000x144xf32, #tpu.memory_space<vmem_shared>> -> memref<64x144xf32, #tpu.memory_space<vmem_shared>>
      %dma_start3A_143 = arith.constant 0 : i32
      %dma_start3A_144 = tpu.memref_slice %arg17[%add3A_19, %dma_start3A_143] : memref<10000x144xf32, #tpu.memory_space<vmem_shared>> -> memref<64x144xf32, #tpu.memory_space<vmem_shared>>
      %dma_start3A_145 = arith.constant 0 : i32
      %dma_start3A_146 = arith.constant 0 : i32
      %dma_start3A_147 = tpu.memref_slice %arg16[%dma_start3A_145, %dma_start3A_146] : memref<64x144xf32, #tpu.memory_space<vmem>> -> memref<64x144xf32, #tpu.memory_space<vmem>>
      tpu.enqueue_dma source(%dma_start3A_147 : memref<64x144xf32, #tpu.memory_space<vmem>>) target(%dma_start3A_144 : memref<64x144xf32, #tpu.memory_space<vmem_shared>>) target_semaphore(%run_scoped3A : memref<!tpu.dma_semaphore, #tpu.memory_space<semaphore_mem>>)
      %dma_wait3A = arith.constant 0 : i32
      %dma_wait3A_148 = arith.constant 0 : i32
      %dma_wait3A_149 = tpu.memref_slice %arg16[%dma_wait3A, %dma_wait3A_148] : memref<64x144xf32, #tpu.memory_space<vmem>> -> memref<64x144xf32, #tpu.memory_space<vmem>>
      %dma_wait3A_150 = arith.constant 0 : i32
      %dma_wait3A_151 = tpu.memref_slice %arg17[%add3A_19, %dma_wait3A_150] : memref<10000x144xf32, #tpu.memory_space<vmem_shared>> -> memref<64x144xf32, #tpu.memory_space<vmem_shared>>
      %dma_wait3A_152 = arith.constant 0 : i32
      %dma_wait3A_153 = tpu.memref_slice %arg17[%add3A_19, %dma_wait3A_152] : memref<10000x144xf32, #tpu.memory_space<vmem_shared>> -> memref<64x144xf32, #tpu.memory_space<vmem_shared>>
      %dma_wait3A_154 = arith.constant 0 : i32
      %dma_wait3A_155 = arith.constant 0 : i32
      %dma_wait3A_156 = tpu.memref_slice %arg16[%dma_wait3A_154, %dma_wait3A_155] : memref<64x144xf32, #tpu.memory_space<vmem>> -> memref<64x144xf32, #tpu.memory_space<vmem>>
      tpu.wait_dma2 semaphore(%run_scoped3A : memref<!tpu.dma_semaphore, #tpu.memory_space<semaphore_mem>>) src(%dma_wait3A_156 : memref<64x144xf32, #tpu.memory_space<vmem>>) dst(%dma_wait3A_153 : memref<64x144xf32, #tpu.memory_space<vmem_shared>>)
      tpu.yield
    }) : () -> ()
    %mul3A_20 = arith.constant 625 : i32
    %mul3A_21 = arith.muli %arg1, %mul3A_20 : i32
    %add3A_22 = arith.constant 128 : i32
    %add3A_23 = arith.addi %mul3A_21, %add3A_22 : i32
    "tpu.region"() ({
      %run_scoped3A = tpu.sem_alloc : memref<!tpu.dma_semaphore, #tpu.memory_space<semaphore_mem>>
      %dma_start3A = arith.constant 0 : i32
      %dma_start3A_139 = arith.constant 0 : i32
      %dma_start3A_140 = tpu.memref_slice %arg16[%dma_start3A, %dma_start3A_139] : memref<64x144xf32, #tpu.memory_space<vmem>> -> memref<64x144xf32, #tpu.memory_space<vmem>>
      %dma_start3A_141 = arith.constant 0 : i32
      %dma_start3A_142 = tpu.memref_slice %arg17[%add3A_23, %dma_start3A_141] : memref<10000x144xf32, #tpu.memory_space<vmem_shared>> -> memref<64x144xf32, #tpu.memory_space<vmem_shared>>
      %dma_start3A_143 = arith.constant 0 : i32
      %dma_start3A_144 = tpu.memref_slice %arg17[%add3A_23, %dma_start3A_143] : memref<10000x144xf32, #tpu.memory_space<vmem_shared>> -> memref<64x144xf32, #tpu.memory_space<vmem_shared>>
      %dma_start3A_145 = arith.constant 0 : i32
      %dma_start3A_146 = arith.constant 0 : i32
      %dma_start3A_147 = tpu.memref_slice %arg16[%dma_start3A_145, %dma_start3A_146] : memref<64x144xf32, #tpu.memory_space<vmem>> -> memref<64x144xf32, #tpu.memory_space<vmem>>
      tpu.enqueue_dma source(%dma_start3A_147 : memref<64x144xf32, #tpu.memory_space<vmem>>) target(%dma_start3A_144 : memref<64x144xf32, #tpu.memory_space<vmem_shared>>) target_semaphore(%run_scoped3A : memref<!tpu.dma_semaphore, #tpu.memory_space<semaphore_mem>>)
      %dma_wait3A = arith.constant 0 : i32
      %dma_wait3A_148 = arith.constant 0 : i32
      %dma_wait3A_149 = tpu.memref_slice %arg16[%dma_wait3A, %dma_wait3A_148] : memref<64x144xf32, #tpu.memory_space<vmem>> -> memref<64x144xf32, #tpu.memory_space<vmem>>
      %dma_wait3A_150 = arith.constant 0 : i32
      %dma_wait3A_151 = tpu.memref_slice %arg17[%add3A_23, %dma_wait3A_150] : memref<10000x144xf32, #tpu.memory_space<vmem_shared>> -> memref<64x144xf32, #tpu.memory_space<vmem_shared>>
      %dma_wait3A_152 = arith.constant 0 : i32
      %dma_wait3A_153 = tpu.memref_slice %arg17[%add3A_23, %dma_wait3A_152] : memref<10000x144xf32, #tpu.memory_space<vmem_shared>> -> memref<64x144xf32, #tpu.memory_space<vmem_shared>>
      %dma_wait3A_154 = arith.constant 0 : i32
      %dma_wait3A_155 = arith.constant 0 : i32
      %dma_wait3A_156 = tpu.memref_slice %arg16[%dma_wait3A_154, %dma_wait3A_155] : memref<64x144xf32, #tpu.memory_space<vmem>> -> memref<64x144xf32, #tpu.memory_space<vmem>>
      tpu.wait_dma2 semaphore(%run_scoped3A : memref<!tpu.dma_semaphore, #tpu.memory_space<semaphore_mem>>) src(%dma_wait3A_156 : memref<64x144xf32, #tpu.memory_space<vmem>>) dst(%dma_wait3A_153 : memref<64x144xf32, #tpu.memory_space<vmem_shared>>)
      tpu.yield
    }) : () -> ()
    %mul3A_24 = arith.constant 625 : i32
    %mul3A_25 = arith.muli %arg1, %mul3A_24 : i32
    %add3A_26 = arith.constant 192 : i32
    %add3A_27 = arith.addi %mul3A_25, %add3A_26 : i32
    "tpu.region"() ({
      %run_scoped3A = tpu.sem_alloc : memref<!tpu.dma_semaphore, #tpu.memory_space<semaphore_mem>>
      %dma_start3A = arith.constant 0 : i32
      %dma_start3A_139 = arith.constant 0 : i32
      %dma_start3A_140 = tpu.memref_slice %arg16[%dma_start3A, %dma_start3A_139] : memref<64x144xf32, #tpu.memory_space<vmem>> -> memref<64x144xf32, #tpu.memory_space<vmem>>
      %dma_start3A_141 = arith.constant 0 : i32
      %dma_start3A_142 = tpu.memref_slice %arg17[%add3A_27, %dma_start3A_141] : memref<10000x144xf32, #tpu.memory_space<vmem_shared>> -> memref<64x144xf32, #tpu.memory_space<vmem_shared>>
      %dma_start3A_143 = arith.constant 0 : i32
      %dma_start3A_144 = tpu.memref_slice %arg17[%add3A_27, %dma_start3A_143] : memref<10000x144xf32, #tpu.memory_space<vmem_shared>> -> memref<64x144xf32, #tpu.memory_space<vmem_shared>>
      %dma_start3A_145 = arith.constant 0 : i32
      %dma_start3A_146 = arith.constant 0 : i32
      %dma_start3A_147 = tpu.memref_slice %arg16[%dma_start3A_145, %dma_start3A_146] : memref<64x144xf32, #tpu.memory_space<vmem>> -> memref<64x144xf32, #tpu.memory_space<vmem>>
      tpu.enqueue_dma source(%dma_start3A_147 : memref<64x144xf32, #tpu.memory_space<vmem>>) target(%dma_start3A_144 : memref<64x144xf32, #tpu.memory_space<vmem_shared>>) target_semaphore(%run_scoped3A : memref<!tpu.dma_semaphore, #tpu.memory_space<semaphore_mem>>)
      %dma_wait3A = arith.constant 0 : i32
      %dma_wait3A_148 = arith.constant 0 : i32
      %dma_wait3A_149 = tpu.memref_slice %arg16[%dma_wait3A, %dma_wait3A_148] : memref<64x144xf32, #tpu.memory_space<vmem>> -> memref<64x144xf32, #tpu.memory_space<vmem>>
      %dma_wait3A_150 = arith.constant 0 : i32
      %dma_wait3A_151 = tpu.memref_slice %arg17[%add3A_27, %dma_wait3A_150] : memref<10000x144xf32, #tpu.memory_space<vmem_shared>> -> memref<64x144xf32, #tpu.memory_space<vmem_shared>>
      %dma_wait3A_152 = arith.constant 0 : i32
      %dma_wait3A_153 = tpu.memref_slice %arg17[%add3A_27, %dma_wait3A_152] : memref<10000x144xf32, #tpu.memory_space<vmem_shared>> -> memref<64x144xf32, #tpu.memory_space<vmem_shared>>
      %dma_wait3A_154 = arith.constant 0 : i32
      %dma_wait3A_155 = arith.constant 0 : i32
      %dma_wait3A_156 = tpu.memref_slice %arg16[%dma_wait3A_154, %dma_wait3A_155] : memref<64x144xf32, #tpu.memory_space<vmem>> -> memref<64x144xf32, #tpu.memory_space<vmem>>
      tpu.wait_dma2 semaphore(%run_scoped3A : memref<!tpu.dma_semaphore, #tpu.memory_space<semaphore_mem>>) src(%dma_wait3A_156 : memref<64x144xf32, #tpu.memory_space<vmem>>) dst(%dma_wait3A_153 : memref<64x144xf32, #tpu.memory_space<vmem_shared>>)
      tpu.yield
    }) : () -> ()
    %mul3A_28 = arith.constant 625 : i32
    %mul3A_29 = arith.muli %arg1, %mul3A_28 : i32
    %add3A_30 = arith.constant 256 : i32
    %add3A_31 = arith.addi %mul3A_29, %add3A_30 : i32
    "tpu.region"() ({
      %run_scoped3A = tpu.sem_alloc : memref<!tpu.dma_semaphore, #tpu.memory_space<semaphore_mem>>
      %dma_start3A = arith.constant 0 : i32
      %dma_start3A_139 = arith.constant 0 : i32
      %dma_start3A_140 = tpu.memref_slice %arg16[%dma_start3A, %dma_start3A_139] : memref<64x144xf32, #tpu.memory_space<vmem>> -> memref<64x144xf32, #tpu.memory_space<vmem>>
      %dma_start3A_141 = arith.constant 0 : i32
      %dma_start3A_142 = tpu.memref_slice %arg17[%add3A_31, %dma_start3A_141] : memref<10000x144xf32, #tpu.memory_space<vmem_shared>> -> memref<64x144xf32, #tpu.memory_space<vmem_shared>>
      %dma_start3A_143 = arith.constant 0 : i32
      %dma_start3A_144 = tpu.memref_slice %arg17[%add3A_31, %dma_start3A_143] : memref<10000x144xf32, #tpu.memory_space<vmem_shared>> -> memref<64x144xf32, #tpu.memory_space<vmem_shared>>
      %dma_start3A_145 = arith.constant 0 : i32
      %dma_start3A_146 = arith.constant 0 : i32
      %dma_start3A_147 = tpu.memref_slice %arg16[%dma_start3A_145, %dma_start3A_146] : memref<64x144xf32, #tpu.memory_space<vmem>> -> memref<64x144xf32, #tpu.memory_space<vmem>>
      tpu.enqueue_dma source(%dma_start3A_147 : memref<64x144xf32, #tpu.memory_space<vmem>>) target(%dma_start3A_144 : memref<64x144xf32, #tpu.memory_space<vmem_shared>>) target_semaphore(%run_scoped3A : memref<!tpu.dma_semaphore, #tpu.memory_space<semaphore_mem>>)
      %dma_wait3A = arith.constant 0 : i32
      %dma_wait3A_148 = arith.constant 0 : i32
      %dma_wait3A_149 = tpu.memref_slice %arg16[%dma_wait3A, %dma_wait3A_148] : memref<64x144xf32, #tpu.memory_space<vmem>> -> memref<64x144xf32, #tpu.memory_space<vmem>>
      %dma_wait3A_150 = arith.constant 0 : i32
      %dma_wait3A_151 = tpu.memref_slice %arg17[%add3A_31, %dma_wait3A_150] : memref<10000x144xf32, #tpu.memory_space<vmem_shared>> -> memref<64x144xf32, #tpu.memory_space<vmem_shared>>
      %dma_wait3A_152 = arith.constant 0 : i32
      %dma_wait3A_153 = tpu.memref_slice %arg17[%add3A_31, %dma_wait3A_152] : memref<10000x144xf32, #tpu.memory_space<vmem_shared>> -> memref<64x144xf32, #tpu.memory_space<vmem_shared>>
      %dma_wait3A_154 = arith.constant 0 : i32
      %dma_wait3A_155 = arith.constant 0 : i32
      %dma_wait3A_156 = tpu.memref_slice %arg16[%dma_wait3A_154, %dma_wait3A_155] : memref<64x144xf32, #tpu.memory_space<vmem>> -> memref<64x144xf32, #tpu.memory_space<vmem>>
      tpu.wait_dma2 semaphore(%run_scoped3A : memref<!tpu.dma_semaphore, #tpu.memory_space<semaphore_mem>>) src(%dma_wait3A_156 : memref<64x144xf32, #tpu.memory_space<vmem>>) dst(%dma_wait3A_153 : memref<64x144xf32, #tpu.memory_space<vmem_shared>>)
      tpu.yield
    }) : () -> ()
    %mul3A_32 = arith.constant 625 : i32
    %mul3A_33 = arith.muli %arg1, %mul3A_32 : i32
    %add3A_34 = arith.constant 320 : i32
    %add3A_35 = arith.addi %mul3A_33, %add3A_34 : i32
    "tpu.region"() ({
      %run_scoped3A = tpu.sem_alloc : memref<!tpu.dma_semaphore, #tpu.memory_space<semaphore_mem>>
      %dma_start3A = arith.constant 0 : i32
      %dma_start3A_139 = arith.constant 0 : i32
      %dma_start3A_140 = tpu.memref_slice %arg16[%dma_start3A, %dma_start3A_139] : memref<64x144xf32, #tpu.memory_space<vmem>> -> memref<64x144xf32, #tpu.memory_space<vmem>>
      %dma_start3A_141 = arith.constant 0 : i32
      %dma_start3A_142 = tpu.memref_slice %arg17[%add3A_35, %dma_start3A_141] : memref<10000x144xf32, #tpu.memory_space<vmem_shared>> -> memref<64x144xf32, #tpu.memory_space<vmem_shared>>
      %dma_start3A_143 = arith.constant 0 : i32
      %dma_start3A_144 = tpu.memref_slice %arg17[%add3A_35, %dma_start3A_143] : memref<10000x144xf32, #tpu.memory_space<vmem_shared>> -> memref<64x144xf32, #tpu.memory_space<vmem_shared>>
      %dma_start3A_145 = arith.constant 0 : i32
      %dma_start3A_146 = arith.constant 0 : i32
      %dma_start3A_147 = tpu.memref_slice %arg16[%dma_start3A_145, %dma_start3A_146] : memref<64x144xf32, #tpu.memory_space<vmem>> -> memref<64x144xf32, #tpu.memory_space<vmem>>
      tpu.enqueue_dma source(%dma_start3A_147 : memref<64x144xf32, #tpu.memory_space<vmem>>) target(%dma_start3A_144 : memref<64x144xf32, #tpu.memory_space<vmem_shared>>) target_semaphore(%run_scoped3A : memref<!tpu.dma_semaphore, #tpu.memory_space<semaphore_mem>>)
      %dma_wait3A = arith.constant 0 : i32
      %dma_wait3A_148 = arith.constant 0 : i32
      %dma_wait3A_149 = tpu.memref_slice %arg16[%dma_wait3A, %dma_wait3A_148] : memref<64x144xf32, #tpu.memory_space<vmem>> -> memref<64x144xf32, #tpu.memory_space<vmem>>
      %dma_wait3A_150 = arith.constant 0 : i32
      %dma_wait3A_151 = tpu.memref_slice %arg17[%add3A_35, %dma_wait3A_150] : memref<10000x144xf32, #tpu.memory_space<vmem_shared>> -> memref<64x144xf32, #tpu.memory_space<vmem_shared>>
      %dma_wait3A_152 = arith.constant 0 : i32
      %dma_wait3A_153 = tpu.memref_slice %arg17[%add3A_35, %dma_wait3A_152] : memref<10000x144xf32, #tpu.memory_space<vmem_shared>> -> memref<64x144xf32, #tpu.memory_space<vmem_shared>>
      %dma_wait3A_154 = arith.constant 0 : i32
      %dma_wait3A_155 = arith.constant 0 : i32
      %dma_wait3A_156 = tpu.memref_slice %arg16[%dma_wait3A_154, %dma_wait3A_155] : memref<64x144xf32, #tpu.memory_space<vmem>> -> memref<64x144xf32, #tpu.memory_space<vmem>>
      tpu.wait_dma2 semaphore(%run_scoped3A : memref<!tpu.dma_semaphore, #tpu.memory_space<semaphore_mem>>) src(%dma_wait3A_156 : memref<64x144xf32, #tpu.memory_space<vmem>>) dst(%dma_wait3A_153 : memref<64x144xf32, #tpu.memory_space<vmem_shared>>)
      tpu.yield
    }) : () -> ()
    %mul3A_36 = arith.constant 625 : i32
    %mul3A_37 = arith.muli %arg1, %mul3A_36 : i32
    %add3A_38 = arith.constant 384 : i32
    %add3A_39 = arith.addi %mul3A_37, %add3A_38 : i32
    "tpu.region"() ({
      %run_scoped3A = tpu.sem_alloc : memref<!tpu.dma_semaphore, #tpu.memory_space<semaphore_mem>>
      %dma_start3A = arith.constant 0 : i32
      %dma_start3A_139 = arith.constant 0 : i32
      %dma_start3A_140 = tpu.memref_slice %arg16[%dma_start3A, %dma_start3A_139] : memref<64x144xf32, #tpu.memory_space<vmem>> -> memref<64x144xf32, #tpu.memory_space<vmem>>
      %dma_start3A_141 = arith.constant 0 : i32
      %dma_start3A_142 = tpu.memref_slice %arg17[%add3A_39, %dma_start3A_141] : memref<10000x144xf32, #tpu.memory_space<vmem_shared>> -> memref<64x144xf32, #tpu.memory_space<vmem_shared>>
      %dma_start3A_143 = arith.constant 0 : i32
      %dma_start3A_144 = tpu.memref_slice %arg17[%add3A_39, %dma_start3A_143] : memref<10000x144xf32, #tpu.memory_space<vmem_shared>> -> memref<64x144xf32, #tpu.memory_space<vmem_shared>>
      %dma_start3A_145 = arith.constant 0 : i32
      %dma_start3A_146 = arith.constant 0 : i32
      %dma_start3A_147 = tpu.memref_slice %arg16[%dma_start3A_145, %dma_start3A_146] : memref<64x144xf32, #tpu.memory_space<vmem>> -> memref<64x144xf32, #tpu.memory_space<vmem>>
      tpu.enqueue_dma source(%dma_start3A_147 : memref<64x144xf32, #tpu.memory_space<vmem>>) target(%dma_start3A_144 : memref<64x144xf32, #tpu.memory_space<vmem_shared>>) target_semaphore(%run_scoped3A : memref<!tpu.dma_semaphore, #tpu.memory_space<semaphore_mem>>)
      %dma_wait3A = arith.constant 0 : i32
      %dma_wait3A_148 = arith.constant 0 : i32
      %dma_wait3A_149 = tpu.memref_slice %arg16[%dma_wait3A, %dma_wait3A_148] : memref<64x144xf32, #tpu.memory_space<vmem>> -> memref<64x144xf32, #tpu.memory_space<vmem>>
      %dma_wait3A_150 = arith.constant 0 : i32
      %dma_wait3A_151 = tpu.memref_slice %arg17[%add3A_39, %dma_wait3A_150] : memref<10000x144xf32, #tpu.memory_space<vmem_shared>> -> memref<64x144xf32, #tpu.memory_space<vmem_shared>>
      %dma_wait3A_152 = arith.constant 0 : i32
      %dma_wait3A_153 = tpu.memref_slice %arg17[%add3A_39, %dma_wait3A_152] : memref<10000x144xf32, #tpu.memory_space<vmem_shared>> -> memref<64x144xf32, #tpu.memory_space<vmem_shared>>
      %dma_wait3A_154 = arith.constant 0 : i32
      %dma_wait3A_155 = arith.constant 0 : i32
      %dma_wait3A_156 = tpu.memref_slice %arg16[%dma_wait3A_154, %dma_wait3A_155] : memref<64x144xf32, #tpu.memory_space<vmem>> -> memref<64x144xf32, #tpu.memory_space<vmem>>
      tpu.wait_dma2 semaphore(%run_scoped3A : memref<!tpu.dma_semaphore, #tpu.memory_space<semaphore_mem>>) src(%dma_wait3A_156 : memref<64x144xf32, #tpu.memory_space<vmem>>) dst(%dma_wait3A_153 : memref<64x144xf32, #tpu.memory_space<vmem_shared>>)
      tpu.yield
    }) : () -> ()
    %mul3A_40 = arith.constant 625 : i32
    %mul3A_41 = arith.muli %arg1, %mul3A_40 : i32
    %add3A_42 = arith.constant 448 : i32
    %add3A_43 = arith.addi %mul3A_41, %add3A_42 : i32
    "tpu.region"() ({
      %run_scoped3A = tpu.sem_alloc : memref<!tpu.dma_semaphore, #tpu.memory_space<semaphore_mem>>
      %dma_start3A = arith.constant 0 : i32
      %dma_start3A_139 = arith.constant 0 : i32
      %dma_start3A_140 = tpu.memref_slice %arg16[%dma_start3A, %dma_start3A_139] : memref<64x144xf32, #tpu.memory_space<vmem>> -> memref<64x144xf32, #tpu.memory_space<vmem>>
      %dma_start3A_141 = arith.constant 0 : i32
      %dma_start3A_142 = tpu.memref_slice %arg17[%add3A_43, %dma_start3A_141] : memref<10000x144xf32, #tpu.memory_space<vmem_shared>> -> memref<64x144xf32, #tpu.memory_space<vmem_shared>>
      %dma_start3A_143 = arith.constant 0 : i32
      %dma_start3A_144 = tpu.memref_slice %arg17[%add3A_43, %dma_start3A_143] : memref<10000x144xf32, #tpu.memory_space<vmem_shared>> -> memref<64x144xf32, #tpu.memory_space<vmem_shared>>
      %dma_start3A_145 = arith.constant 0 : i32
      %dma_start3A_146 = arith.constant 0 : i32
      %dma_start3A_147 = tpu.memref_slice %arg16[%dma_start3A_145, %dma_start3A_146] : memref<64x144xf32, #tpu.memory_space<vmem>> -> memref<64x144xf32, #tpu.memory_space<vmem>>
      tpu.enqueue_dma source(%dma_start3A_147 : memref<64x144xf32, #tpu.memory_space<vmem>>) target(%dma_start3A_144 : memref<64x144xf32, #tpu.memory_space<vmem_shared>>) target_semaphore(%run_scoped3A : memref<!tpu.dma_semaphore, #tpu.memory_space<semaphore_mem>>)
      %dma_wait3A = arith.constant 0 : i32
      %dma_wait3A_148 = arith.constant 0 : i32
      %dma_wait3A_149 = tpu.memref_slice %arg16[%dma_wait3A, %dma_wait3A_148] : memref<64x144xf32, #tpu.memory_space<vmem>> -> memref<64x144xf32, #tpu.memory_space<vmem>>
      %dma_wait3A_150 = arith.constant 0 : i32
      %dma_wait3A_151 = tpu.memref_slice %arg17[%add3A_43, %dma_wait3A_150] : memref<10000x144xf32, #tpu.memory_space<vmem_shared>> -> memref<64x144xf32, #tpu.memory_space<vmem_shared>>
      %dma_wait3A_152 = arith.constant 0 : i32
      %dma_wait3A_153 = tpu.memref_slice %arg17[%add3A_43, %dma_wait3A_152] : memref<10000x144xf32, #tpu.memory_space<vmem_shared>> -> memref<64x144xf32, #tpu.memory_space<vmem_shared>>
      %dma_wait3A_154 = arith.constant 0 : i32
      %dma_wait3A_155 = arith.constant 0 : i32
      %dma_wait3A_156 = tpu.memref_slice %arg16[%dma_wait3A_154, %dma_wait3A_155] : memref<64x144xf32, #tpu.memory_space<vmem>> -> memref<64x144xf32, #tpu.memory_space<vmem>>
      tpu.wait_dma2 semaphore(%run_scoped3A : memref<!tpu.dma_semaphore, #tpu.memory_space<semaphore_mem>>) src(%dma_wait3A_156 : memref<64x144xf32, #tpu.memory_space<vmem>>) dst(%dma_wait3A_153 : memref<64x144xf32, #tpu.memory_space<vmem_shared>>)
      tpu.yield
    }) : () -> ()
    %mul3A_44 = arith.constant 625 : i32
    %mul3A_45 = arith.muli %arg1, %mul3A_44 : i32
    %add3A_46 = arith.constant 512 : i32
    %add3A_47 = arith.addi %mul3A_45, %add3A_46 : i32
    "tpu.region"() ({
      %run_scoped3A = tpu.sem_alloc : memref<!tpu.dma_semaphore, #tpu.memory_space<semaphore_mem>>
      %dma_start3A = arith.constant 0 : i32
      %dma_start3A_139 = arith.constant 0 : i32
      %dma_start3A_140 = tpu.memref_slice %arg16[%dma_start3A, %dma_start3A_139] : memref<64x144xf32, #tpu.memory_space<vmem>> -> memref<64x144xf32, #tpu.memory_space<vmem>>
      %dma_start3A_141 = arith.constant 0 : i32
      %dma_start3A_142 = tpu.memref_slice %arg17[%add3A_47, %dma_start3A_141] : memref<10000x144xf32, #tpu.memory_space<vmem_shared>> -> memref<64x144xf32, #tpu.memory_space<vmem_shared>>
      %dma_start3A_143 = arith.constant 0 : i32
      %dma_start3A_144 = tpu.memref_slice %arg17[%add3A_47, %dma_start3A_143] : memref<10000x144xf32, #tpu.memory_space<vmem_shared>> -> memref<64x144xf32, #tpu.memory_space<vmem_shared>>
      %dma_start3A_145 = arith.constant 0 : i32
      %dma_start3A_146 = arith.constant 0 : i32
      %dma_start3A_147 = tpu.memref_slice %arg16[%dma_start3A_145, %dma_start3A_146] : memref<64x144xf32, #tpu.memory_space<vmem>> -> memref<64x144xf32, #tpu.memory_space<vmem>>
      tpu.enqueue_dma source(%dma_start3A_147 : memref<64x144xf32, #tpu.memory_space<vmem>>) target(%dma_start3A_144 : memref<64x144xf32, #tpu.memory_space<vmem_shared>>) target_semaphore(%run_scoped3A : memref<!tpu.dma_semaphore, #tpu.memory_space<semaphore_mem>>)
      %dma_wait3A = arith.constant 0 : i32
      %dma_wait3A_148 = arith.constant 0 : i32
      %dma_wait3A_149 = tpu.memref_slice %arg16[%dma_wait3A, %dma_wait3A_148] : memref<64x144xf32, #tpu.memory_space<vmem>> -> memref<64x144xf32, #tpu.memory_space<vmem>>
      %dma_wait3A_150 = arith.constant 0 : i32
      %dma_wait3A_151 = tpu.memref_slice %arg17[%add3A_47, %dma_wait3A_150] : memref<10000x144xf32, #tpu.memory_space<vmem_shared>> -> memref<64x144xf32, #tpu.memory_space<vmem_shared>>
      %dma_wait3A_152 = arith.constant 0 : i32
      %dma_wait3A_153 = tpu.memref_slice %arg17[%add3A_47, %dma_wait3A_152] : memref<10000x144xf32, #tpu.memory_space<vmem_shared>> -> memref<64x144xf32, #tpu.memory_space<vmem_shared>>
      %dma_wait3A_154 = arith.constant 0 : i32
      %dma_wait3A_155 = arith.constant 0 : i32
      %dma_wait3A_156 = tpu.memref_slice %arg16[%dma_wait3A_154, %dma_wait3A_155] : memref<64x144xf32, #tpu.memory_space<vmem>> -> memref<64x144xf32, #tpu.memory_space<vmem>>
      tpu.wait_dma2 semaphore(%run_scoped3A : memref<!tpu.dma_semaphore, #tpu.memory_space<semaphore_mem>>) src(%dma_wait3A_156 : memref<64x144xf32, #tpu.memory_space<vmem>>) dst(%dma_wait3A_153 : memref<64x144xf32, #tpu.memory_space<vmem_shared>>)
      tpu.yield
    }) : () -> ()
    %mul3A_48 = arith.constant 625 : i32
    %mul3A_49 = arith.muli %arg1, %mul3A_48 : i32
    %add3A_50 = arith.constant 576 : i32
    %add3A_51 = arith.addi %mul3A_49, %add3A_50 : i32
    "tpu.region"() ({
      %run_scoped3A = tpu.sem_alloc : memref<!tpu.dma_semaphore, #tpu.memory_space<semaphore_mem>>
      %dma_start3A = arith.constant 0 : i32
      %dma_start3A_139 = arith.constant 0 : i32
      %dma_start3A_140 = tpu.memref_slice %arg16[%dma_start3A, %dma_start3A_139] : memref<64x144xf32, #tpu.memory_space<vmem>> -> memref<49x144xf32, #tpu.memory_space<vmem>>
      %dma_start3A_141 = arith.constant 0 : i32
      %dma_start3A_142 = tpu.memref_slice %arg17[%add3A_51, %dma_start3A_141] : memref<10000x144xf32, #tpu.memory_space<vmem_shared>> -> memref<49x144xf32, #tpu.memory_space<vmem_shared>>
      %dma_start3A_143 = arith.constant 0 : i32
      %dma_start3A_144 = tpu.memref_slice %arg17[%add3A_51, %dma_start3A_143] : memref<10000x144xf32, #tpu.memory_space<vmem_shared>> -> memref<49x144xf32, #tpu.memory_space<vmem_shared>>
      %dma_start3A_145 = arith.constant 0 : i32
      %dma_start3A_146 = arith.constant 0 : i32
      %dma_start3A_147 = tpu.memref_slice %arg16[%dma_start3A_145, %dma_start3A_146] : memref<64x144xf32, #tpu.memory_space<vmem>> -> memref<49x144xf32, #tpu.memory_space<vmem>>
      tpu.enqueue_dma source(%dma_start3A_147 : memref<49x144xf32, #tpu.memory_space<vmem>>) target(%dma_start3A_144 : memref<49x144xf32, #tpu.memory_space<vmem_shared>>) target_semaphore(%run_scoped3A : memref<!tpu.dma_semaphore, #tpu.memory_space<semaphore_mem>>)
      %dma_wait3A = arith.constant 0 : i32
      %dma_wait3A_148 = arith.constant 0 : i32
      %dma_wait3A_149 = tpu.memref_slice %arg16[%dma_wait3A, %dma_wait3A_148] : memref<64x144xf32, #tpu.memory_space<vmem>> -> memref<49x144xf32, #tpu.memory_space<vmem>>
      %dma_wait3A_150 = arith.constant 0 : i32
      %dma_wait3A_151 = tpu.memref_slice %arg17[%add3A_51, %dma_wait3A_150] : memref<10000x144xf32, #tpu.memory_space<vmem_shared>> -> memref<49x144xf32, #tpu.memory_space<vmem_shared>>
      %dma_wait3A_152 = arith.constant 0 : i32
      %dma_wait3A_153 = tpu.memref_slice %arg17[%add3A_51, %dma_wait3A_152] : memref<10000x144xf32, #tpu.memory_space<vmem_shared>> -> memref<49x144xf32, #tpu.memory_space<vmem_shared>>
      %dma_wait3A_154 = arith.constant 0 : i32
      %dma_wait3A_155 = arith.constant 0 : i32
      %dma_wait3A_156 = tpu.memref_slice %arg16[%dma_wait3A_154, %dma_wait3A_155] : memref<64x144xf32, #tpu.memory_space<vmem>> -> memref<49x144xf32, #tpu.memory_space<vmem>>
      tpu.wait_dma2 semaphore(%run_scoped3A : memref<!tpu.dma_semaphore, #tpu.memory_space<semaphore_mem>>) src(%dma_wait3A_156 : memref<49x144xf32, #tpu.memory_space<vmem>>) dst(%dma_wait3A_153 : memref<49x144xf32, #tpu.memory_space<vmem_shared>>)
      tpu.yield
    }) : () -> ()
    %barrier3A = arith.constant 0 : index
    tpu.barrier barrier_id(%barrier3A)
    %mul3A_52 = arith.constant 10000 : i32
    %mul3A_53 = arith.muli %add3A_3, %mul3A_52 : i32
    %iota3A = tpu.iota {dimensions = array<i32: 0>} : vector<16xi32>
    %scan3A_54 = arith.constant 0 : i32
    %scan3A_55 = arith.constant 20 : i32
    %scan3A_56 = arith.addi %scan3A_54, %scan3A_55 : i32
    %scan3A_57 = arith.constant 1 : i32
    scf.for %scan3A_139 = %scan3A_54 to %scan3A_56 step %scan3A_57  : i32 {
      %mul3A_140 = arith.constant 1 : i32
      %mul3A_141 = arith.muli %scan3A_139, %mul3A_140 : i32
      %add3A_142 = arith.constant 0 : i32
      %add3A_143 = arith.addi %add3A_142, %mul3A_141 : i32
      %mul3A_144 = arith.constant 1024 : i32
      %mul3A_145 = arith.muli %add3A_143, %mul3A_144 : i32
      %add3A_146 = arith.addi %mul3A_0, %mul3A_145 : i32
      "tpu.region"() ({
        %run_scoped3A = tpu.sem_alloc : memref<!tpu.dma_semaphore, #tpu.memory_space<semaphore_mem>>
        %dma_start3A = tpu.memref_slice %arg5[%add3A_146] : memref<327680xi32, #tpu.memory_space<hbm>> -> memref<1024xi32, #tpu.memory_space<hbm>>
        %dma_start3A_155 = tpu.memref_slice %arg5[%add3A_146] : memref<327680xi32, #tpu.memory_space<hbm>> -> memref<1024xi32, #tpu.memory_space<hbm>>
        tpu.enqueue_dma source(%dma_start3A_155 : memref<1024xi32, #tpu.memory_space<hbm>>) target(%arg8 : memref<1024xi32, #tpu.memory_space<vmem>>) target_semaphore(%run_scoped3A : memref<!tpu.dma_semaphore, #tpu.memory_space<semaphore_mem>>)
        %dma_wait3A = tpu.memref_slice %arg5[%add3A_146] : memref<327680xi32, #tpu.memory_space<hbm>> -> memref<1024xi32, #tpu.memory_space<hbm>>
        %dma_wait3A_156 = tpu.memref_slice %arg5[%add3A_146] : memref<327680xi32, #tpu.memory_space<hbm>> -> memref<1024xi32, #tpu.memory_space<hbm>>
        tpu.wait_dma2 semaphore(%run_scoped3A : memref<!tpu.dma_semaphore, #tpu.memory_space<semaphore_mem>>) src(%dma_wait3A_156 : memref<1024xi32, #tpu.memory_space<hbm>>) dst(%arg8 : memref<1024xi32, #tpu.memory_space<vmem>>)
        tpu.yield
      }) : () -> ()
      %mul3A_147 = arith.constant 1024 : i32
      %mul3A_148 = arith.muli %add3A_143, %mul3A_147 : i32
      %add3A_149 = arith.addi %mul3A_0, %mul3A_148 : i32
      "tpu.region"() ({
        %run_scoped3A = tpu.sem_alloc : memref<!tpu.dma_semaphore, #tpu.memory_space<semaphore_mem>>
        %dma_start3A = tpu.memref_slice %arg6[%add3A_149] : memref<327680xi32, #tpu.memory_space<hbm>> -> memref<1024xi32, #tpu.memory_space<hbm>>
        %dma_start3A_155 = tpu.memref_slice %arg6[%add3A_149] : memref<327680xi32, #tpu.memory_space<hbm>> -> memref<1024xi32, #tpu.memory_space<hbm>>
        tpu.enqueue_dma source(%dma_start3A_155 : memref<1024xi32, #tpu.memory_space<hbm>>) target(%arg9 : memref<1024xi32, #tpu.memory_space<vmem>>) target_semaphore(%run_scoped3A : memref<!tpu.dma_semaphore, #tpu.memory_space<semaphore_mem>>)
        %dma_wait3A = tpu.memref_slice %arg6[%add3A_149] : memref<327680xi32, #tpu.memory_space<hbm>> -> memref<1024xi32, #tpu.memory_space<hbm>>
        %dma_wait3A_156 = tpu.memref_slice %arg6[%add3A_149] : memref<327680xi32, #tpu.memory_space<hbm>> -> memref<1024xi32, #tpu.memory_space<hbm>>
        tpu.wait_dma2 semaphore(%run_scoped3A : memref<!tpu.dma_semaphore, #tpu.memory_space<semaphore_mem>>) src(%dma_wait3A_156 : memref<1024xi32, #tpu.memory_space<hbm>>) dst(%arg9 : memref<1024xi32, #tpu.memory_space<vmem>>)
        tpu.yield
      }) : () -> ()
      %scan3A_150 = arith.constant 0 : i32
      %scan3A_151 = arith.constant 16 : i32
      %scan3A_152 = arith.addi %scan3A_150, %scan3A_151 : i32
      %scan3A_153 = arith.constant 1 : i32
      scf.for %scan3A_155 = %scan3A_150 to %scan3A_152 step %scan3A_153  : i32 {
        %mul3A_156 = arith.constant 1 : i32
        %mul3A_157 = arith.muli %scan3A_155, %mul3A_156 : i32
        %add3A_158 = arith.constant 0 : i32
        %add3A_159 = arith.addi %add3A_158, %mul3A_157 : i32
        %mul3A_160 = arith.constant 64 : i32
        %mul3A_161 = arith.muli %add3A_159, %mul3A_160 : i32
        %mul3A_162 = arith.constant 1024 : i32
        %mul3A_163 = arith.muli %add3A_143, %mul3A_162 : i32
        %mul3A_164 = arith.constant 64 : i32
        %mul3A_165 = arith.muli %add3A_159, %mul3A_164 : i32
        %add3A_166 = arith.addi %mul3A_163, %mul3A_165 : i32
        %add3A_167 = arith.constant 0 : i32
        %add3A_168 = arith.addi %mul3A_161, %add3A_167 : i32
        %add3A_169 = arith.constant 0 : i32
        %add3A_170 = arith.addi %add3A_166, %add3A_169 : i32
        %add3A_171 = vector.broadcast %add3A_170 : i32 to vector<16xi32>
        %add3A_172 = arith.addi %add3A_171, %iota3A : vector<16xi32>
        %lt3A = arith.constant 20000 : i32
        %lt3A_173 = vector.broadcast %lt3A : i32 to vector<16xi32>
        %lt3A_174 = arith.cmpi slt, %add3A_172, %lt3A_173 : vector<16xi32>
        %get3A = arith.index_cast %add3A_168 : i32 to index
        %get3A_175 = tpu.vector_load %arg8[%get3A] {strides = array<i32>} : memref<1024xi32, #tpu.memory_space<vmem>>, vector<16xi32>,
        %jit3A = arith.constant 0 : i32
        %broadcast_in_dim3A = vector.broadcast %jit3A : i32 to vector<16xi32>
        %select_n3A = arith.select %lt3A_174, %get3A_175, %broadcast_in_dim3A : vector<16xi1>, vector<16xi32>
        %get3A_176 = arith.index_cast %add3A_168 : i32 to index
        %get3A_177 = tpu.vector_load %arg9[%get3A_176] {strides = array<i32>} : memref<1024xi32, #tpu.memory_space<vmem>>, vector<16xi32>,
        %jit3A_178 = arith.constant 0 : i32
        %broadcast_in_dim3A_179 = vector.broadcast %jit3A_178 : i32 to vector<16xi32>
        %select_n3A_180 = arith.select %lt3A_174, %get3A_177, %broadcast_in_dim3A_179 : vector<16xi1>, vector<16xi32>
        %gather3A = tpu.vector_load_idx %arg10[%select_n3A] : memref<10000xf32, #tpu.memory_space<vmem>>[vector<16xi32>], vector<16xf32>,
        %gather3A_181 = tpu.vector_load_idx %arg11[%select_n3A_180] : memref<10000xf32, #tpu.memory_space<vmem>>[vector<16xi32>], vector<16xf32>,
        %add3A_182 = arith.addf %gather3A, %gather3A_181 : vector<16xf32>
        %lt3A_183 = arith.constant 0.000000e+00 : f32
        %lt3A_184 = vector.broadcast %lt3A_183 : f32 to vector<16xf32>
        %lt3A_185 = arith.cmpf olt, %add3A_182, %lt3A_184 : vector<16xf32>
        %mul3A_186 = arith.constant 2.000000e-01 : f32
        %mul3A_187 = vector.broadcast %mul3A_186 : f32 to vector<16xf32>
        %mul3A_188 = arith.mulf %add3A_182, %mul3A_187 : vector<16xf32>
        %select_n3A_189 = arith.select %lt3A_185, %mul3A_188, %add3A_182 : vector<16xi1>, vector<16xf32>
        %exp3A = math.exp %select_n3A_189 : vector<16xf32>
        %jit3A_190 = arith.constant 0.000000e+00 : f32
        %broadcast_in_dim3A_191 = vector.broadcast %jit3A_190 : f32 to vector<16xf32>
        %select_n3A_192 = arith.select %lt3A_174, %exp3A, %broadcast_in_dim3A_191 : vector<16xi1>, vector<16xf32>
        %add3A_193 = vector.broadcast %mul3A_53 : i32 to vector<16xi32>
        %add3A_194 = arith.addi %select_n3A, %add3A_193 : vector<16xi32>
        %swap3A = arith.constant 0 : index
        %swap3A_195 = tpu.vector_load %arg12[%swap3A] {strides = array<i32>} : memref<64xi32, #tpu.memory_space<vmem>>, vector<16xi32>,
        tpu.vector_store %arg12[%swap3A], %add3A_194 {strides = array<i32>} : memref<64xi32, #tpu.memory_space<vmem>>, vector<16xi32>,
        %swap3A_196 = arith.constant 0 : index
        %swap3A_197 = tpu.vector_load %arg13[%swap3A_196] {strides = array<i32>} : memref<64xi32, #tpu.memory_space<vmem>>, vector<16xi32>,
        tpu.vector_store %arg13[%swap3A_196], %select_n3A_180 {strides = array<i32>} : memref<64xi32, #tpu.memory_space<vmem>>, vector<16xi32>,
        %swap3A_198 = arith.constant 0 : index
        %swap3A_199 = tpu.vector_load %arg14[%swap3A_198] {strides = array<i32>} : memref<64xf32, #tpu.memory_space<vmem>>, vector<16xf32>,
        tpu.vector_store %arg14[%swap3A_198], %select_n3A_192 {strides = array<i32>} : memref<64xf32, #tpu.memory_space<vmem>>, vector<16xf32>,
        %add3A_200 = arith.constant 16 : i32
        %add3A_201 = arith.addi %mul3A_161, %add3A_200 : i32
        %add3A_202 = arith.constant 16 : i32
        %add3A_203 = arith.addi %add3A_166, %add3A_202 : i32
        %add3A_204 = vector.broadcast %add3A_203 : i32 to vector<16xi32>
        %add3A_205 = arith.addi %add3A_204, %iota3A : vector<16xi32>
        %lt3A_206 = arith.constant 20000 : i32
        %lt3A_207 = vector.broadcast %lt3A_206 : i32 to vector<16xi32>
        %lt3A_208 = arith.cmpi slt, %add3A_205, %lt3A_207 : vector<16xi32>
        %get3A_209 = arith.index_cast %add3A_201 : i32 to index
        %get3A_210 = tpu.vector_load %arg8[%get3A_209] {strides = array<i32>} : memref<1024xi32, #tpu.memory_space<vmem>>, vector<16xi32>,
        %jit3A_211 = arith.constant 0 : i32
        %broadcast_in_dim3A_212 = vector.broadcast %jit3A_211 : i32 to vector<16xi32>
        %select_n3A_213 = arith.select %lt3A_208, %get3A_210, %broadcast_in_dim3A_212 : vector<16xi1>, vector<16xi32>
        %get3A_214 = arith.index_cast %add3A_201 : i32 to index
        %get3A_215 = tpu.vector_load %arg9[%get3A_214] {strides = array<i32>} : memref<1024xi32, #tpu.memory_space<vmem>>, vector<16xi32>,
        %jit3A_216 = arith.constant 0 : i32
        %broadcast_in_dim3A_217 = vector.broadcast %jit3A_216 : i32 to vector<16xi32>
        %select_n3A_218 = arith.select %lt3A_208, %get3A_215, %broadcast_in_dim3A_217 : vector<16xi1>, vector<16xi32>
        %gather3A_219 = tpu.vector_load_idx %arg10[%select_n3A_213] : memref<10000xf32, #tpu.memory_space<vmem>>[vector<16xi32>], vector<16xf32>,
        %gather3A_220 = tpu.vector_load_idx %arg11[%select_n3A_218] : memref<10000xf32, #tpu.memory_space<vmem>>[vector<16xi32>], vector<16xf32>,
        %add3A_221 = arith.addf %gather3A_219, %gather3A_220 : vector<16xf32>
        %lt3A_222 = arith.constant 0.000000e+00 : f32
        %lt3A_223 = vector.broadcast %lt3A_222 : f32 to vector<16xf32>
        %lt3A_224 = arith.cmpf olt, %add3A_221, %lt3A_223 : vector<16xf32>
        %mul3A_225 = arith.constant 2.000000e-01 : f32
        %mul3A_226 = vector.broadcast %mul3A_225 : f32 to vector<16xf32>
        %mul3A_227 = arith.mulf %add3A_221, %mul3A_226 : vector<16xf32>
        %select_n3A_228 = arith.select %lt3A_224, %mul3A_227, %add3A_221 : vector<16xi1>, vector<16xf32>
        %exp3A_229 = math.exp %select_n3A_228 : vector<16xf32>
        %jit3A_230 = arith.constant 0.000000e+00 : f32
        %broadcast_in_dim3A_231 = vector.broadcast %jit3A_230 : f32 to vector<16xf32>
        %select_n3A_232 = arith.select %lt3A_208, %exp3A_229, %broadcast_in_dim3A_231 : vector<16xi1>, vector<16xf32>
        %add3A_233 = vector.broadcast %mul3A_53 : i32 to vector<16xi32>
        %add3A_234 = arith.addi %select_n3A_213, %add3A_233 : vector<16xi32>
        %swap3A_235 = arith.constant 16 : index
        %swap3A_236 = tpu.vector_load %arg12[%swap3A_235] {strides = array<i32>} : memref<64xi32, #tpu.memory_space<vmem>>, vector<16xi32>,
        tpu.vector_store %arg12[%swap3A_235], %add3A_234 {strides = array<i32>} : memref<64xi32, #tpu.memory_space<vmem>>, vector<16xi32>,
        %swap3A_237 = arith.constant 16 : index
        %swap3A_238 = tpu.vector_load %arg13[%swap3A_237] {strides = array<i32>} : memref<64xi32, #tpu.memory_space<vmem>>, vector<16xi32>,
        tpu.vector_store %arg13[%swap3A_237], %select_n3A_218 {strides = array<i32>} : memref<64xi32, #tpu.memory_space<vmem>>, vector<16xi32>,
        %swap3A_239 = arith.constant 16 : index
        %swap3A_240 = tpu.vector_load %arg14[%swap3A_239] {strides = array<i32>} : memref<64xf32, #tpu.memory_space<vmem>>, vector<16xf32>,
        tpu.vector_store %arg14[%swap3A_239], %select_n3A_232 {strides = array<i32>} : memref<64xf32, #tpu.memory_space<vmem>>, vector<16xf32>,
        %add3A_241 = arith.constant 32 : i32
        %add3A_242 = arith.addi %mul3A_161, %add3A_241 : i32
        %add3A_243 = arith.constant 32 : i32
        %add3A_244 = arith.addi %add3A_166, %add3A_243 : i32
        %add3A_245 = vector.broadcast %add3A_244 : i32 to vector<16xi32>
        %add3A_246 = arith.addi %add3A_245, %iota3A : vector<16xi32>
        %lt3A_247 = arith.constant 20000 : i32
        %lt3A_248 = vector.broadcast %lt3A_247 : i32 to vector<16xi32>
        %lt3A_249 = arith.cmpi slt, %add3A_246, %lt3A_248 : vector<16xi32>
        %get3A_250 = arith.index_cast %add3A_242 : i32 to index
        %get3A_251 = tpu.vector_load %arg8[%get3A_250] {strides = array<i32>} : memref<1024xi32, #tpu.memory_space<vmem>>, vector<16xi32>,
        %jit3A_252 = arith.constant 0 : i32
        %broadcast_in_dim3A_253 = vector.broadcast %jit3A_252 : i32 to vector<16xi32>
        %select_n3A_254 = arith.select %lt3A_249, %get3A_251, %broadcast_in_dim3A_253 : vector<16xi1>, vector<16xi32>
        %get3A_255 = arith.index_cast %add3A_242 : i32 to index
        %get3A_256 = tpu.vector_load %arg9[%get3A_255] {strides = array<i32>} : memref<1024xi32, #tpu.memory_space<vmem>>, vector<16xi32>,
        %jit3A_257 = arith.constant 0 : i32
        %broadcast_in_dim3A_258 = vector.broadcast %jit3A_257 : i32 to vector<16xi32>
        %select_n3A_259 = arith.select %lt3A_249, %get3A_256, %broadcast_in_dim3A_258 : vector<16xi1>, vector<16xi32>
        %gather3A_260 = tpu.vector_load_idx %arg10[%select_n3A_254] : memref<10000xf32, #tpu.memory_space<vmem>>[vector<16xi32>], vector<16xf32>,
        %gather3A_261 = tpu.vector_load_idx %arg11[%select_n3A_259] : memref<10000xf32, #tpu.memory_space<vmem>>[vector<16xi32>], vector<16xf32>,
        %add3A_262 = arith.addf %gather3A_260, %gather3A_261 : vector<16xf32>
        %lt3A_263 = arith.constant 0.000000e+00 : f32
        %lt3A_264 = vector.broadcast %lt3A_263 : f32 to vector<16xf32>
        %lt3A_265 = arith.cmpf olt, %add3A_262, %lt3A_264 : vector<16xf32>
        %mul3A_266 = arith.constant 2.000000e-01 : f32
        %mul3A_267 = vector.broadcast %mul3A_266 : f32 to vector<16xf32>
        %mul3A_268 = arith.mulf %add3A_262, %mul3A_267 : vector<16xf32>
        %select_n3A_269 = arith.select %lt3A_265, %mul3A_268, %add3A_262 : vector<16xi1>, vector<16xf32>
        %exp3A_270 = math.exp %select_n3A_269 : vector<16xf32>
        %jit3A_271 = arith.constant 0.000000e+00 : f32
        %broadcast_in_dim3A_272 = vector.broadcast %jit3A_271 : f32 to vector<16xf32>
        %select_n3A_273 = arith.select %lt3A_249, %exp3A_270, %broadcast_in_dim3A_272 : vector<16xi1>, vector<16xf32>
        %add3A_274 = vector.broadcast %mul3A_53 : i32 to vector<16xi32>
        %add3A_275 = arith.addi %select_n3A_254, %add3A_274 : vector<16xi32>
        %swap3A_276 = arith.constant 32 : index
        %swap3A_277 = tpu.vector_load %arg12[%swap3A_276] {strides = array<i32>} : memref<64xi32, #tpu.memory_space<vmem>>, vector<16xi32>,
        tpu.vector_store %arg12[%swap3A_276], %add3A_275 {strides = array<i32>} : memref<64xi32, #tpu.memory_space<vmem>>, vector<16xi32>,
        %swap3A_278 = arith.constant 32 : index
        %swap3A_279 = tpu.vector_load %arg13[%swap3A_278] {strides = array<i32>} : memref<64xi32, #tpu.memory_space<vmem>>, vector<16xi32>,
        tpu.vector_store %arg13[%swap3A_278], %select_n3A_259 {strides = array<i32>} : memref<64xi32, #tpu.memory_space<vmem>>, vector<16xi32>,
        %swap3A_280 = arith.constant 32 : index
        %swap3A_281 = tpu.vector_load %arg14[%swap3A_280] {strides = array<i32>} : memref<64xf32, #tpu.memory_space<vmem>>, vector<16xf32>,
        tpu.vector_store %arg14[%swap3A_280], %select_n3A_273 {strides = array<i32>} : memref<64xf32, #tpu.memory_space<vmem>>, vector<16xf32>,
        %add3A_282 = arith.constant 48 : i32
        %add3A_283 = arith.addi %mul3A_161, %add3A_282 : i32
        %add3A_284 = arith.constant 48 : i32
        %add3A_285 = arith.addi %add3A_166, %add3A_284 : i32
        %add3A_286 = vector.broadcast %add3A_285 : i32 to vector<16xi32>
        %add3A_287 = arith.addi %add3A_286, %iota3A : vector<16xi32>
        %lt3A_288 = arith.constant 20000 : i32
        %lt3A_289 = vector.broadcast %lt3A_288 : i32 to vector<16xi32>
        %lt3A_290 = arith.cmpi slt, %add3A_287, %lt3A_289 : vector<16xi32>
        %get3A_291 = arith.index_cast %add3A_283 : i32 to index
        %get3A_292 = tpu.vector_load %arg8[%get3A_291] {strides = array<i32>} : memref<1024xi32, #tpu.memory_space<vmem>>, vector<16xi32>,
        %jit3A_293 = arith.constant 0 : i32
        %broadcast_in_dim3A_294 = vector.broadcast %jit3A_293 : i32 to vector<16xi32>
        %select_n3A_295 = arith.select %lt3A_290, %get3A_292, %broadcast_in_dim3A_294 : vector<16xi1>, vector<16xi32>
        %get3A_296 = arith.index_cast %add3A_283 : i32 to index
        %get3A_297 = tpu.vector_load %arg9[%get3A_296] {strides = array<i32>} : memref<1024xi32, #tpu.memory_space<vmem>>, vector<16xi32>,
        %jit3A_298 = arith.constant 0 : i32
        %broadcast_in_dim3A_299 = vector.broadcast %jit3A_298 : i32 to vector<16xi32>
        %select_n3A_300 = arith.select %lt3A_290, %get3A_297, %broadcast_in_dim3A_299 : vector<16xi1>, vector<16xi32>
        %gather3A_301 = tpu.vector_load_idx %arg10[%select_n3A_295] : memref<10000xf32, #tpu.memory_space<vmem>>[vector<16xi32>], vector<16xf32>,
        %gather3A_302 = tpu.vector_load_idx %arg11[%select_n3A_300] : memref<10000xf32, #tpu.memory_space<vmem>>[vector<16xi32>], vector<16xf32>,
        %add3A_303 = arith.addf %gather3A_301, %gather3A_302 : vector<16xf32>
        %lt3A_304 = arith.constant 0.000000e+00 : f32
        %lt3A_305 = vector.broadcast %lt3A_304 : f32 to vector<16xf32>
        %lt3A_306 = arith.cmpf olt, %add3A_303, %lt3A_305 : vector<16xf32>
        %mul3A_307 = arith.constant 2.000000e-01 : f32
        %mul3A_308 = vector.broadcast %mul3A_307 : f32 to vector<16xf32>
        %mul3A_309 = arith.mulf %add3A_303, %mul3A_308 : vector<16xf32>
        %select_n3A_310 = arith.select %lt3A_306, %mul3A_309, %add3A_303 : vector<16xi1>, vector<16xf32>
        %exp3A_311 = math.exp %select_n3A_310 : vector<16xf32>
        %jit3A_312 = arith.constant 0.000000e+00 : f32
        %broadcast_in_dim3A_313 = vector.broadcast %jit3A_312 : f32 to vector<16xf32>
        %select_n3A_314 = arith.select %lt3A_290, %exp3A_311, %broadcast_in_dim3A_313 : vector<16xi1>, vector<16xf32>
        %add3A_315 = vector.broadcast %mul3A_53 : i32 to vector<16xi32>
        %add3A_316 = arith.addi %select_n3A_295, %add3A_315 : vector<16xi32>
        %swap3A_317 = arith.constant 48 : index
        %swap3A_318 = tpu.vector_load %arg12[%swap3A_317] {strides = array<i32>} : memref<64xi32, #tpu.memory_space<vmem>>, vector<16xi32>,
        tpu.vector_store %arg12[%swap3A_317], %add3A_316 {strides = array<i32>} : memref<64xi32, #tpu.memory_space<vmem>>, vector<16xi32>,
        %swap3A_319 = arith.constant 48 : index
        %swap3A_320 = tpu.vector_load %arg13[%swap3A_319] {strides = array<i32>} : memref<64xi32, #tpu.memory_space<vmem>>, vector<16xi32>,
        tpu.vector_store %arg13[%swap3A_319], %select_n3A_300 {strides = array<i32>} : memref<64xi32, #tpu.memory_space<vmem>>, vector<16xi32>,
        %swap3A_321 = arith.constant 48 : index
        %swap3A_322 = tpu.vector_load %arg14[%swap3A_321] {strides = array<i32>} : memref<64xf32, #tpu.memory_space<vmem>>, vector<16xf32>,
        tpu.vector_store %arg14[%swap3A_321], %select_n3A_314 {strides = array<i32>} : memref<64xf32, #tpu.memory_space<vmem>>, vector<16xf32>,
        %dma_start3A = arith.constant 0 : i32
        %dma_start3A_323 = arith.constant 0 : i32
        %dma_start3A_324 = tpu.memref_slice %arg2[%dma_start3A, %dma_start3A_323] : memref<40000x128xf32, #tpu.memory_space<hbm>> -> memref<40000x128xf32, #tpu.memory_space<hbm>>
        tpu.enqueue_indirect_dma source(%dma_start3A_324 : memref<40000x128xf32, #tpu.memory_space<hbm>>) target(%arg15 : memref<64x128xf32, #tpu.memory_space<vmem>>) offsets(%arg12 : memref<64xi32, #tpu.memory_space<vmem>>) semaphore(%arg18 : memref<!tpu.dma_semaphore, #tpu.memory_space<semaphore_mem>>)
        %dma_wait3A = arith.constant 0 : i32
        %dma_wait3A_325 = arith.constant 0 : i32
        %dma_wait3A_326 = tpu.memref_slice %arg2[%dma_wait3A, %dma_wait3A_325] : memref<40000x128xf32, #tpu.memory_space<hbm>> -> memref<40000x128xf32, #tpu.memory_space<hbm>>
        tpu.wait_indirect_dma semaphore(%arg18 : memref<!tpu.dma_semaphore, #tpu.memory_space<semaphore_mem>>) src(%dma_wait3A_326 : memref<40000x128xf32, #tpu.memory_space<hbm>>) dst(%arg15 : memref<64x128xf32, #tpu.memory_space<vmem>>)
        %scan3A_327 = arith.constant 0 : i32
        %scan3A_328 = arith.constant 64 : i32
        %scan3A_329 = arith.addi %scan3A_327, %scan3A_328 : i32
        %scan3A_330 = arith.constant 1 : i32
        scf.for %scan3A_332 = %scan3A_327 to %scan3A_329 step %scan3A_330  : i32 {
          %mul3A_333 = arith.constant 1 : i32
          %mul3A_334 = arith.muli %scan3A_332, %mul3A_333 : i32
          %add3A_335 = arith.constant 0 : i32
          %add3A_336 = arith.addi %add3A_335, %mul3A_334 : i32
          %mul3A_337 = arith.constant 0 : i32
          %mul3A_338 = vector.broadcast %mul3A_337 : i32 to vector<16xi32>
          %mul3A_339 = arith.muli %iota3A, %mul3A_338 : vector<16xi32>
          %add3A_340 = vector.broadcast %add3A_336 : i32 to vector<16xi32>
          %add3A_341 = arith.addi %mul3A_339, %add3A_340 : vector<16xi32>
          %gather3A_342 = tpu.vector_load_idx %arg14[%add3A_341] : memref<64xf32, #tpu.memory_space<vmem>>[vector<16xi32>], vector<16xf32>,
          %get3A_343 = arith.index_cast %add3A_336 : i32 to index
          %get3A_344 = arith.constant 0 : index
          %get3A_345 = tpu.vector_load %arg15[%get3A_343, %get3A_344] {strides = array<i32>} : memref<64x128xf32, #tpu.memory_space<vmem>>, vector<16xf32>,
          %mul3A_346 = arith.mulf %get3A_345, %gather3A_342 : vector<16xf32>
          %swap3A_347 = arith.index_cast %add3A_336 : i32 to index
          %swap3A_348 = arith.constant 0 : index
          %swap3A_349 = tpu.vector_load %arg16[%swap3A_347, %swap3A_348] {strides = array<i32>} : memref<64x144xf32, #tpu.memory_space<vmem>>, vector<16xf32>,
          tpu.vector_store %arg16[%swap3A_347, %swap3A_348], %mul3A_346 {strides = array<i32>} : memref<64x144xf32, #tpu.memory_space<vmem>>, vector<16xf32>,
          %get3A_350 = arith.index_cast %add3A_336 : i32 to index
          %get3A_351 = arith.constant 16 : index
          %get3A_352 = tpu.vector_load %arg15[%get3A_350, %get3A_351] {strides = array<i32>} : memref<64x128xf32, #tpu.memory_space<vmem>>, vector<16xf32>,
          %mul3A_353 = arith.mulf %get3A_352, %gather3A_342 : vector<16xf32>
          %swap3A_354 = arith.index_cast %add3A_336 : i32 to index
          %swap3A_355 = arith.constant 16 : index
          %swap3A_356 = tpu.vector_load %arg16[%swap3A_354, %swap3A_355] {strides = array<i32>} : memref<64x144xf32, #tpu.memory_space<vmem>>, vector<16xf32>,
          tpu.vector_store %arg16[%swap3A_354, %swap3A_355], %mul3A_353 {strides = array<i32>} : memref<64x144xf32, #tpu.memory_space<vmem>>, vector<16xf32>,
          %get3A_357 = arith.index_cast %add3A_336 : i32 to index
          %get3A_358 = arith.constant 32 : index
          %get3A_359 = tpu.vector_load %arg15[%get3A_357, %get3A_358] {strides = array<i32>} : memref<64x128xf32, #tpu.memory_space<vmem>>, vector<16xf32>,
          %mul3A_360 = arith.mulf %get3A_359, %gather3A_342 : vector<16xf32>
          %swap3A_361 = arith.index_cast %add3A_336 : i32 to index
          %swap3A_362 = arith.constant 32 : index
          %swap3A_363 = tpu.vector_load %arg16[%swap3A_361, %swap3A_362] {strides = array<i32>} : memref<64x144xf32, #tpu.memory_space<vmem>>, vector<16xf32>,
          tpu.vector_store %arg16[%swap3A_361, %swap3A_362], %mul3A_360 {strides = array<i32>} : memref<64x144xf32, #tpu.memory_space<vmem>>, vector<16xf32>,
          %get3A_364 = arith.index_cast %add3A_336 : i32 to index
          %get3A_365 = arith.constant 48 : index
          %get3A_366 = tpu.vector_load %arg15[%get3A_364, %get3A_365] {strides = array<i32>} : memref<64x128xf32, #tpu.memory_space<vmem>>, vector<16xf32>,
          %mul3A_367 = arith.mulf %get3A_366, %gather3A_342 : vector<16xf32>
          %swap3A_368 = arith.index_cast %add3A_336 : i32 to index
          %swap3A_369 = arith.constant 48 : index
          %swap3A_370 = tpu.vector_load %arg16[%swap3A_368, %swap3A_369] {strides = array<i32>} : memref<64x144xf32, #tpu.memory_space<vmem>>, vector<16xf32>,
          tpu.vector_store %arg16[%swap3A_368, %swap3A_369], %mul3A_367 {strides = array<i32>} : memref<64x144xf32, #tpu.memory_space<vmem>>, vector<16xf32>,
          %get3A_371 = arith.index_cast %add3A_336 : i32 to index
          %get3A_372 = arith.constant 64 : index
          %get3A_373 = tpu.vector_load %arg15[%get3A_371, %get3A_372] {strides = array<i32>} : memref<64x128xf32, #tpu.memory_space<vmem>>, vector<16xf32>,
          %mul3A_374 = arith.mulf %get3A_373, %gather3A_342 : vector<16xf32>
          %swap3A_375 = arith.index_cast %add3A_336 : i32 to index
          %swap3A_376 = arith.constant 64 : index
          %swap3A_377 = tpu.vector_load %arg16[%swap3A_375, %swap3A_376] {strides = array<i32>} : memref<64x144xf32, #tpu.memory_space<vmem>>, vector<16xf32>,
          tpu.vector_store %arg16[%swap3A_375, %swap3A_376], %mul3A_374 {strides = array<i32>} : memref<64x144xf32, #tpu.memory_space<vmem>>, vector<16xf32>,
          %get3A_378 = arith.index_cast %add3A_336 : i32 to index
          %get3A_379 = arith.constant 80 : index
          %get3A_380 = tpu.vector_load %arg15[%get3A_378, %get3A_379] {strides = array<i32>} : memref<64x128xf32, #tpu.memory_space<vmem>>, vector<16xf32>,
          %mul3A_381 = arith.mulf %get3A_380, %gather3A_342 : vector<16xf32>
          %swap3A_382 = arith.index_cast %add3A_336 : i32 to index
          %swap3A_383 = arith.constant 80 : index
          %swap3A_384 = tpu.vector_load %arg16[%swap3A_382, %swap3A_383] {strides = array<i32>} : memref<64x144xf32, #tpu.memory_space<vmem>>, vector<16xf32>,
          tpu.vector_store %arg16[%swap3A_382, %swap3A_383], %mul3A_381 {strides = array<i32>} : memref<64x144xf32, #tpu.memory_space<vmem>>, vector<16xf32>,
          %get3A_385 = arith.index_cast %add3A_336 : i32 to index
          %get3A_386 = arith.constant 96 : index
          %get3A_387 = tpu.vector_load %arg15[%get3A_385, %get3A_386] {strides = array<i32>} : memref<64x128xf32, #tpu.memory_space<vmem>>, vector<16xf32>,
          %mul3A_388 = arith.mulf %get3A_387, %gather3A_342 : vector<16xf32>
          %swap3A_389 = arith.index_cast %add3A_336 : i32 to index
          %swap3A_390 = arith.constant 96 : index
          %swap3A_391 = tpu.vector_load %arg16[%swap3A_389, %swap3A_390] {strides = array<i32>} : memref<64x144xf32, #tpu.memory_space<vmem>>, vector<16xf32>,
          tpu.vector_store %arg16[%swap3A_389, %swap3A_390], %mul3A_388 {strides = array<i32>} : memref<64x144xf32, #tpu.memory_space<vmem>>, vector<16xf32>,
          %get3A_392 = arith.index_cast %add3A_336 : i32 to index
          %get3A_393 = arith.constant 112 : index
          %get3A_394 = tpu.vector_load %arg15[%get3A_392, %get3A_393] {strides = array<i32>} : memref<64x128xf32, #tpu.memory_space<vmem>>, vector<16xf32>,
          %mul3A_395 = arith.mulf %get3A_394, %gather3A_342 : vector<16xf32>
          %swap3A_396 = arith.index_cast %add3A_336 : i32 to index
          %swap3A_397 = arith.constant 112 : index
          %swap3A_398 = tpu.vector_load %arg16[%swap3A_396, %swap3A_397] {strides = array<i32>} : memref<64x144xf32, #tpu.memory_space<vmem>>, vector<16xf32>,
          tpu.vector_store %arg16[%swap3A_396, %swap3A_397], %mul3A_395 {strides = array<i32>} : memref<64x144xf32, #tpu.memory_space<vmem>>, vector<16xf32>,
          %broadcast_in_dim3A_399 = arith.constant 0.000000e+00 : f32
          %broadcast_in_dim3A_400 = vector.broadcast %broadcast_in_dim3A_399 : f32 to vector<16xf32>
          %eq3A = arith.constant 0 : i32
          %eq3A_401 = vector.broadcast %eq3A : i32 to vector<16xi32>
          %eq3A_402 = arith.cmpi eq, %iota3A, %eq3A_401 : vector<16xi32>
          %select_n3A_403 = arith.select %eq3A_402, %gather3A_342, %broadcast_in_dim3A_400 : vector<16xi1>, vector<16xf32>
          %swap3A_404 = arith.index_cast %add3A_336 : i32 to index
          %swap3A_405 = arith.constant 128 : index
          %swap3A_406 = tpu.vector_load %arg16[%swap3A_404, %swap3A_405] {strides = array<i32>} : memref<64x144xf32, #tpu.memory_space<vmem>>, vector<16xf32>,
          tpu.vector_store %arg16[%swap3A_404, %swap3A_405], %select_n3A_403 {strides = array<i32>} : memref<64x144xf32, #tpu.memory_space<vmem>>, vector<16xf32>,
        }
        %scan3A_331 = arith.constant 64 : i32
        "tpu.region"() ({
          %run_scoped3A = tpu.sem_alloc : memref<!tpu.dma_semaphore, #tpu.memory_space<semaphore_mem>>
          %dma_start3A_332 = arith.constant 0 : i32
          %dma_start3A_333 = arith.constant 0 : i32
          %dma_start3A_334 = tpu.memref_slice %arg17[%dma_start3A_332, %dma_start3A_333] : memref<10000x144xf32, #tpu.memory_space<vmem_shared>> -> memref<10000x144xf32, #tpu.memory_space<vmem_shared>>
          tpu.enqueue_indirect_dma source(%arg16 : memref<64x144xf32, #tpu.memory_space<vmem>>) target(%dma_start3A_334 : memref<10000x144xf32, #tpu.memory_space<vmem_shared>>) offsets(%arg13 : memref<64xi32, #tpu.memory_space<vmem>>) semaphore(%run_scoped3A : memref<!tpu.dma_semaphore, #tpu.memory_space<semaphore_mem>>) {add = true}
          %dma_wait3A_335 = arith.constant 0 : i32
          %dma_wait3A_336 = arith.constant 0 : i32
          %dma_wait3A_337 = tpu.memref_slice %arg17[%dma_wait3A_335, %dma_wait3A_336] : memref<10000x144xf32, #tpu.memory_space<vmem_shared>> -> memref<10000x144xf32, #tpu.memory_space<vmem_shared>>
          tpu.wait_indirect_dma semaphore(%run_scoped3A : memref<!tpu.dma_semaphore, #tpu.memory_space<semaphore_mem>>) src(%arg16 : memref<64x144xf32, #tpu.memory_space<vmem>>) dst(%dma_wait3A_337 : memref<10000x144xf32, #tpu.memory_space<vmem_shared>>)
          tpu.yield
        }) : () -> ()
      }
      %scan3A_154 = arith.constant 16 : i32
    }
    %scan3A_58 = arith.constant 20 : i32
    %barrier3A_59 = arith.constant 0 : index
    tpu.barrier barrier_id(%barrier3A_59)
    %mul3A_60 = arith.constant 625 : i32
    %mul3A_61 = arith.muli %arg1, %mul3A_60 : i32
    %mul3A_62 = arith.constant 10000 : i32
    %mul3A_63 = arith.muli %add3A_3, %mul3A_62 : i32
    %mul3A_64 = arith.constant 625 : i32
    %mul3A_65 = arith.muli %arg1, %mul3A_64 : i32
    %add3A_66 = arith.addi %mul3A_63, %mul3A_65 : i32
    "tpu.region"() ({
      %run_scoped3A = tpu.sem_alloc : memref<!tpu.dma_semaphore, #tpu.memory_space<semaphore_mem>>
      %dma_start3A = arith.constant 0 : i32
      %dma_start3A_139 = tpu.memref_slice %arg7[%add3A_66, %dma_start3A] : memref<40000x144xf32, #tpu.memory_space<hbm>> -> memref<625x144xf32, #tpu.memory_space<hbm>>
      %dma_start3A_140 = arith.constant 0 : i32
      %dma_start3A_141 = tpu.memref_slice %arg17[%mul3A_61, %dma_start3A_140] : memref<10000x144xf32, #tpu.memory_space<vmem_shared>> -> memref<625x144xf32, #tpu.memory_space<vmem_shared>>
      tpu.enqueue_dma source(%dma_start3A_141 : memref<625x144xf32, #tpu.memory_space<vmem_shared>>) target(%dma_start3A_139 : memref<625x144xf32, #tpu.memory_space<hbm>>) target_semaphore(%run_scoped3A : memref<!tpu.dma_semaphore, #tpu.memory_space<semaphore_mem>>)
      %dma_wait3A = arith.constant 0 : i32
      %dma_wait3A_142 = tpu.memref_slice %arg7[%add3A_66, %dma_wait3A] : memref<40000x144xf32, #tpu.memory_space<hbm>> -> memref<625x144xf32, #tpu.memory_space<hbm>>
      %dma_wait3A_143 = arith.constant 0 : i32
      %dma_wait3A_144 = tpu.memref_slice %arg17[%mul3A_61, %dma_wait3A_143] : memref<10000x144xf32, #tpu.memory_space<vmem_shared>> -> memref<625x144xf32, #tpu.memory_space<vmem_shared>>
      tpu.wait_dma2 semaphore(%run_scoped3A : memref<!tpu.dma_semaphore, #tpu.memory_space<semaphore_mem>>) src(%dma_wait3A_144 : memref<625x144xf32, #tpu.memory_space<vmem_shared>>) dst(%dma_wait3A_142 : memref<625x144xf32, #tpu.memory_space<hbm>>)
      tpu.yield
    }) : () -> ()
    %barrier3A_67 = arith.constant 0 : index
    tpu.barrier barrier_id(%barrier3A_67)
    %mul3A_68 = arith.constant 2 : i32
    %mul3A_69 = arith.muli %arg0, %mul3A_68 : i32
    %add3A_70 = arith.constant 1 : i32
    %add3A_71 = arith.addi %mul3A_69, %add3A_70 : i32
    %mul3A_72 = arith.constant 10000 : i32
    %mul3A_73 = arith.muli %add3A_71, %mul3A_72 : i32
    "tpu.region"() ({
      %run_scoped3A = tpu.sem_alloc : memref<!tpu.dma_semaphore, #tpu.memory_space<semaphore_mem>>
      %dma_start3A = tpu.memref_slice %arg3[%mul3A_73] : memref<40000xf32, #tpu.memory_space<hbm>> -> memref<10000xf32, #tpu.memory_space<hbm>>
      %dma_start3A_139 = tpu.memref_slice %arg3[%mul3A_73] : memref<40000xf32, #tpu.memory_space<hbm>> -> memref<10000xf32, #tpu.memory_space<hbm>>
      tpu.enqueue_dma source(%dma_start3A_139 : memref<10000xf32, #tpu.memory_space<hbm>>) target(%arg10 : memref<10000xf32, #tpu.memory_space<vmem>>) target_semaphore(%run_scoped3A : memref<!tpu.dma_semaphore, #tpu.memory_space<semaphore_mem>>)
      %dma_wait3A = tpu.memref_slice %arg3[%mul3A_73] : memref<40000xf32, #tpu.memory_space<hbm>> -> memref<10000xf32, #tpu.memory_space<hbm>>
      %dma_wait3A_140 = tpu.memref_slice %arg3[%mul3A_73] : memref<40000xf32, #tpu.memory_space<hbm>> -> memref<10000xf32, #tpu.memory_space<hbm>>
      tpu.wait_dma2 semaphore(%run_scoped3A : memref<!tpu.dma_semaphore, #tpu.memory_space<semaphore_mem>>) src(%dma_wait3A_140 : memref<10000xf32, #tpu.memory_space<hbm>>) dst(%arg10 : memref<10000xf32, #tpu.memory_space<vmem>>)
      tpu.yield
    }) : () -> ()
    %mul3A_74 = arith.constant 10000 : i32
    %mul3A_75 = arith.muli %add3A_71, %mul3A_74 : i32
    "tpu.region"() ({
      %run_scoped3A = tpu.sem_alloc : memref<!tpu.dma_semaphore, #tpu.memory_space<semaphore_mem>>
      %dma_start3A = tpu.memref_slice %arg4[%mul3A_75] : memref<40000xf32, #tpu.memory_space<hbm>> -> memref<10000xf32, #tpu.memory_space<hbm>>
      %dma_start3A_139 = tpu.memref_slice %arg4[%mul3A_75] : memref<40000xf32, #tpu.memory_space<hbm>> -> memref<10000xf32, #tpu.memory_space<hbm>>
      tpu.enqueue_dma source(%dma_start3A_139 : memref<10000xf32, #tpu.memory_space<hbm>>) target(%arg11 : memref<10000xf32, #tpu.memory_space<vmem>>) target_semaphore(%run_scoped3A : memref<!tpu.dma_semaphore, #tpu.memory_space<semaphore_mem>>)
      %dma_wait3A = tpu.memref_slice %arg4[%mul3A_75] : memref<40000xf32, #tpu.memory_space<hbm>> -> memref<10000xf32, #tpu.memory_space<hbm>>
      %dma_wait3A_140 = tpu.memref_slice %arg4[%mul3A_75] : memref<40000xf32, #tpu.memory_space<hbm>> -> memref<10000xf32, #tpu.memory_space<hbm>>
      tpu.wait_dma2 semaphore(%run_scoped3A : memref<!tpu.dma_semaphore, #tpu.memory_space<semaphore_mem>>) src(%dma_wait3A_140 : memref<10000xf32, #tpu.memory_space<hbm>>) dst(%arg11 : memref<10000xf32, #tpu.memory_space<vmem>>)
      tpu.yield
    }) : () -> ()
    %scan3A_76 = arith.constant 0 : i32
    %scan3A_77 = arith.constant 64 : i32
    %scan3A_78 = arith.addi %scan3A_76, %scan3A_77 : i32
    %scan3A_79 = arith.constant 1 : i32
    scf.for %scan3A_139 = %scan3A_76 to %scan3A_78 step %scan3A_79  : i32 {
      %mul3A_140 = arith.constant 1 : i32
      %mul3A_141 = arith.muli %scan3A_139, %mul3A_140 : i32
      %add3A_142 = arith.constant 0 : i32
      %add3A_143 = arith.addi %add3A_142, %mul3A_141 : i32
      %broadcast_in_dim3A = arith.constant 0.000000e+00 : f32
      %broadcast_in_dim3A_144 = vector.broadcast %broadcast_in_dim3A : f32 to vector<16xf32>
      %swap3A = arith.index_cast %add3A_143 : i32 to index
      %swap3A_145 = arith.constant 0 : index
      %swap3A_146 = tpu.vector_load %arg16[%swap3A, %swap3A_145] {strides = array<i32>} : memref<64x144xf32, #tpu.memory_space<vmem>>, vector<16xf32>,
      tpu.vector_store %arg16[%swap3A, %swap3A_145], %broadcast_in_dim3A_144 {strides = array<i32>} : memref<64x144xf32, #tpu.memory_space<vmem>>, vector<16xf32>,
      %broadcast_in_dim3A_147 = arith.constant 0.000000e+00 : f32
      %broadcast_in_dim3A_148 = vector.broadcast %broadcast_in_dim3A_147 : f32 to vector<16xf32>
      %swap3A_149 = arith.index_cast %add3A_143 : i32 to index
      %swap3A_150 = arith.constant 16 : index
      %swap3A_151 = tpu.vector_load %arg16[%swap3A_149, %swap3A_150] {strides = array<i32>} : memref<64x144xf32, #tpu.memory_space<vmem>>, vector<16xf32>,
      tpu.vector_store %arg16[%swap3A_149, %swap3A_150], %broadcast_in_dim3A_148 {strides = array<i32>} : memref<64x144xf32, #tpu.memory_space<vmem>>, vector<16xf32>,
      %broadcast_in_dim3A_152 = arith.constant 0.000000e+00 : f32
      %broadcast_in_dim3A_153 = vector.broadcast %broadcast_in_dim3A_152 : f32 to vector<16xf32>
      %swap3A_154 = arith.index_cast %add3A_143 : i32 to index
      %swap3A_155 = arith.constant 32 : index
      %swap3A_156 = tpu.vector_load %arg16[%swap3A_154, %swap3A_155] {strides = array<i32>} : memref<64x144xf32, #tpu.memory_space<vmem>>, vector<16xf32>,
      tpu.vector_store %arg16[%swap3A_154, %swap3A_155], %broadcast_in_dim3A_153 {strides = array<i32>} : memref<64x144xf32, #tpu.memory_space<vmem>>, vector<16xf32>,
      %broadcast_in_dim3A_157 = arith.constant 0.000000e+00 : f32
      %broadcast_in_dim3A_158 = vector.broadcast %broadcast_in_dim3A_157 : f32 to vector<16xf32>
      %swap3A_159 = arith.index_cast %add3A_143 : i32 to index
      %swap3A_160 = arith.constant 48 : index
      %swap3A_161 = tpu.vector_load %arg16[%swap3A_159, %swap3A_160] {strides = array<i32>} : memref<64x144xf32, #tpu.memory_space<vmem>>, vector<16xf32>,
      tpu.vector_store %arg16[%swap3A_159, %swap3A_160], %broadcast_in_dim3A_158 {strides = array<i32>} : memref<64x144xf32, #tpu.memory_space<vmem>>, vector<16xf32>,
      %broadcast_in_dim3A_162 = arith.constant 0.000000e+00 : f32
      %broadcast_in_dim3A_163 = vector.broadcast %broadcast_in_dim3A_162 : f32 to vector<16xf32>
      %swap3A_164 = arith.index_cast %add3A_143 : i32 to index
      %swap3A_165 = arith.constant 64 : index
      %swap3A_166 = tpu.vector_load %arg16[%swap3A_164, %swap3A_165] {strides = array<i32>} : memref<64x144xf32, #tpu.memory_space<vmem>>, vector<16xf32>,
      tpu.vector_store %arg16[%swap3A_164, %swap3A_165], %broadcast_in_dim3A_163 {strides = array<i32>} : memref<64x144xf32, #tpu.memory_space<vmem>>, vector<16xf32>,
      %broadcast_in_dim3A_167 = arith.constant 0.000000e+00 : f32
      %broadcast_in_dim3A_168 = vector.broadcast %broadcast_in_dim3A_167 : f32 to vector<16xf32>
      %swap3A_169 = arith.index_cast %add3A_143 : i32 to index
      %swap3A_170 = arith.constant 80 : index
      %swap3A_171 = tpu.vector_load %arg16[%swap3A_169, %swap3A_170] {strides = array<i32>} : memref<64x144xf32, #tpu.memory_space<vmem>>, vector<16xf32>,
      tpu.vector_store %arg16[%swap3A_169, %swap3A_170], %broadcast_in_dim3A_168 {strides = array<i32>} : memref<64x144xf32, #tpu.memory_space<vmem>>, vector<16xf32>,
      %broadcast_in_dim3A_172 = arith.constant 0.000000e+00 : f32
      %broadcast_in_dim3A_173 = vector.broadcast %broadcast_in_dim3A_172 : f32 to vector<16xf32>
      %swap3A_174 = arith.index_cast %add3A_143 : i32 to index
      %swap3A_175 = arith.constant 96 : index
      %swap3A_176 = tpu.vector_load %arg16[%swap3A_174, %swap3A_175] {strides = array<i32>} : memref<64x144xf32, #tpu.memory_space<vmem>>, vector<16xf32>,
      tpu.vector_store %arg16[%swap3A_174, %swap3A_175], %broadcast_in_dim3A_173 {strides = array<i32>} : memref<64x144xf32, #tpu.memory_space<vmem>>, vector<16xf32>,
      %broadcast_in_dim3A_177 = arith.constant 0.000000e+00 : f32
      %broadcast_in_dim3A_178 = vector.broadcast %broadcast_in_dim3A_177 : f32 to vector<16xf32>
      %swap3A_179 = arith.index_cast %add3A_143 : i32 to index
      %swap3A_180 = arith.constant 112 : index
      %swap3A_181 = tpu.vector_load %arg16[%swap3A_179, %swap3A_180] {strides = array<i32>} : memref<64x144xf32, #tpu.memory_space<vmem>>, vector<16xf32>,
      tpu.vector_store %arg16[%swap3A_179, %swap3A_180], %broadcast_in_dim3A_178 {strides = array<i32>} : memref<64x144xf32, #tpu.memory_space<vmem>>, vector<16xf32>,
      %broadcast_in_dim3A_182 = arith.constant 0.000000e+00 : f32
      %broadcast_in_dim3A_183 = vector.broadcast %broadcast_in_dim3A_182 : f32 to vector<16xf32>
      %swap3A_184 = arith.index_cast %add3A_143 : i32 to index
      %swap3A_185 = arith.constant 128 : index
      %swap3A_186 = tpu.vector_load %arg16[%swap3A_184, %swap3A_185] {strides = array<i32>} : memref<64x144xf32, #tpu.memory_space<vmem>>, vector<16xf32>,
      tpu.vector_store %arg16[%swap3A_184, %swap3A_185], %broadcast_in_dim3A_183 {strides = array<i32>} : memref<64x144xf32, #tpu.memory_space<vmem>>, vector<16xf32>,
    }
    %scan3A_80 = arith.constant 64 : i32
    %mul3A_81 = arith.constant 625 : i32
    %mul3A_82 = arith.muli %arg1, %mul3A_81 : i32
    %add3A_83 = arith.constant 0 : i32
    %add3A_84 = arith.addi %mul3A_82, %add3A_83 : i32
    "tpu.region"() ({
      %run_scoped3A = tpu.sem_alloc : memref<!tpu.dma_semaphore, #tpu.memory_space<semaphore_mem>>
      %dma_start3A = arith.constant 0 : i32
      %dma_start3A_139 = arith.constant 0 : i32
      %dma_start3A_140 = tpu.memref_slice %arg16[%dma_start3A, %dma_start3A_139] : memref<64x144xf32, #tpu.memory_space<vmem>> -> memref<64x144xf32, #tpu.memory_space<vmem>>
      %dma_start3A_141 = arith.constant 0 : i32
      %dma_start3A_142 = tpu.memref_slice %arg17[%add3A_84, %dma_start3A_141] : memref<10000x144xf32, #tpu.memory_space<vmem_shared>> -> memref<64x144xf32, #tpu.memory_space<vmem_shared>>
      %dma_start3A_143 = arith.constant 0 : i32
      %dma_start3A_144 = tpu.memref_slice %arg17[%add3A_84, %dma_start3A_143] : memref<10000x144xf32, #tpu.memory_space<vmem_shared>> -> memref<64x144xf32, #tpu.memory_space<vmem_shared>>
      %dma_start3A_145 = arith.constant 0 : i32
      %dma_start3A_146 = arith.constant 0 : i32
      %dma_start3A_147 = tpu.memref_slice %arg16[%dma_start3A_145, %dma_start3A_146] : memref<64x144xf32, #tpu.memory_space<vmem>> -> memref<64x144xf32, #tpu.memory_space<vmem>>
      tpu.enqueue_dma source(%dma_start3A_147 : memref<64x144xf32, #tpu.memory_space<vmem>>) target(%dma_start3A_144 : memref<64x144xf32, #tpu.memory_space<vmem_shared>>) target_semaphore(%run_scoped3A : memref<!tpu.dma_semaphore, #tpu.memory_space<semaphore_mem>>)
      %dma_wait3A = arith.constant 0 : i32
      %dma_wait3A_148 = arith.constant 0 : i32
      %dma_wait3A_149 = tpu.memref_slice %arg16[%dma_wait3A, %dma_wait3A_148] : memref<64x144xf32, #tpu.memory_space<vmem>> -> memref<64x144xf32, #tpu.memory_space<vmem>>
      %dma_wait3A_150 = arith.constant 0 : i32
      %dma_wait3A_151 = tpu.memref_slice %arg17[%add3A_84, %dma_wait3A_150] : memref<10000x144xf32, #tpu.memory_space<vmem_shared>> -> memref<64x144xf32, #tpu.memory_space<vmem_shared>>
      %dma_wait3A_152 = arith.constant 0 : i32
      %dma_wait3A_153 = tpu.memref_slice %arg17[%add3A_84, %dma_wait3A_152] : memref<10000x144xf32, #tpu.memory_space<vmem_shared>> -> memref<64x144xf32, #tpu.memory_space<vmem_shared>>
      %dma_wait3A_154 = arith.constant 0 : i32
      %dma_wait3A_155 = arith.constant 0 : i32
      %dma_wait3A_156 = tpu.memref_slice %arg16[%dma_wait3A_154, %dma_wait3A_155] : memref<64x144xf32, #tpu.memory_space<vmem>> -> memref<64x144xf32, #tpu.memory_space<vmem>>
      tpu.wait_dma2 semaphore(%run_scoped3A : memref<!tpu.dma_semaphore, #tpu.memory_space<semaphore_mem>>) src(%dma_wait3A_156 : memref<64x144xf32, #tpu.memory_space<vmem>>) dst(%dma_wait3A_153 : memref<64x144xf32, #tpu.memory_space<vmem_shared>>)
      tpu.yield
    }) : () -> ()
    %mul3A_85 = arith.constant 625 : i32
    %mul3A_86 = arith.muli %arg1, %mul3A_85 : i32
    %add3A_87 = arith.constant 64 : i32
    %add3A_88 = arith.addi %mul3A_86, %add3A_87 : i32
    "tpu.region"() ({
      %run_scoped3A = tpu.sem_alloc : memref<!tpu.dma_semaphore, #tpu.memory_space<semaphore_mem>>
      %dma_start3A = arith.constant 0 : i32
      %dma_start3A_139 = arith.constant 0 : i32
      %dma_start3A_140 = tpu.memref_slice %arg16[%dma_start3A, %dma_start3A_139] : memref<64x144xf32, #tpu.memory_space<vmem>> -> memref<64x144xf32, #tpu.memory_space<vmem>>
      %dma_start3A_141 = arith.constant 0 : i32
      %dma_start3A_142 = tpu.memref_slice %arg17[%add3A_88, %dma_start3A_141] : memref<10000x144xf32, #tpu.memory_space<vmem_shared>> -> memref<64x144xf32, #tpu.memory_space<vmem_shared>>
      %dma_start3A_143 = arith.constant 0 : i32
      %dma_start3A_144 = tpu.memref_slice %arg17[%add3A_88, %dma_start3A_143] : memref<10000x144xf32, #tpu.memory_space<vmem_shared>> -> memref<64x144xf32, #tpu.memory_space<vmem_shared>>
      %dma_start3A_145 = arith.constant 0 : i32
      %dma_start3A_146 = arith.constant 0 : i32
      %dma_start3A_147 = tpu.memref_slice %arg16[%dma_start3A_145, %dma_start3A_146] : memref<64x144xf32, #tpu.memory_space<vmem>> -> memref<64x144xf32, #tpu.memory_space<vmem>>
      tpu.enqueue_dma source(%dma_start3A_147 : memref<64x144xf32, #tpu.memory_space<vmem>>) target(%dma_start3A_144 : memref<64x144xf32, #tpu.memory_space<vmem_shared>>) target_semaphore(%run_scoped3A : memref<!tpu.dma_semaphore, #tpu.memory_space<semaphore_mem>>)
      %dma_wait3A = arith.constant 0 : i32
      %dma_wait3A_148 = arith.constant 0 : i32
      %dma_wait3A_149 = tpu.memref_slice %arg16[%dma_wait3A, %dma_wait3A_148] : memref<64x144xf32, #tpu.memory_space<vmem>> -> memref<64x144xf32, #tpu.memory_space<vmem>>
      %dma_wait3A_150 = arith.constant 0 : i32
      %dma_wait3A_151 = tpu.memref_slice %arg17[%add3A_88, %dma_wait3A_150] : memref<10000x144xf32, #tpu.memory_space<vmem_shared>> -> memref<64x144xf32, #tpu.memory_space<vmem_shared>>
      %dma_wait3A_152 = arith.constant 0 : i32
      %dma_wait3A_153 = tpu.memref_slice %arg17[%add3A_88, %dma_wait3A_152] : memref<10000x144xf32, #tpu.memory_space<vmem_shared>> -> memref<64x144xf32, #tpu.memory_space<vmem_shared>>
      %dma_wait3A_154 = arith.constant 0 : i32
      %dma_wait3A_155 = arith.constant 0 : i32
      %dma_wait3A_156 = tpu.memref_slice %arg16[%dma_wait3A_154, %dma_wait3A_155] : memref<64x144xf32, #tpu.memory_space<vmem>> -> memref<64x144xf32, #tpu.memory_space<vmem>>
      tpu.wait_dma2 semaphore(%run_scoped3A : memref<!tpu.dma_semaphore, #tpu.memory_space<semaphore_mem>>) src(%dma_wait3A_156 : memref<64x144xf32, #tpu.memory_space<vmem>>) dst(%dma_wait3A_153 : memref<64x144xf32, #tpu.memory_space<vmem_shared>>)
      tpu.yield
    }) : () -> ()
    %mul3A_89 = arith.constant 625 : i32
    %mul3A_90 = arith.muli %arg1, %mul3A_89 : i32
    %add3A_91 = arith.constant 128 : i32
    %add3A_92 = arith.addi %mul3A_90, %add3A_91 : i32
    "tpu.region"() ({
      %run_scoped3A = tpu.sem_alloc : memref<!tpu.dma_semaphore, #tpu.memory_space<semaphore_mem>>
      %dma_start3A = arith.constant 0 : i32
      %dma_start3A_139 = arith.constant 0 : i32
      %dma_start3A_140 = tpu.memref_slice %arg16[%dma_start3A, %dma_start3A_139] : memref<64x144xf32, #tpu.memory_space<vmem>> -> memref<64x144xf32, #tpu.memory_space<vmem>>
      %dma_start3A_141 = arith.constant 0 : i32
      %dma_start3A_142 = tpu.memref_slice %arg17[%add3A_92, %dma_start3A_141] : memref<10000x144xf32, #tpu.memory_space<vmem_shared>> -> memref<64x144xf32, #tpu.memory_space<vmem_shared>>
      %dma_start3A_143 = arith.constant 0 : i32
      %dma_start3A_144 = tpu.memref_slice %arg17[%add3A_92, %dma_start3A_143] : memref<10000x144xf32, #tpu.memory_space<vmem_shared>> -> memref<64x144xf32, #tpu.memory_space<vmem_shared>>
      %dma_start3A_145 = arith.constant 0 : i32
      %dma_start3A_146 = arith.constant 0 : i32
      %dma_start3A_147 = tpu.memref_slice %arg16[%dma_start3A_145, %dma_start3A_146] : memref<64x144xf32, #tpu.memory_space<vmem>> -> memref<64x144xf32, #tpu.memory_space<vmem>>
      tpu.enqueue_dma source(%dma_start3A_147 : memref<64x144xf32, #tpu.memory_space<vmem>>) target(%dma_start3A_144 : memref<64x144xf32, #tpu.memory_space<vmem_shared>>) target_semaphore(%run_scoped3A : memref<!tpu.dma_semaphore, #tpu.memory_space<semaphore_mem>>)
      %dma_wait3A = arith.constant 0 : i32
      %dma_wait3A_148 = arith.constant 0 : i32
      %dma_wait3A_149 = tpu.memref_slice %arg16[%dma_wait3A, %dma_wait3A_148] : memref<64x144xf32, #tpu.memory_space<vmem>> -> memref<64x144xf32, #tpu.memory_space<vmem>>
      %dma_wait3A_150 = arith.constant 0 : i32
      %dma_wait3A_151 = tpu.memref_slice %arg17[%add3A_92, %dma_wait3A_150] : memref<10000x144xf32, #tpu.memory_space<vmem_shared>> -> memref<64x144xf32, #tpu.memory_space<vmem_shared>>
      %dma_wait3A_152 = arith.constant 0 : i32
      %dma_wait3A_153 = tpu.memref_slice %arg17[%add3A_92, %dma_wait3A_152] : memref<10000x144xf32, #tpu.memory_space<vmem_shared>> -> memref<64x144xf32, #tpu.memory_space<vmem_shared>>
      %dma_wait3A_154 = arith.constant 0 : i32
      %dma_wait3A_155 = arith.constant 0 : i32
      %dma_wait3A_156 = tpu.memref_slice %arg16[%dma_wait3A_154, %dma_wait3A_155] : memref<64x144xf32, #tpu.memory_space<vmem>> -> memref<64x144xf32, #tpu.memory_space<vmem>>
      tpu.wait_dma2 semaphore(%run_scoped3A : memref<!tpu.dma_semaphore, #tpu.memory_space<semaphore_mem>>) src(%dma_wait3A_156 : memref<64x144xf32, #tpu.memory_space<vmem>>) dst(%dma_wait3A_153 : memref<64x144xf32, #tpu.memory_space<vmem_shared>>)
      tpu.yield
    }) : () -> ()
    %mul3A_93 = arith.constant 625 : i32
    %mul3A_94 = arith.muli %arg1, %mul3A_93 : i32
    %add3A_95 = arith.constant 192 : i32
    %add3A_96 = arith.addi %mul3A_94, %add3A_95 : i32
    "tpu.region"() ({
      %run_scoped3A = tpu.sem_alloc : memref<!tpu.dma_semaphore, #tpu.memory_space<semaphore_mem>>
      %dma_start3A = arith.constant 0 : i32
      %dma_start3A_139 = arith.constant 0 : i32
      %dma_start3A_140 = tpu.memref_slice %arg16[%dma_start3A, %dma_start3A_139] : memref<64x144xf32, #tpu.memory_space<vmem>> -> memref<64x144xf32, #tpu.memory_space<vmem>>
      %dma_start3A_141 = arith.constant 0 : i32
      %dma_start3A_142 = tpu.memref_slice %arg17[%add3A_96, %dma_start3A_141] : memref<10000x144xf32, #tpu.memory_space<vmem_shared>> -> memref<64x144xf32, #tpu.memory_space<vmem_shared>>
      %dma_start3A_143 = arith.constant 0 : i32
      %dma_start3A_144 = tpu.memref_slice %arg17[%add3A_96, %dma_start3A_143] : memref<10000x144xf32, #tpu.memory_space<vmem_shared>> -> memref<64x144xf32, #tpu.memory_space<vmem_shared>>
      %dma_start3A_145 = arith.constant 0 : i32
      %dma_start3A_146 = arith.constant 0 : i32
      %dma_start3A_147 = tpu.memref_slice %arg16[%dma_start3A_145, %dma_start3A_146] : memref<64x144xf32, #tpu.memory_space<vmem>> -> memref<64x144xf32, #tpu.memory_space<vmem>>
      tpu.enqueue_dma source(%dma_start3A_147 : memref<64x144xf32, #tpu.memory_space<vmem>>) target(%dma_start3A_144 : memref<64x144xf32, #tpu.memory_space<vmem_shared>>) target_semaphore(%run_scoped3A : memref<!tpu.dma_semaphore, #tpu.memory_space<semaphore_mem>>)
      %dma_wait3A = arith.constant 0 : i32
      %dma_wait3A_148 = arith.constant 0 : i32
      %dma_wait3A_149 = tpu.memref_slice %arg16[%dma_wait3A, %dma_wait3A_148] : memref<64x144xf32, #tpu.memory_space<vmem>> -> memref<64x144xf32, #tpu.memory_space<vmem>>
      %dma_wait3A_150 = arith.constant 0 : i32
      %dma_wait3A_151 = tpu.memref_slice %arg17[%add3A_96, %dma_wait3A_150] : memref<10000x144xf32, #tpu.memory_space<vmem_shared>> -> memref<64x144xf32, #tpu.memory_space<vmem_shared>>
      %dma_wait3A_152 = arith.constant 0 : i32
      %dma_wait3A_153 = tpu.memref_slice %arg17[%add3A_96, %dma_wait3A_152] : memref<10000x144xf32, #tpu.memory_space<vmem_shared>> -> memref<64x144xf32, #tpu.memory_space<vmem_shared>>
      %dma_wait3A_154 = arith.constant 0 : i32
      %dma_wait3A_155 = arith.constant 0 : i32
      %dma_wait3A_156 = tpu.memref_slice %arg16[%dma_wait3A_154, %dma_wait3A_155] : memref<64x144xf32, #tpu.memory_space<vmem>> -> memref<64x144xf32, #tpu.memory_space<vmem>>
      tpu.wait_dma2 semaphore(%run_scoped3A : memref<!tpu.dma_semaphore, #tpu.memory_space<semaphore_mem>>) src(%dma_wait3A_156 : memref<64x144xf32, #tpu.memory_space<vmem>>) dst(%dma_wait3A_153 : memref<64x144xf32, #tpu.memory_space<vmem_shared>>)
      tpu.yield
    }) : () -> ()
    %mul3A_97 = arith.constant 625 : i32
    %mul3A_98 = arith.muli %arg1, %mul3A_97 : i32
    %add3A_99 = arith.constant 256 : i32
    %add3A_100 = arith.addi %mul3A_98, %add3A_99 : i32
    "tpu.region"() ({
      %run_scoped3A = tpu.sem_alloc : memref<!tpu.dma_semaphore, #tpu.memory_space<semaphore_mem>>
      %dma_start3A = arith.constant 0 : i32
      %dma_start3A_139 = arith.constant 0 : i32
      %dma_start3A_140 = tpu.memref_slice %arg16[%dma_start3A, %dma_start3A_139] : memref<64x144xf32, #tpu.memory_space<vmem>> -> memref<64x144xf32, #tpu.memory_space<vmem>>
      %dma_start3A_141 = arith.constant 0 : i32
      %dma_start3A_142 = tpu.memref_slice %arg17[%add3A_100, %dma_start3A_141] : memref<10000x144xf32, #tpu.memory_space<vmem_shared>> -> memref<64x144xf32, #tpu.memory_space<vmem_shared>>
      %dma_start3A_143 = arith.constant 0 : i32
      %dma_start3A_144 = tpu.memref_slice %arg17[%add3A_100, %dma_start3A_143] : memref<10000x144xf32, #tpu.memory_space<vmem_shared>> -> memref<64x144xf32, #tpu.memory_space<vmem_shared>>
      %dma_start3A_145 = arith.constant 0 : i32
      %dma_start3A_146 = arith.constant 0 : i32
      %dma_start3A_147 = tpu.memref_slice %arg16[%dma_start3A_145, %dma_start3A_146] : memref<64x144xf32, #tpu.memory_space<vmem>> -> memref<64x144xf32, #tpu.memory_space<vmem>>
      tpu.enqueue_dma source(%dma_start3A_147 : memref<64x144xf32, #tpu.memory_space<vmem>>) target(%dma_start3A_144 : memref<64x144xf32, #tpu.memory_space<vmem_shared>>) target_semaphore(%run_scoped3A : memref<!tpu.dma_semaphore, #tpu.memory_space<semaphore_mem>>)
      %dma_wait3A = arith.constant 0 : i32
      %dma_wait3A_148 = arith.constant 0 : i32
      %dma_wait3A_149 = tpu.memref_slice %arg16[%dma_wait3A, %dma_wait3A_148] : memref<64x144xf32, #tpu.memory_space<vmem>> -> memref<64x144xf32, #tpu.memory_space<vmem>>
      %dma_wait3A_150 = arith.constant 0 : i32
      %dma_wait3A_151 = tpu.memref_slice %arg17[%add3A_100, %dma_wait3A_150] : memref<10000x144xf32, #tpu.memory_space<vmem_shared>> -> memref<64x144xf32, #tpu.memory_space<vmem_shared>>
      %dma_wait3A_152 = arith.constant 0 : i32
      %dma_wait3A_153 = tpu.memref_slice %arg17[%add3A_100, %dma_wait3A_152] : memref<10000x144xf32, #tpu.memory_space<vmem_shared>> -> memref<64x144xf32, #tpu.memory_space<vmem_shared>>
      %dma_wait3A_154 = arith.constant 0 : i32
      %dma_wait3A_155 = arith.constant 0 : i32
      %dma_wait3A_156 = tpu.memref_slice %arg16[%dma_wait3A_154, %dma_wait3A_155] : memref<64x144xf32, #tpu.memory_space<vmem>> -> memref<64x144xf32, #tpu.memory_space<vmem>>
      tpu.wait_dma2 semaphore(%run_scoped3A : memref<!tpu.dma_semaphore, #tpu.memory_space<semaphore_mem>>) src(%dma_wait3A_156 : memref<64x144xf32, #tpu.memory_space<vmem>>) dst(%dma_wait3A_153 : memref<64x144xf32, #tpu.memory_space<vmem_shared>>)
      tpu.yield
    }) : () -> ()
    %mul3A_101 = arith.constant 625 : i32
    %mul3A_102 = arith.muli %arg1, %mul3A_101 : i32
    %add3A_103 = arith.constant 320 : i32
    %add3A_104 = arith.addi %mul3A_102, %add3A_103 : i32
    "tpu.region"() ({
      %run_scoped3A = tpu.sem_alloc : memref<!tpu.dma_semaphore, #tpu.memory_space<semaphore_mem>>
      %dma_start3A = arith.constant 0 : i32
      %dma_start3A_139 = arith.constant 0 : i32
      %dma_start3A_140 = tpu.memref_slice %arg16[%dma_start3A, %dma_start3A_139] : memref<64x144xf32, #tpu.memory_space<vmem>> -> memref<64x144xf32, #tpu.memory_space<vmem>>
      %dma_start3A_141 = arith.constant 0 : i32
      %dma_start3A_142 = tpu.memref_slice %arg17[%add3A_104, %dma_start3A_141] : memref<10000x144xf32, #tpu.memory_space<vmem_shared>> -> memref<64x144xf32, #tpu.memory_space<vmem_shared>>
      %dma_start3A_143 = arith.constant 0 : i32
      %dma_start3A_144 = tpu.memref_slice %arg17[%add3A_104, %dma_start3A_143] : memref<10000x144xf32, #tpu.memory_space<vmem_shared>> -> memref<64x144xf32, #tpu.memory_space<vmem_shared>>
      %dma_start3A_145 = arith.constant 0 : i32
      %dma_start3A_146 = arith.constant 0 : i32
      %dma_start3A_147 = tpu.memref_slice %arg16[%dma_start3A_145, %dma_start3A_146] : memref<64x144xf32, #tpu.memory_space<vmem>> -> memref<64x144xf32, #tpu.memory_space<vmem>>
      tpu.enqueue_dma source(%dma_start3A_147 : memref<64x144xf32, #tpu.memory_space<vmem>>) target(%dma_start3A_144 : memref<64x144xf32, #tpu.memory_space<vmem_shared>>) target_semaphore(%run_scoped3A : memref<!tpu.dma_semaphore, #tpu.memory_space<semaphore_mem>>)
      %dma_wait3A = arith.constant 0 : i32
      %dma_wait3A_148 = arith.constant 0 : i32
      %dma_wait3A_149 = tpu.memref_slice %arg16[%dma_wait3A, %dma_wait3A_148] : memref<64x144xf32, #tpu.memory_space<vmem>> -> memref<64x144xf32, #tpu.memory_space<vmem>>
      %dma_wait3A_150 = arith.constant 0 : i32
      %dma_wait3A_151 = tpu.memref_slice %arg17[%add3A_104, %dma_wait3A_150] : memref<10000x144xf32, #tpu.memory_space<vmem_shared>> -> memref<64x144xf32, #tpu.memory_space<vmem_shared>>
      %dma_wait3A_152 = arith.constant 0 : i32
      %dma_wait3A_153 = tpu.memref_slice %arg17[%add3A_104, %dma_wait3A_152] : memref<10000x144xf32, #tpu.memory_space<vmem_shared>> -> memref<64x144xf32, #tpu.memory_space<vmem_shared>>
      %dma_wait3A_154 = arith.constant 0 : i32
      %dma_wait3A_155 = arith.constant 0 : i32
      %dma_wait3A_156 = tpu.memref_slice %arg16[%dma_wait3A_154, %dma_wait3A_155] : memref<64x144xf32, #tpu.memory_space<vmem>> -> memref<64x144xf32, #tpu.memory_space<vmem>>
      tpu.wait_dma2 semaphore(%run_scoped3A : memref<!tpu.dma_semaphore, #tpu.memory_space<semaphore_mem>>) src(%dma_wait3A_156 : memref<64x144xf32, #tpu.memory_space<vmem>>) dst(%dma_wait3A_153 : memref<64x144xf32, #tpu.memory_space<vmem_shared>>)
      tpu.yield
    }) : () -> ()
    %mul3A_105 = arith.constant 625 : i32
    %mul3A_106 = arith.muli %arg1, %mul3A_105 : i32
    %add3A_107 = arith.constant 384 : i32
    %add3A_108 = arith.addi %mul3A_106, %add3A_107 : i32
    "tpu.region"() ({
      %run_scoped3A = tpu.sem_alloc : memref<!tpu.dma_semaphore, #tpu.memory_space<semaphore_mem>>
      %dma_start3A = arith.constant 0 : i32
      %dma_start3A_139 = arith.constant 0 : i32
      %dma_start3A_140 = tpu.memref_slice %arg16[%dma_start3A, %dma_start3A_139] : memref<64x144xf32, #tpu.memory_space<vmem>> -> memref<64x144xf32, #tpu.memory_space<vmem>>
      %dma_start3A_141 = arith.constant 0 : i32
      %dma_start3A_142 = tpu.memref_slice %arg17[%add3A_108, %dma_start3A_141] : memref<10000x144xf32, #tpu.memory_space<vmem_shared>> -> memref<64x144xf32, #tpu.memory_space<vmem_shared>>
      %dma_start3A_143 = arith.constant 0 : i32
      %dma_start3A_144 = tpu.memref_slice %arg17[%add3A_108, %dma_start3A_143] : memref<10000x144xf32, #tpu.memory_space<vmem_shared>> -> memref<64x144xf32, #tpu.memory_space<vmem_shared>>
      %dma_start3A_145 = arith.constant 0 : i32
      %dma_start3A_146 = arith.constant 0 : i32
      %dma_start3A_147 = tpu.memref_slice %arg16[%dma_start3A_145, %dma_start3A_146] : memref<64x144xf32, #tpu.memory_space<vmem>> -> memref<64x144xf32, #tpu.memory_space<vmem>>
      tpu.enqueue_dma source(%dma_start3A_147 : memref<64x144xf32, #tpu.memory_space<vmem>>) target(%dma_start3A_144 : memref<64x144xf32, #tpu.memory_space<vmem_shared>>) target_semaphore(%run_scoped3A : memref<!tpu.dma_semaphore, #tpu.memory_space<semaphore_mem>>)
      %dma_wait3A = arith.constant 0 : i32
      %dma_wait3A_148 = arith.constant 0 : i32
      %dma_wait3A_149 = tpu.memref_slice %arg16[%dma_wait3A, %dma_wait3A_148] : memref<64x144xf32, #tpu.memory_space<vmem>> -> memref<64x144xf32, #tpu.memory_space<vmem>>
      %dma_wait3A_150 = arith.constant 0 : i32
      %dma_wait3A_151 = tpu.memref_slice %arg17[%add3A_108, %dma_wait3A_150] : memref<10000x144xf32, #tpu.memory_space<vmem_shared>> -> memref<64x144xf32, #tpu.memory_space<vmem_shared>>
      %dma_wait3A_152 = arith.constant 0 : i32
      %dma_wait3A_153 = tpu.memref_slice %arg17[%add3A_108, %dma_wait3A_152] : memref<10000x144xf32, #tpu.memory_space<vmem_shared>> -> memref<64x144xf32, #tpu.memory_space<vmem_shared>>
      %dma_wait3A_154 = arith.constant 0 : i32
      %dma_wait3A_155 = arith.constant 0 : i32
      %dma_wait3A_156 = tpu.memref_slice %arg16[%dma_wait3A_154, %dma_wait3A_155] : memref<64x144xf32, #tpu.memory_space<vmem>> -> memref<64x144xf32, #tpu.memory_space<vmem>>
      tpu.wait_dma2 semaphore(%run_scoped3A : memref<!tpu.dma_semaphore, #tpu.memory_space<semaphore_mem>>) src(%dma_wait3A_156 : memref<64x144xf32, #tpu.memory_space<vmem>>) dst(%dma_wait3A_153 : memref<64x144xf32, #tpu.memory_space<vmem_shared>>)
      tpu.yield
    }) : () -> ()
    %mul3A_109 = arith.constant 625 : i32
    %mul3A_110 = arith.muli %arg1, %mul3A_109 : i32
    %add3A_111 = arith.constant 448 : i32
    %add3A_112 = arith.addi %mul3A_110, %add3A_111 : i32
    "tpu.region"() ({
      %run_scoped3A = tpu.sem_alloc : memref<!tpu.dma_semaphore, #tpu.memory_space<semaphore_mem>>
      %dma_start3A = arith.constant 0 : i32
      %dma_start3A_139 = arith.constant 0 : i32
      %dma_start3A_140 = tpu.memref_slice %arg16[%dma_start3A, %dma_start3A_139] : memref<64x144xf32, #tpu.memory_space<vmem>> -> memref<64x144xf32, #tpu.memory_space<vmem>>
      %dma_start3A_141 = arith.constant 0 : i32
      %dma_start3A_142 = tpu.memref_slice %arg17[%add3A_112, %dma_start3A_141] : memref<10000x144xf32, #tpu.memory_space<vmem_shared>> -> memref<64x144xf32, #tpu.memory_space<vmem_shared>>
      %dma_start3A_143 = arith.constant 0 : i32
      %dma_start3A_144 = tpu.memref_slice %arg17[%add3A_112, %dma_start3A_143] : memref<10000x144xf32, #tpu.memory_space<vmem_shared>> -> memref<64x144xf32, #tpu.memory_space<vmem_shared>>
      %dma_start3A_145 = arith.constant 0 : i32
      %dma_start3A_146 = arith.constant 0 : i32
      %dma_start3A_147 = tpu.memref_slice %arg16[%dma_start3A_145, %dma_start3A_146] : memref<64x144xf32, #tpu.memory_space<vmem>> -> memref<64x144xf32, #tpu.memory_space<vmem>>
      tpu.enqueue_dma source(%dma_start3A_147 : memref<64x144xf32, #tpu.memory_space<vmem>>) target(%dma_start3A_144 : memref<64x144xf32, #tpu.memory_space<vmem_shared>>) target_semaphore(%run_scoped3A : memref<!tpu.dma_semaphore, #tpu.memory_space<semaphore_mem>>)
      %dma_wait3A = arith.constant 0 : i32
      %dma_wait3A_148 = arith.constant 0 : i32
      %dma_wait3A_149 = tpu.memref_slice %arg16[%dma_wait3A, %dma_wait3A_148] : memref<64x144xf32, #tpu.memory_space<vmem>> -> memref<64x144xf32, #tpu.memory_space<vmem>>
      %dma_wait3A_150 = arith.constant 0 : i32
      %dma_wait3A_151 = tpu.memref_slice %arg17[%add3A_112, %dma_wait3A_150] : memref<10000x144xf32, #tpu.memory_space<vmem_shared>> -> memref<64x144xf32, #tpu.memory_space<vmem_shared>>
      %dma_wait3A_152 = arith.constant 0 : i32
      %dma_wait3A_153 = tpu.memref_slice %arg17[%add3A_112, %dma_wait3A_152] : memref<10000x144xf32, #tpu.memory_space<vmem_shared>> -> memref<64x144xf32, #tpu.memory_space<vmem_shared>>
      %dma_wait3A_154 = arith.constant 0 : i32
      %dma_wait3A_155 = arith.constant 0 : i32
      %dma_wait3A_156 = tpu.memref_slice %arg16[%dma_wait3A_154, %dma_wait3A_155] : memref<64x144xf32, #tpu.memory_space<vmem>> -> memref<64x144xf32, #tpu.memory_space<vmem>>
      tpu.wait_dma2 semaphore(%run_scoped3A : memref<!tpu.dma_semaphore, #tpu.memory_space<semaphore_mem>>) src(%dma_wait3A_156 : memref<64x144xf32, #tpu.memory_space<vmem>>) dst(%dma_wait3A_153 : memref<64x144xf32, #tpu.memory_space<vmem_shared>>)
      tpu.yield
    }) : () -> ()
    %mul3A_113 = arith.constant 625 : i32
    %mul3A_114 = arith.muli %arg1, %mul3A_113 : i32
    %add3A_115 = arith.constant 512 : i32
    %add3A_116 = arith.addi %mul3A_114, %add3A_115 : i32
    "tpu.region"() ({
      %run_scoped3A = tpu.sem_alloc : memref<!tpu.dma_semaphore, #tpu.memory_space<semaphore_mem>>
      %dma_start3A = arith.constant 0 : i32
      %dma_start3A_139 = arith.constant 0 : i32
      %dma_start3A_140 = tpu.memref_slice %arg16[%dma_start3A, %dma_start3A_139] : memref<64x144xf32, #tpu.memory_space<vmem>> -> memref<64x144xf32, #tpu.memory_space<vmem>>
      %dma_start3A_141 = arith.constant 0 : i32
      %dma_start3A_142 = tpu.memref_slice %arg17[%add3A_116, %dma_start3A_141] : memref<10000x144xf32, #tpu.memory_space<vmem_shared>> -> memref<64x144xf32, #tpu.memory_space<vmem_shared>>
      %dma_start3A_143 = arith.constant 0 : i32
      %dma_start3A_144 = tpu.memref_slice %arg17[%add3A_116, %dma_start3A_143] : memref<10000x144xf32, #tpu.memory_space<vmem_shared>> -> memref<64x144xf32, #tpu.memory_space<vmem_shared>>
      %dma_start3A_145 = arith.constant 0 : i32
      %dma_start3A_146 = arith.constant 0 : i32
      %dma_start3A_147 = tpu.memref_slice %arg16[%dma_start3A_145, %dma_start3A_146] : memref<64x144xf32, #tpu.memory_space<vmem>> -> memref<64x144xf32, #tpu.memory_space<vmem>>
      tpu.enqueue_dma source(%dma_start3A_147 : memref<64x144xf32, #tpu.memory_space<vmem>>) target(%dma_start3A_144 : memref<64x144xf32, #tpu.memory_space<vmem_shared>>) target_semaphore(%run_scoped3A : memref<!tpu.dma_semaphore, #tpu.memory_space<semaphore_mem>>)
      %dma_wait3A = arith.constant 0 : i32
      %dma_wait3A_148 = arith.constant 0 : i32
      %dma_wait3A_149 = tpu.memref_slice %arg16[%dma_wait3A, %dma_wait3A_148] : memref<64x144xf32, #tpu.memory_space<vmem>> -> memref<64x144xf32, #tpu.memory_space<vmem>>
      %dma_wait3A_150 = arith.constant 0 : i32
      %dma_wait3A_151 = tpu.memref_slice %arg17[%add3A_116, %dma_wait3A_150] : memref<10000x144xf32, #tpu.memory_space<vmem_shared>> -> memref<64x144xf32, #tpu.memory_space<vmem_shared>>
      %dma_wait3A_152 = arith.constant 0 : i32
      %dma_wait3A_153 = tpu.memref_slice %arg17[%add3A_116, %dma_wait3A_152] : memref<10000x144xf32, #tpu.memory_space<vmem_shared>> -> memref<64x144xf32, #tpu.memory_space<vmem_shared>>
      %dma_wait3A_154 = arith.constant 0 : i32
      %dma_wait3A_155 = arith.constant 0 : i32
      %dma_wait3A_156 = tpu.memref_slice %arg16[%dma_wait3A_154, %dma_wait3A_155] : memref<64x144xf32, #tpu.memory_space<vmem>> -> memref<64x144xf32, #tpu.memory_space<vmem>>
      tpu.wait_dma2 semaphore(%run_scoped3A : memref<!tpu.dma_semaphore, #tpu.memory_space<semaphore_mem>>) src(%dma_wait3A_156 : memref<64x144xf32, #tpu.memory_space<vmem>>) dst(%dma_wait3A_153 : memref<64x144xf32, #tpu.memory_space<vmem_shared>>)
      tpu.yield
    }) : () -> ()
    %mul3A_117 = arith.constant 625 : i32
    %mul3A_118 = arith.muli %arg1, %mul3A_117 : i32
    %add3A_119 = arith.constant 576 : i32
    %add3A_120 = arith.addi %mul3A_118, %add3A_119 : i32
    "tpu.region"() ({
      %run_scoped3A = tpu.sem_alloc : memref<!tpu.dma_semaphore, #tpu.memory_space<semaphore_mem>>
      %dma_start3A = arith.constant 0 : i32
      %dma_start3A_139 = arith.constant 0 : i32
      %dma_start3A_140 = tpu.memref_slice %arg16[%dma_start3A, %dma_start3A_139] : memref<64x144xf32, #tpu.memory_space<vmem>> -> memref<49x144xf32, #tpu.memory_space<vmem>>
      %dma_start3A_141 = arith.constant 0 : i32
      %dma_start3A_142 = tpu.memref_slice %arg17[%add3A_120, %dma_start3A_141] : memref<10000x144xf32, #tpu.memory_space<vmem_shared>> -> memref<49x144xf32, #tpu.memory_space<vmem_shared>>
      %dma_start3A_143 = arith.constant 0 : i32
      %dma_start3A_144 = tpu.memref_slice %arg17[%add3A_120, %dma_start3A_143] : memref<10000x144xf32, #tpu.memory_space<vmem_shared>> -> memref<49x144xf32, #tpu.memory_space<vmem_shared>>
      %dma_start3A_145 = arith.constant 0 : i32
      %dma_start3A_146 = arith.constant 0 : i32
      %dma_start3A_147 = tpu.memref_slice %arg16[%dma_start3A_145, %dma_start3A_146] : memref<64x144xf32, #tpu.memory_space<vmem>> -> memref<49x144xf32, #tpu.memory_space<vmem>>
      tpu.enqueue_dma source(%dma_start3A_147 : memref<49x144xf32, #tpu.memory_space<vmem>>) target(%dma_start3A_144 : memref<49x144xf32, #tpu.memory_space<vmem_shared>>) target_semaphore(%run_scoped3A : memref<!tpu.dma_semaphore, #tpu.memory_space<semaphore_mem>>)
      %dma_wait3A = arith.constant 0 : i32
      %dma_wait3A_148 = arith.constant 0 : i32
      %dma_wait3A_149 = tpu.memref_slice %arg16[%dma_wait3A, %dma_wait3A_148] : memref<64x144xf32, #tpu.memory_space<vmem>> -> memref<49x144xf32, #tpu.memory_space<vmem>>
      %dma_wait3A_150 = arith.constant 0 : i32
      %dma_wait3A_151 = tpu.memref_slice %arg17[%add3A_120, %dma_wait3A_150] : memref<10000x144xf32, #tpu.memory_space<vmem_shared>> -> memref<49x144xf32, #tpu.memory_space<vmem_shared>>
      %dma_wait3A_152 = arith.constant 0 : i32
      %dma_wait3A_153 = tpu.memref_slice %arg17[%add3A_120, %dma_wait3A_152] : memref<10000x144xf32, #tpu.memory_space<vmem_shared>> -> memref<49x144xf32, #tpu.memory_space<vmem_shared>>
      %dma_wait3A_154 = arith.constant 0 : i32
      %dma_wait3A_155 = arith.constant 0 : i32
      %dma_wait3A_156 = tpu.memref_slice %arg16[%dma_wait3A_154, %dma_wait3A_155] : memref<64x144xf32, #tpu.memory_space<vmem>> -> memref<49x144xf32, #tpu.memory_space<vmem>>
      tpu.wait_dma2 semaphore(%run_scoped3A : memref<!tpu.dma_semaphore, #tpu.memory_space<semaphore_mem>>) src(%dma_wait3A_156 : memref<49x144xf32, #tpu.memory_space<vmem>>) dst(%dma_wait3A_153 : memref<49x144xf32, #tpu.memory_space<vmem_shared>>)
      tpu.yield
    }) : () -> ()
    %barrier3A_121 = arith.constant 0 : index
    tpu.barrier barrier_id(%barrier3A_121)
    %mul3A_122 = arith.constant 10000 : i32
    %mul3A_123 = arith.muli %add3A_71, %mul3A_122 : i32
    %iota3A_124 = tpu.iota {dimensions = array<i32: 0>} : vector<16xi32>
    %scan3A_125 = arith.constant 0 : i32
    %scan3A_126 = arith.constant 20 : i32
    %scan3A_127 = arith.addi %scan3A_125, %scan3A_126 : i32
    %scan3A_128 = arith.constant 1 : i32
    scf.for %scan3A_139 = %scan3A_125 to %scan3A_127 step %scan3A_128  : i32 {
      %mul3A_140 = arith.constant 1 : i32
      %mul3A_141 = arith.muli %scan3A_139, %mul3A_140 : i32
      %add3A_142 = arith.constant 0 : i32
      %add3A_143 = arith.addi %add3A_142, %mul3A_141 : i32
      %mul3A_144 = arith.constant 1024 : i32
      %mul3A_145 = arith.muli %add3A_143, %mul3A_144 : i32
      %add3A_146 = arith.addi %mul3A_0, %mul3A_145 : i32
      "tpu.region"() ({
        %run_scoped3A = tpu.sem_alloc : memref<!tpu.dma_semaphore, #tpu.memory_space<semaphore_mem>>
        %dma_start3A = tpu.memref_slice %arg5[%add3A_146] : memref<327680xi32, #tpu.memory_space<hbm>> -> memref<1024xi32, #tpu.memory_space<hbm>>
        %dma_start3A_155 = tpu.memref_slice %arg5[%add3A_146] : memref<327680xi32, #tpu.memory_space<hbm>> -> memref<1024xi32, #tpu.memory_space<hbm>>
        tpu.enqueue_dma source(%dma_start3A_155 : memref<1024xi32, #tpu.memory_space<hbm>>) target(%arg8 : memref<1024xi32, #tpu.memory_space<vmem>>) target_semaphore(%run_scoped3A : memref<!tpu.dma_semaphore, #tpu.memory_space<semaphore_mem>>)
        %dma_wait3A = tpu.memref_slice %arg5[%add3A_146] : memref<327680xi32, #tpu.memory_space<hbm>> -> memref<1024xi32, #tpu.memory_space<hbm>>
        %dma_wait3A_156 = tpu.memref_slice %arg5[%add3A_146] : memref<327680xi32, #tpu.memory_space<hbm>> -> memref<1024xi32, #tpu.memory_space<hbm>>
        tpu.wait_dma2 semaphore(%run_scoped3A : memref<!tpu.dma_semaphore, #tpu.memory_space<semaphore_mem>>) src(%dma_wait3A_156 : memref<1024xi32, #tpu.memory_space<hbm>>) dst(%arg8 : memref<1024xi32, #tpu.memory_space<vmem>>)
        tpu.yield
      }) : () -> ()
      %mul3A_147 = arith.constant 1024 : i32
      %mul3A_148 = arith.muli %add3A_143, %mul3A_147 : i32
      %add3A_149 = arith.addi %mul3A_0, %mul3A_148 : i32
      "tpu.region"() ({
        %run_scoped3A = tpu.sem_alloc : memref<!tpu.dma_semaphore, #tpu.memory_space<semaphore_mem>>
        %dma_start3A = tpu.memref_slice %arg6[%add3A_149] : memref<327680xi32, #tpu.memory_space<hbm>> -> memref<1024xi32, #tpu.memory_space<hbm>>
        %dma_start3A_155 = tpu.memref_slice %arg6[%add3A_149] : memref<327680xi32, #tpu.memory_space<hbm>> -> memref<1024xi32, #tpu.memory_space<hbm>>
        tpu.enqueue_dma source(%dma_start3A_155 : memref<1024xi32, #tpu.memory_space<hbm>>) target(%arg9 : memref<1024xi32, #tpu.memory_space<vmem>>) target_semaphore(%run_scoped3A : memref<!tpu.dma_semaphore, #tpu.memory_space<semaphore_mem>>)
        %dma_wait3A = tpu.memref_slice %arg6[%add3A_149] : memref<327680xi32, #tpu.memory_space<hbm>> -> memref<1024xi32, #tpu.memory_space<hbm>>
        %dma_wait3A_156 = tpu.memref_slice %arg6[%add3A_149] : memref<327680xi32, #tpu.memory_space<hbm>> -> memref<1024xi32, #tpu.memory_space<hbm>>
        tpu.wait_dma2 semaphore(%run_scoped3A : memref<!tpu.dma_semaphore, #tpu.memory_space<semaphore_mem>>) src(%dma_wait3A_156 : memref<1024xi32, #tpu.memory_space<hbm>>) dst(%arg9 : memref<1024xi32, #tpu.memory_space<vmem>>)
        tpu.yield
      }) : () -> ()
      %scan3A_150 = arith.constant 0 : i32
      %scan3A_151 = arith.constant 16 : i32
      %scan3A_152 = arith.addi %scan3A_150, %scan3A_151 : i32
      %scan3A_153 = arith.constant 1 : i32
      scf.for %scan3A_155 = %scan3A_150 to %scan3A_152 step %scan3A_153  : i32 {
        %mul3A_156 = arith.constant 1 : i32
        %mul3A_157 = arith.muli %scan3A_155, %mul3A_156 : i32
        %add3A_158 = arith.constant 0 : i32
        %add3A_159 = arith.addi %add3A_158, %mul3A_157 : i32
        %mul3A_160 = arith.constant 64 : i32
        %mul3A_161 = arith.muli %add3A_159, %mul3A_160 : i32
        %mul3A_162 = arith.constant 1024 : i32
        %mul3A_163 = arith.muli %add3A_143, %mul3A_162 : i32
        %mul3A_164 = arith.constant 64 : i32
        %mul3A_165 = arith.muli %add3A_159, %mul3A_164 : i32
        %add3A_166 = arith.addi %mul3A_163, %mul3A_165 : i32
        %add3A_167 = arith.constant 0 : i32
        %add3A_168 = arith.addi %mul3A_161, %add3A_167 : i32
        %add3A_169 = arith.constant 0 : i32
        %add3A_170 = arith.addi %add3A_166, %add3A_169 : i32
        %add3A_171 = vector.broadcast %add3A_170 : i32 to vector<16xi32>
        %add3A_172 = arith.addi %add3A_171, %iota3A_124 : vector<16xi32>
        %lt3A = arith.constant 20000 : i32
        %lt3A_173 = vector.broadcast %lt3A : i32 to vector<16xi32>
        %lt3A_174 = arith.cmpi slt, %add3A_172, %lt3A_173 : vector<16xi32>
        %get3A = arith.index_cast %add3A_168 : i32 to index
        %get3A_175 = tpu.vector_load %arg8[%get3A] {strides = array<i32>} : memref<1024xi32, #tpu.memory_space<vmem>>, vector<16xi32>,
        %jit3A = arith.constant 0 : i32
        %broadcast_in_dim3A = vector.broadcast %jit3A : i32 to vector<16xi32>
        %select_n3A = arith.select %lt3A_174, %get3A_175, %broadcast_in_dim3A : vector<16xi1>, vector<16xi32>
        %get3A_176 = arith.index_cast %add3A_168 : i32 to index
        %get3A_177 = tpu.vector_load %arg9[%get3A_176] {strides = array<i32>} : memref<1024xi32, #tpu.memory_space<vmem>>, vector<16xi32>,
        %jit3A_178 = arith.constant 0 : i32
        %broadcast_in_dim3A_179 = vector.broadcast %jit3A_178 : i32 to vector<16xi32>
        %select_n3A_180 = arith.select %lt3A_174, %get3A_177, %broadcast_in_dim3A_179 : vector<16xi1>, vector<16xi32>
        %gather3A = tpu.vector_load_idx %arg10[%select_n3A] : memref<10000xf32, #tpu.memory_space<vmem>>[vector<16xi32>], vector<16xf32>,
        %gather3A_181 = tpu.vector_load_idx %arg11[%select_n3A_180] : memref<10000xf32, #tpu.memory_space<vmem>>[vector<16xi32>], vector<16xf32>,
        %add3A_182 = arith.addf %gather3A, %gather3A_181 : vector<16xf32>
        %lt3A_183 = arith.constant 0.000000e+00 : f32
        %lt3A_184 = vector.broadcast %lt3A_183 : f32 to vector<16xf32>
        %lt3A_185 = arith.cmpf olt, %add3A_182, %lt3A_184 : vector<16xf32>
        %mul3A_186 = arith.constant 2.000000e-01 : f32
        %mul3A_187 = vector.broadcast %mul3A_186 : f32 to vector<16xf32>
        %mul3A_188 = arith.mulf %add3A_182, %mul3A_187 : vector<16xf32>
        %select_n3A_189 = arith.select %lt3A_185, %mul3A_188, %add3A_182 : vector<16xi1>, vector<16xf32>
        %exp3A = math.exp %select_n3A_189 : vector<16xf32>
        %jit3A_190 = arith.constant 0.000000e+00 : f32
        %broadcast_in_dim3A_191 = vector.broadcast %jit3A_190 : f32 to vector<16xf32>
        %select_n3A_192 = arith.select %lt3A_174, %exp3A, %broadcast_in_dim3A_191 : vector<16xi1>, vector<16xf32>
        %add3A_193 = vector.broadcast %mul3A_123 : i32 to vector<16xi32>
        %add3A_194 = arith.addi %select_n3A, %add3A_193 : vector<16xi32>
        %swap3A = arith.constant 0 : index
        %swap3A_195 = tpu.vector_load %arg12[%swap3A] {strides = array<i32>} : memref<64xi32, #tpu.memory_space<vmem>>, vector<16xi32>,
        tpu.vector_store %arg12[%swap3A], %add3A_194 {strides = array<i32>} : memref<64xi32, #tpu.memory_space<vmem>>, vector<16xi32>,
        %swap3A_196 = arith.constant 0 : index
        %swap3A_197 = tpu.vector_load %arg13[%swap3A_196] {strides = array<i32>} : memref<64xi32, #tpu.memory_space<vmem>>, vector<16xi32>,
        tpu.vector_store %arg13[%swap3A_196], %select_n3A_180 {strides = array<i32>} : memref<64xi32, #tpu.memory_space<vmem>>, vector<16xi32>,
        %swap3A_198 = arith.constant 0 : index
        %swap3A_199 = tpu.vector_load %arg14[%swap3A_198] {strides = array<i32>} : memref<64xf32, #tpu.memory_space<vmem>>, vector<16xf32>,
        tpu.vector_store %arg14[%swap3A_198], %select_n3A_192 {strides = array<i32>} : memref<64xf32, #tpu.memory_space<vmem>>, vector<16xf32>,
        %add3A_200 = arith.constant 16 : i32
        %add3A_201 = arith.addi %mul3A_161, %add3A_200 : i32
        %add3A_202 = arith.constant 16 : i32
        %add3A_203 = arith.addi %add3A_166, %add3A_202 : i32
        %add3A_204 = vector.broadcast %add3A_203 : i32 to vector<16xi32>
        %add3A_205 = arith.addi %add3A_204, %iota3A_124 : vector<16xi32>
        %lt3A_206 = arith.constant 20000 : i32
        %lt3A_207 = vector.broadcast %lt3A_206 : i32 to vector<16xi32>
        %lt3A_208 = arith.cmpi slt, %add3A_205, %lt3A_207 : vector<16xi32>
        %get3A_209 = arith.index_cast %add3A_201 : i32 to index
        %get3A_210 = tpu.vector_load %arg8[%get3A_209] {strides = array<i32>} : memref<1024xi32, #tpu.memory_space<vmem>>, vector<16xi32>,
        %jit3A_211 = arith.constant 0 : i32
        %broadcast_in_dim3A_212 = vector.broadcast %jit3A_211 : i32 to vector<16xi32>
        %select_n3A_213 = arith.select %lt3A_208, %get3A_210, %broadcast_in_dim3A_212 : vector<16xi1>, vector<16xi32>
        %get3A_214 = arith.index_cast %add3A_201 : i32 to index
        %get3A_215 = tpu.vector_load %arg9[%get3A_214] {strides = array<i32>} : memref<1024xi32, #tpu.memory_space<vmem>>, vector<16xi32>,
        %jit3A_216 = arith.constant 0 : i32
        %broadcast_in_dim3A_217 = vector.broadcast %jit3A_216 : i32 to vector<16xi32>
        %select_n3A_218 = arith.select %lt3A_208, %get3A_215, %broadcast_in_dim3A_217 : vector<16xi1>, vector<16xi32>
        %gather3A_219 = tpu.vector_load_idx %arg10[%select_n3A_213] : memref<10000xf32, #tpu.memory_space<vmem>>[vector<16xi32>], vector<16xf32>,
        %gather3A_220 = tpu.vector_load_idx %arg11[%select_n3A_218] : memref<10000xf32, #tpu.memory_space<vmem>>[vector<16xi32>], vector<16xf32>,
        %add3A_221 = arith.addf %gather3A_219, %gather3A_220 : vector<16xf32>
        %lt3A_222 = arith.constant 0.000000e+00 : f32
        %lt3A_223 = vector.broadcast %lt3A_222 : f32 to vector<16xf32>
        %lt3A_224 = arith.cmpf olt, %add3A_221, %lt3A_223 : vector<16xf32>
        %mul3A_225 = arith.constant 2.000000e-01 : f32
        %mul3A_226 = vector.broadcast %mul3A_225 : f32 to vector<16xf32>
        %mul3A_227 = arith.mulf %add3A_221, %mul3A_226 : vector<16xf32>
        %select_n3A_228 = arith.select %lt3A_224, %mul3A_227, %add3A_221 : vector<16xi1>, vector<16xf32>
        %exp3A_229 = math.exp %select_n3A_228 : vector<16xf32>
        %jit3A_230 = arith.constant 0.000000e+00 : f32
        %broadcast_in_dim3A_231 = vector.broadcast %jit3A_230 : f32 to vector<16xf32>
        %select_n3A_232 = arith.select %lt3A_208, %exp3A_229, %broadcast_in_dim3A_231 : vector<16xi1>, vector<16xf32>
        %add3A_233 = vector.broadcast %mul3A_123 : i32 to vector<16xi32>
        %add3A_234 = arith.addi %select_n3A_213, %add3A_233 : vector<16xi32>
        %swap3A_235 = arith.constant 16 : index
        %swap3A_236 = tpu.vector_load %arg12[%swap3A_235] {strides = array<i32>} : memref<64xi32, #tpu.memory_space<vmem>>, vector<16xi32>,
        tpu.vector_store %arg12[%swap3A_235], %add3A_234 {strides = array<i32>} : memref<64xi32, #tpu.memory_space<vmem>>, vector<16xi32>,
        %swap3A_237 = arith.constant 16 : index
        %swap3A_238 = tpu.vector_load %arg13[%swap3A_237] {strides = array<i32>} : memref<64xi32, #tpu.memory_space<vmem>>, vector<16xi32>,
        tpu.vector_store %arg13[%swap3A_237], %select_n3A_218 {strides = array<i32>} : memref<64xi32, #tpu.memory_space<vmem>>, vector<16xi32>,
        %swap3A_239 = arith.constant 16 : index
        %swap3A_240 = tpu.vector_load %arg14[%swap3A_239] {strides = array<i32>} : memref<64xf32, #tpu.memory_space<vmem>>, vector<16xf32>,
        tpu.vector_store %arg14[%swap3A_239], %select_n3A_232 {strides = array<i32>} : memref<64xf32, #tpu.memory_space<vmem>>, vector<16xf32>,
        %add3A_241 = arith.constant 32 : i32
        %add3A_242 = arith.addi %mul3A_161, %add3A_241 : i32
        %add3A_243 = arith.constant 32 : i32
        %add3A_244 = arith.addi %add3A_166, %add3A_243 : i32
        %add3A_245 = vector.broadcast %add3A_244 : i32 to vector<16xi32>
        %add3A_246 = arith.addi %add3A_245, %iota3A_124 : vector<16xi32>
        %lt3A_247 = arith.constant 20000 : i32
        %lt3A_248 = vector.broadcast %lt3A_247 : i32 to vector<16xi32>
        %lt3A_249 = arith.cmpi slt, %add3A_246, %lt3A_248 : vector<16xi32>
        %get3A_250 = arith.index_cast %add3A_242 : i32 to index
        %get3A_251 = tpu.vector_load %arg8[%get3A_250] {strides = array<i32>} : memref<1024xi32, #tpu.memory_space<vmem>>, vector<16xi32>,
        %jit3A_252 = arith.constant 0 : i32
        %broadcast_in_dim3A_253 = vector.broadcast %jit3A_252 : i32 to vector<16xi32>
        %select_n3A_254 = arith.select %lt3A_249, %get3A_251, %broadcast_in_dim3A_253 : vector<16xi1>, vector<16xi32>
        %get3A_255 = arith.index_cast %add3A_242 : i32 to index
        %get3A_256 = tpu.vector_load %arg9[%get3A_255] {strides = array<i32>} : memref<1024xi32, #tpu.memory_space<vmem>>, vector<16xi32>,
        %jit3A_257 = arith.constant 0 : i32
        %broadcast_in_dim3A_258 = vector.broadcast %jit3A_257 : i32 to vector<16xi32>
        %select_n3A_259 = arith.select %lt3A_249, %get3A_256, %broadcast_in_dim3A_258 : vector<16xi1>, vector<16xi32>
        %gather3A_260 = tpu.vector_load_idx %arg10[%select_n3A_254] : memref<10000xf32, #tpu.memory_space<vmem>>[vector<16xi32>], vector<16xf32>,
        %gather3A_261 = tpu.vector_load_idx %arg11[%select_n3A_259] : memref<10000xf32, #tpu.memory_space<vmem>>[vector<16xi32>], vector<16xf32>,
        %add3A_262 = arith.addf %gather3A_260, %gather3A_261 : vector<16xf32>
        %lt3A_263 = arith.constant 0.000000e+00 : f32
        %lt3A_264 = vector.broadcast %lt3A_263 : f32 to vector<16xf32>
        %lt3A_265 = arith.cmpf olt, %add3A_262, %lt3A_264 : vector<16xf32>
        %mul3A_266 = arith.constant 2.000000e-01 : f32
        %mul3A_267 = vector.broadcast %mul3A_266 : f32 to vector<16xf32>
        %mul3A_268 = arith.mulf %add3A_262, %mul3A_267 : vector<16xf32>
        %select_n3A_269 = arith.select %lt3A_265, %mul3A_268, %add3A_262 : vector<16xi1>, vector<16xf32>
        %exp3A_270 = math.exp %select_n3A_269 : vector<16xf32>
        %jit3A_271 = arith.constant 0.000000e+00 : f32
        %broadcast_in_dim3A_272 = vector.broadcast %jit3A_271 : f32 to vector<16xf32>
        %select_n3A_273 = arith.select %lt3A_249, %exp3A_270, %broadcast_in_dim3A_272 : vector<16xi1>, vector<16xf32>
        %add3A_274 = vector.broadcast %mul3A_123 : i32 to vector<16xi32>
        %add3A_275 = arith.addi %select_n3A_254, %add3A_274 : vector<16xi32>
        %swap3A_276 = arith.constant 32 : index
        %swap3A_277 = tpu.vector_load %arg12[%swap3A_276] {strides = array<i32>} : memref<64xi32, #tpu.memory_space<vmem>>, vector<16xi32>,
        tpu.vector_store %arg12[%swap3A_276], %add3A_275 {strides = array<i32>} : memref<64xi32, #tpu.memory_space<vmem>>, vector<16xi32>,
        %swap3A_278 = arith.constant 32 : index
        %swap3A_279 = tpu.vector_load %arg13[%swap3A_278] {strides = array<i32>} : memref<64xi32, #tpu.memory_space<vmem>>, vector<16xi32>,
        tpu.vector_store %arg13[%swap3A_278], %select_n3A_259 {strides = array<i32>} : memref<64xi32, #tpu.memory_space<vmem>>, vector<16xi32>,
        %swap3A_280 = arith.constant 32 : index
        %swap3A_281 = tpu.vector_load %arg14[%swap3A_280] {strides = array<i32>} : memref<64xf32, #tpu.memory_space<vmem>>, vector<16xf32>,
        tpu.vector_store %arg14[%swap3A_280], %select_n3A_273 {strides = array<i32>} : memref<64xf32, #tpu.memory_space<vmem>>, vector<16xf32>,
        %add3A_282 = arith.constant 48 : i32
        %add3A_283 = arith.addi %mul3A_161, %add3A_282 : i32
        %add3A_284 = arith.constant 48 : i32
        %add3A_285 = arith.addi %add3A_166, %add3A_284 : i32
        %add3A_286 = vector.broadcast %add3A_285 : i32 to vector<16xi32>
        %add3A_287 = arith.addi %add3A_286, %iota3A_124 : vector<16xi32>
        %lt3A_288 = arith.constant 20000 : i32
        %lt3A_289 = vector.broadcast %lt3A_288 : i32 to vector<16xi32>
        %lt3A_290 = arith.cmpi slt, %add3A_287, %lt3A_289 : vector<16xi32>
        %get3A_291 = arith.index_cast %add3A_283 : i32 to index
        %get3A_292 = tpu.vector_load %arg8[%get3A_291] {strides = array<i32>} : memref<1024xi32, #tpu.memory_space<vmem>>, vector<16xi32>,
        %jit3A_293 = arith.constant 0 : i32
        %broadcast_in_dim3A_294 = vector.broadcast %jit3A_293 : i32 to vector<16xi32>
        %select_n3A_295 = arith.select %lt3A_290, %get3A_292, %broadcast_in_dim3A_294 : vector<16xi1>, vector<16xi32>
        %get3A_296 = arith.index_cast %add3A_283 : i32 to index
        %get3A_297 = tpu.vector_load %arg9[%get3A_296] {strides = array<i32>} : memref<1024xi32, #tpu.memory_space<vmem>>, vector<16xi32>,
        %jit3A_298 = arith.constant 0 : i32
        %broadcast_in_dim3A_299 = vector.broadcast %jit3A_298 : i32 to vector<16xi32>
        %select_n3A_300 = arith.select %lt3A_290, %get3A_297, %broadcast_in_dim3A_299 : vector<16xi1>, vector<16xi32>
        %gather3A_301 = tpu.vector_load_idx %arg10[%select_n3A_295] : memref<10000xf32, #tpu.memory_space<vmem>>[vector<16xi32>], vector<16xf32>,
        %gather3A_302 = tpu.vector_load_idx %arg11[%select_n3A_300] : memref<10000xf32, #tpu.memory_space<vmem>>[vector<16xi32>], vector<16xf32>,
        %add3A_303 = arith.addf %gather3A_301, %gather3A_302 : vector<16xf32>
        %lt3A_304 = arith.constant 0.000000e+00 : f32
        %lt3A_305 = vector.broadcast %lt3A_304 : f32 to vector<16xf32>
        %lt3A_306 = arith.cmpf olt, %add3A_303, %lt3A_305 : vector<16xf32>
        %mul3A_307 = arith.constant 2.000000e-01 : f32
        %mul3A_308 = vector.broadcast %mul3A_307 : f32 to vector<16xf32>
        %mul3A_309 = arith.mulf %add3A_303, %mul3A_308 : vector<16xf32>
        %select_n3A_310 = arith.select %lt3A_306, %mul3A_309, %add3A_303 : vector<16xi1>, vector<16xf32>
        %exp3A_311 = math.exp %select_n3A_310 : vector<16xf32>
        %jit3A_312 = arith.constant 0.000000e+00 : f32
        %broadcast_in_dim3A_313 = vector.broadcast %jit3A_312 : f32 to vector<16xf32>
        %select_n3A_314 = arith.select %lt3A_290, %exp3A_311, %broadcast_in_dim3A_313 : vector<16xi1>, vector<16xf32>
        %add3A_315 = vector.broadcast %mul3A_123 : i32 to vector<16xi32>
        %add3A_316 = arith.addi %select_n3A_295, %add3A_315 : vector<16xi32>
        %swap3A_317 = arith.constant 48 : index
        %swap3A_318 = tpu.vector_load %arg12[%swap3A_317] {strides = array<i32>} : memref<64xi32, #tpu.memory_space<vmem>>, vector<16xi32>,
        tpu.vector_store %arg12[%swap3A_317], %add3A_316 {strides = array<i32>} : memref<64xi32, #tpu.memory_space<vmem>>, vector<16xi32>,
        %swap3A_319 = arith.constant 48 : index
        %swap3A_320 = tpu.vector_load %arg13[%swap3A_319] {strides = array<i32>} : memref<64xi32, #tpu.memory_space<vmem>>, vector<16xi32>,
        tpu.vector_store %arg13[%swap3A_319], %select_n3A_300 {strides = array<i32>} : memref<64xi32, #tpu.memory_space<vmem>>, vector<16xi32>,
        %swap3A_321 = arith.constant 48 : index
        %swap3A_322 = tpu.vector_load %arg14[%swap3A_321] {strides = array<i32>} : memref<64xf32, #tpu.memory_space<vmem>>, vector<16xf32>,
        tpu.vector_store %arg14[%swap3A_321], %select_n3A_314 {strides = array<i32>} : memref<64xf32, #tpu.memory_space<vmem>>, vector<16xf32>,
        %dma_start3A = arith.constant 0 : i32
        %dma_start3A_323 = arith.constant 0 : i32
        %dma_start3A_324 = tpu.memref_slice %arg2[%dma_start3A, %dma_start3A_323] : memref<40000x128xf32, #tpu.memory_space<hbm>> -> memref<40000x128xf32, #tpu.memory_space<hbm>>
        tpu.enqueue_indirect_dma source(%dma_start3A_324 : memref<40000x128xf32, #tpu.memory_space<hbm>>) target(%arg15 : memref<64x128xf32, #tpu.memory_space<vmem>>) offsets(%arg12 : memref<64xi32, #tpu.memory_space<vmem>>) semaphore(%arg18 : memref<!tpu.dma_semaphore, #tpu.memory_space<semaphore_mem>>)
        %dma_wait3A = arith.constant 0 : i32
        %dma_wait3A_325 = arith.constant 0 : i32
        %dma_wait3A_326 = tpu.memref_slice %arg2[%dma_wait3A, %dma_wait3A_325] : memref<40000x128xf32, #tpu.memory_space<hbm>> -> memref<40000x128xf32, #tpu.memory_space<hbm>>
        tpu.wait_indirect_dma semaphore(%arg18 : memref<!tpu.dma_semaphore, #tpu.memory_space<semaphore_mem>>) src(%dma_wait3A_326 : memref<40000x128xf32, #tpu.memory_space<hbm>>) dst(%arg15 : memref<64x128xf32, #tpu.memory_space<vmem>>)
        %scan3A_327 = arith.constant 0 : i32
        %scan3A_328 = arith.constant 64 : i32
        %scan3A_329 = arith.addi %scan3A_327, %scan3A_328 : i32
        %scan3A_330 = arith.constant 1 : i32
        scf.for %scan3A_332 = %scan3A_327 to %scan3A_329 step %scan3A_330  : i32 {
          %mul3A_333 = arith.constant 1 : i32
          %mul3A_334 = arith.muli %scan3A_332, %mul3A_333 : i32
          %add3A_335 = arith.constant 0 : i32
          %add3A_336 = arith.addi %add3A_335, %mul3A_334 : i32
          %mul3A_337 = arith.constant 0 : i32
          %mul3A_338 = vector.broadcast %mul3A_337 : i32 to vector<16xi32>
          %mul3A_339 = arith.muli %iota3A_124, %mul3A_338 : vector<16xi32>
          %add3A_340 = vector.broadcast %add3A_336 : i32 to vector<16xi32>
          %add3A_341 = arith.addi %mul3A_339, %add3A_340 : vector<16xi32>
          %gather3A_342 = tpu.vector_load_idx %arg14[%add3A_341] : memref<64xf32, #tpu.memory_space<vmem>>[vector<16xi32>], vector<16xf32>,
          %get3A_343 = arith.index_cast %add3A_336 : i32 to index
          %get3A_344 = arith.constant 0 : index
          %get3A_345 = tpu.vector_load %arg15[%get3A_343, %get3A_344] {strides = array<i32>} : memref<64x128xf32, #tpu.memory_space<vmem>>, vector<16xf32>,
          %mul3A_346 = arith.mulf %get3A_345, %gather3A_342 : vector<16xf32>
          %swap3A_347 = arith.index_cast %add3A_336 : i32 to index
          %swap3A_348 = arith.constant 0 : index
          %swap3A_349 = tpu.vector_load %arg16[%swap3A_347, %swap3A_348] {strides = array<i32>} : memref<64x144xf32, #tpu.memory_space<vmem>>, vector<16xf32>,
          tpu.vector_store %arg16[%swap3A_347, %swap3A_348], %mul3A_346 {strides = array<i32>} : memref<64x144xf32, #tpu.memory_space<vmem>>, vector<16xf32>,
          %get3A_350 = arith.index_cast %add3A_336 : i32 to index
          %get3A_351 = arith.constant 16 : index
          %get3A_352 = tpu.vector_load %arg15[%get3A_350, %get3A_351] {strides = array<i32>} : memref<64x128xf32, #tpu.memory_space<vmem>>, vector<16xf32>,
          %mul3A_353 = arith.mulf %get3A_352, %gather3A_342 : vector<16xf32>
          %swap3A_354 = arith.index_cast %add3A_336 : i32 to index
          %swap3A_355 = arith.constant 16 : index
          %swap3A_356 = tpu.vector_load %arg16[%swap3A_354, %swap3A_355] {strides = array<i32>} : memref<64x144xf32, #tpu.memory_space<vmem>>, vector<16xf32>,
          tpu.vector_store %arg16[%swap3A_354, %swap3A_355], %mul3A_353 {strides = array<i32>} : memref<64x144xf32, #tpu.memory_space<vmem>>, vector<16xf32>,
          %get3A_357 = arith.index_cast %add3A_336 : i32 to index
          %get3A_358 = arith.constant 32 : index
          %get3A_359 = tpu.vector_load %arg15[%get3A_357, %get3A_358] {strides = array<i32>} : memref<64x128xf32, #tpu.memory_space<vmem>>, vector<16xf32>,
          %mul3A_360 = arith.mulf %get3A_359, %gather3A_342 : vector<16xf32>
          %swap3A_361 = arith.index_cast %add3A_336 : i32 to index
          %swap3A_362 = arith.constant 32 : index
          %swap3A_363 = tpu.vector_load %arg16[%swap3A_361, %swap3A_362] {strides = array<i32>} : memref<64x144xf32, #tpu.memory_space<vmem>>, vector<16xf32>,
          tpu.vector_store %arg16[%swap3A_361, %swap3A_362], %mul3A_360 {strides = array<i32>} : memref<64x144xf32, #tpu.memory_space<vmem>>, vector<16xf32>,
          %get3A_364 = arith.index_cast %add3A_336 : i32 to index
          %get3A_365 = arith.constant 48 : index
          %get3A_366 = tpu.vector_load %arg15[%get3A_364, %get3A_365] {strides = array<i32>} : memref<64x128xf32, #tpu.memory_space<vmem>>, vector<16xf32>,
          %mul3A_367 = arith.mulf %get3A_366, %gather3A_342 : vector<16xf32>
          %swap3A_368 = arith.index_cast %add3A_336 : i32 to index
          %swap3A_369 = arith.constant 48 : index
          %swap3A_370 = tpu.vector_load %arg16[%swap3A_368, %swap3A_369] {strides = array<i32>} : memref<64x144xf32, #tpu.memory_space<vmem>>, vector<16xf32>,
          tpu.vector_store %arg16[%swap3A_368, %swap3A_369], %mul3A_367 {strides = array<i32>} : memref<64x144xf32, #tpu.memory_space<vmem>>, vector<16xf32>,
          %get3A_371 = arith.index_cast %add3A_336 : i32 to index
          %get3A_372 = arith.constant 64 : index
          %get3A_373 = tpu.vector_load %arg15[%get3A_371, %get3A_372] {strides = array<i32>} : memref<64x128xf32, #tpu.memory_space<vmem>>, vector<16xf32>,
          %mul3A_374 = arith.mulf %get3A_373, %gather3A_342 : vector<16xf32>
          %swap3A_375 = arith.index_cast %add3A_336 : i32 to index
          %swap3A_376 = arith.constant 64 : index
          %swap3A_377 = tpu.vector_load %arg16[%swap3A_375, %swap3A_376] {strides = array<i32>} : memref<64x144xf32, #tpu.memory_space<vmem>>, vector<16xf32>,
          tpu.vector_store %arg16[%swap3A_375, %swap3A_376], %mul3A_374 {strides = array<i32>} : memref<64x144xf32, #tpu.memory_space<vmem>>, vector<16xf32>,
          %get3A_378 = arith.index_cast %add3A_336 : i32 to index
          %get3A_379 = arith.constant 80 : index
          %get3A_380 = tpu.vector_load %arg15[%get3A_378, %get3A_379] {strides = array<i32>} : memref<64x128xf32, #tpu.memory_space<vmem>>, vector<16xf32>,
          %mul3A_381 = arith.mulf %get3A_380, %gather3A_342 : vector<16xf32>
          %swap3A_382 = arith.index_cast %add3A_336 : i32 to index
          %swap3A_383 = arith.constant 80 : index
          %swap3A_384 = tpu.vector_load %arg16[%swap3A_382, %swap3A_383] {strides = array<i32>} : memref<64x144xf32, #tpu.memory_space<vmem>>, vector<16xf32>,
          tpu.vector_store %arg16[%swap3A_382, %swap3A_383], %mul3A_381 {strides = array<i32>} : memref<64x144xf32, #tpu.memory_space<vmem>>, vector<16xf32>,
          %get3A_385 = arith.index_cast %add3A_336 : i32 to index
          %get3A_386 = arith.constant 96 : index
          %get3A_387 = tpu.vector_load %arg15[%get3A_385, %get3A_386] {strides = array<i32>} : memref<64x128xf32, #tpu.memory_space<vmem>>, vector<16xf32>,
          %mul3A_388 = arith.mulf %get3A_387, %gather3A_342 : vector<16xf32>
          %swap3A_389 = arith.index_cast %add3A_336 : i32 to index
          %swap3A_390 = arith.constant 96 : index
          %swap3A_391 = tpu.vector_load %arg16[%swap3A_389, %swap3A_390] {strides = array<i32>} : memref<64x144xf32, #tpu.memory_space<vmem>>, vector<16xf32>,
          tpu.vector_store %arg16[%swap3A_389, %swap3A_390], %mul3A_388 {strides = array<i32>} : memref<64x144xf32, #tpu.memory_space<vmem>>, vector<16xf32>,
          %get3A_392 = arith.index_cast %add3A_336 : i32 to index
          %get3A_393 = arith.constant 112 : index
          %get3A_394 = tpu.vector_load %arg15[%get3A_392, %get3A_393] {strides = array<i32>} : memref<64x128xf32, #tpu.memory_space<vmem>>, vector<16xf32>,
          %mul3A_395 = arith.mulf %get3A_394, %gather3A_342 : vector<16xf32>
          %swap3A_396 = arith.index_cast %add3A_336 : i32 to index
          %swap3A_397 = arith.constant 112 : index
          %swap3A_398 = tpu.vector_load %arg16[%swap3A_396, %swap3A_397] {strides = array<i32>} : memref<64x144xf32, #tpu.memory_space<vmem>>, vector<16xf32>,
          tpu.vector_store %arg16[%swap3A_396, %swap3A_397], %mul3A_395 {strides = array<i32>} : memref<64x144xf32, #tpu.memory_space<vmem>>, vector<16xf32>,
          %broadcast_in_dim3A_399 = arith.constant 0.000000e+00 : f32
          %broadcast_in_dim3A_400 = vector.broadcast %broadcast_in_dim3A_399 : f32 to vector<16xf32>
          %eq3A = arith.constant 0 : i32
          %eq3A_401 = vector.broadcast %eq3A : i32 to vector<16xi32>
          %eq3A_402 = arith.cmpi eq, %iota3A_124, %eq3A_401 : vector<16xi32>
          %select_n3A_403 = arith.select %eq3A_402, %gather3A_342, %broadcast_in_dim3A_400 : vector<16xi1>, vector<16xf32>
          %swap3A_404 = arith.index_cast %add3A_336 : i32 to index
          %swap3A_405 = arith.constant 128 : index
          %swap3A_406 = tpu.vector_load %arg16[%swap3A_404, %swap3A_405] {strides = array<i32>} : memref<64x144xf32, #tpu.memory_space<vmem>>, vector<16xf32>,
          tpu.vector_store %arg16[%swap3A_404, %swap3A_405], %select_n3A_403 {strides = array<i32>} : memref<64x144xf32, #tpu.memory_space<vmem>>, vector<16xf32>,
        }
        %scan3A_331 = arith.constant 64 : i32
        "tpu.region"() ({
          %run_scoped3A = tpu.sem_alloc : memref<!tpu.dma_semaphore, #tpu.memory_space<semaphore_mem>>
          %dma_start3A_332 = arith.constant 0 : i32
          %dma_start3A_333 = arith.constant 0 : i32
          %dma_start3A_334 = tpu.memref_slice %arg17[%dma_start3A_332, %dma_start3A_333] : memref<10000x144xf32, #tpu.memory_space<vmem_shared>> -> memref<10000x144xf32, #tpu.memory_space<vmem_shared>>
          tpu.enqueue_indirect_dma source(%arg16 : memref<64x144xf32, #tpu.memory_space<vmem>>) target(%dma_start3A_334 : memref<10000x144xf32, #tpu.memory_space<vmem_shared>>) offsets(%arg13 : memref<64xi32, #tpu.memory_space<vmem>>) semaphore(%run_scoped3A : memref<!tpu.dma_semaphore, #tpu.memory_space<semaphore_mem>>) {add = true}
          %dma_wait3A_335 = arith.constant 0 : i32
          %dma_wait3A_336 = arith.constant 0 : i32
          %dma_wait3A_337 = tpu.memref_slice %arg17[%dma_wait3A_335, %dma_wait3A_336] : memref<10000x144xf32, #tpu.memory_space<vmem_shared>> -> memref<10000x144xf32, #tpu.memory_space<vmem_shared>>
          tpu.wait_indirect_dma semaphore(%run_scoped3A : memref<!tpu.dma_semaphore, #tpu.memory_space<semaphore_mem>>) src(%arg16 : memref<64x144xf32, #tpu.memory_space<vmem>>) dst(%dma_wait3A_337 : memref<10000x144xf32, #tpu.memory_space<vmem_shared>>)
          tpu.yield
        }) : () -> ()
      }
      %scan3A_154 = arith.constant 16 : i32
    }
    %scan3A_129 = arith.constant 20 : i32
    %barrier3A_130 = arith.constant 0 : index
    tpu.barrier barrier_id(%barrier3A_130)
    %mul3A_131 = arith.constant 625 : i32
    %mul3A_132 = arith.muli %arg1, %mul3A_131 : i32
    %mul3A_133 = arith.constant 10000 : i32
    %mul3A_134 = arith.muli %add3A_71, %mul3A_133 : i32
    %mul3A_135 = arith.constant 625 : i32
    %mul3A_136 = arith.muli %arg1, %mul3A_135 : i32
    %add3A_137 = arith.addi %mul3A_134, %mul3A_136 : i32
    "tpu.region"() ({
      %run_scoped3A = tpu.sem_alloc : memref<!tpu.dma_semaphore, #tpu.memory_space<semaphore_mem>>
      %dma_start3A = arith.constant 0 : i32
      %dma_start3A_139 = tpu.memref_slice %arg7[%add3A_137, %dma_start3A] : memref<40000x144xf32, #tpu.memory_space<hbm>> -> memref<625x144xf32, #tpu.memory_space<hbm>>
      %dma_start3A_140 = arith.constant 0 : i32
      %dma_start3A_141 = tpu.memref_slice %arg17[%mul3A_132, %dma_start3A_140] : memref<10000x144xf32, #tpu.memory_space<vmem_shared>> -> memref<625x144xf32, #tpu.memory_space<vmem_shared>>
      tpu.enqueue_dma source(%dma_start3A_141 : memref<625x144xf32, #tpu.memory_space<vmem_shared>>) target(%dma_start3A_139 : memref<625x144xf32, #tpu.memory_space<hbm>>) target_semaphore(%run_scoped3A : memref<!tpu.dma_semaphore, #tpu.memory_space<semaphore_mem>>)
      %dma_wait3A = arith.constant 0 : i32
      %dma_wait3A_142 = tpu.memref_slice %arg7[%add3A_137, %dma_wait3A] : memref<40000x144xf32, #tpu.memory_space<hbm>> -> memref<625x144xf32, #tpu.memory_space<hbm>>
      %dma_wait3A_143 = arith.constant 0 : i32
      %dma_wait3A_144 = tpu.memref_slice %arg17[%mul3A_132, %dma_wait3A_143] : memref<10000x144xf32, #tpu.memory_space<vmem_shared>> -> memref<625x144xf32, #tpu.memory_space<vmem_shared>>
      tpu.wait_dma2 semaphore(%run_scoped3A : memref<!tpu.dma_semaphore, #tpu.memory_space<semaphore_mem>>) src(%dma_wait3A_144 : memref<625x144xf32, #tpu.memory_space<vmem_shared>>) dst(%dma_wait3A_142 : memref<625x144xf32, #tpu.memory_space<hbm>>)
      tpu.yield
    }) : () -> ()
    %barrier3A_138 = arith.constant 0 : index
    tpu.barrier barrier_id(%barrier3A_138)
    return
  }
}

#map = affine_map<(d0, d1) -> (0, 0)>
#map1 = affine_map<(d0, d1) -> (0)>
module attributes {stable_mosaic.version = 14 : i64} {
  func.func @_sc_l2_body(%arg0: i32, %arg1: i32, %arg2: memref<10000x48xf32, #tpu.memory_space<hbm>>, %arg3: memref<10000xf32, #tpu.memory_space<hbm>>, %arg4: memref<10000xf32, #tpu.memory_space<hbm>>, %arg5: memref<327680xi32, #tpu.memory_space<hbm>>, %arg6: memref<327680xi32, #tpu.memory_space<hbm>>, %arg7: memref<20000x48xf32, #tpu.memory_space<hbm>>, %arg8: memref<1024xi32, #tpu.memory_space<vmem>>, %arg9: memref<1024xi32, #tpu.memory_space<vmem>>, %arg10: memref<10000xf32, #tpu.memory_space<vmem>>, %arg11: memref<10000xf32, #tpu.memory_space<vmem>>, %arg12: memref<64xi32, #tpu.memory_space<vmem>>, %arg13: memref<64xi32, #tpu.memory_space<vmem>>, %arg14: memref<64xf32, #tpu.memory_space<vmem>>, %arg15: memref<64x48xf32, #tpu.memory_space<vmem>>, %arg16: memref<64x48xf32, #tpu.memory_space<vmem>>, %arg17: memref<10000x48xf32, #tpu.memory_space<vmem_shared>>, %arg18: memref<!tpu.dma_semaphore, #tpu.memory_space<semaphore_mem>>) attributes {dimension_semantics = [#tpu.dimension_semantics<core_parallel>, #tpu.dimension_semantics<subcore_parallel>], iteration_bounds = array<i64: 2, 16>, scalar_prefetch = 0 : i64, scratch_operands = 11 : i64, tpu.core_type = #tpu.core_type<sc_vector_subcore>, window_params = [{transform_indices = #map}, {transform_indices = #map1}, {transform_indices = #map1}, {transform_indices = #map1}, {transform_indices = #map1}, {transform_indices = #map}]} {
    %mul3A = arith.constant 16 : i32
    %mul3A_0 = arith.muli %arg0, %mul3A : i32
    %add3A = arith.addi %mul3A_0, %arg1 : i32
    %mul3A_1 = arith.constant 10000 : i32
    %mul3A_2 = arith.muli %add3A, %mul3A_1 : i32
    "tpu.region"() ({
      %run_scoped3A = tpu.sem_alloc : memref<!tpu.dma_semaphore, #tpu.memory_space<semaphore_mem>>
      tpu.enqueue_dma source(%arg3 : memref<10000xf32, #tpu.memory_space<hbm>>) target(%arg10 : memref<10000xf32, #tpu.memory_space<vmem>>) target_semaphore(%run_scoped3A : memref<!tpu.dma_semaphore, #tpu.memory_space<semaphore_mem>>)
      tpu.wait_dma2 semaphore(%run_scoped3A : memref<!tpu.dma_semaphore, #tpu.memory_space<semaphore_mem>>) src(%arg3 : memref<10000xf32, #tpu.memory_space<hbm>>) dst(%arg10 : memref<10000xf32, #tpu.memory_space<vmem>>)
      tpu.yield
    }) : () -> ()
    "tpu.region"() ({
      %run_scoped3A = tpu.sem_alloc : memref<!tpu.dma_semaphore, #tpu.memory_space<semaphore_mem>>
      tpu.enqueue_dma source(%arg4 : memref<10000xf32, #tpu.memory_space<hbm>>) target(%arg11 : memref<10000xf32, #tpu.memory_space<vmem>>) target_semaphore(%run_scoped3A : memref<!tpu.dma_semaphore, #tpu.memory_space<semaphore_mem>>)
      tpu.wait_dma2 semaphore(%run_scoped3A : memref<!tpu.dma_semaphore, #tpu.memory_space<semaphore_mem>>) src(%arg4 : memref<10000xf32, #tpu.memory_space<hbm>>) dst(%arg11 : memref<10000xf32, #tpu.memory_space<vmem>>)
      tpu.yield
    }) : () -> ()
    %scan3A = arith.constant 0 : i32
    %scan3A_3 = arith.constant 64 : i32
    %scan3A_4 = arith.addi %scan3A, %scan3A_3 : i32
    %scan3A_5 = arith.constant 1 : i32
    scf.for %scan3A_60 = %scan3A to %scan3A_4 step %scan3A_5  : i32 {
      %mul3A_61 = arith.constant 1 : i32
      %mul3A_62 = arith.muli %scan3A_60, %mul3A_61 : i32
      %add3A_63 = arith.constant 0 : i32
      %add3A_64 = arith.addi %add3A_63, %mul3A_62 : i32
      %broadcast_in_dim3A = arith.constant 0.000000e+00 : f32
      %broadcast_in_dim3A_65 = vector.broadcast %broadcast_in_dim3A : f32 to vector<16xf32>
      %swap3A = arith.index_cast %add3A_64 : i32 to index
      %swap3A_66 = arith.constant 0 : index
      %swap3A_67 = tpu.vector_load %arg16[%swap3A, %swap3A_66] {strides = array<i32>} : memref<64x48xf32, #tpu.memory_space<vmem>>, vector<16xf32>,
      tpu.vector_store %arg16[%swap3A, %swap3A_66], %broadcast_in_dim3A_65 {strides = array<i32>} : memref<64x48xf32, #tpu.memory_space<vmem>>, vector<16xf32>,
      %broadcast_in_dim3A_68 = arith.constant 0.000000e+00 : f32
      %broadcast_in_dim3A_69 = vector.broadcast %broadcast_in_dim3A_68 : f32 to vector<16xf32>
      %swap3A_70 = arith.index_cast %add3A_64 : i32 to index
      %swap3A_71 = arith.constant 16 : index
      %swap3A_72 = tpu.vector_load %arg16[%swap3A_70, %swap3A_71] {strides = array<i32>} : memref<64x48xf32, #tpu.memory_space<vmem>>, vector<16xf32>,
      tpu.vector_store %arg16[%swap3A_70, %swap3A_71], %broadcast_in_dim3A_69 {strides = array<i32>} : memref<64x48xf32, #tpu.memory_space<vmem>>, vector<16xf32>,
      %broadcast_in_dim3A_73 = arith.constant 0.000000e+00 : f32
      %broadcast_in_dim3A_74 = vector.broadcast %broadcast_in_dim3A_73 : f32 to vector<16xf32>
      %swap3A_75 = arith.index_cast %add3A_64 : i32 to index
      %swap3A_76 = arith.constant 32 : index
      %swap3A_77 = tpu.vector_load %arg16[%swap3A_75, %swap3A_76] {strides = array<i32>} : memref<64x48xf32, #tpu.memory_space<vmem>>, vector<16xf32>,
      tpu.vector_store %arg16[%swap3A_75, %swap3A_76], %broadcast_in_dim3A_74 {strides = array<i32>} : memref<64x48xf32, #tpu.memory_space<vmem>>, vector<16xf32>,
    }
    %scan3A_6 = arith.constant 64 : i32
    %mul3A_7 = arith.constant 625 : i32
    %mul3A_8 = arith.muli %arg1, %mul3A_7 : i32
    %add3A_9 = arith.constant 0 : i32
    %add3A_10 = arith.addi %mul3A_8, %add3A_9 : i32
    "tpu.region"() ({
      %run_scoped3A = tpu.sem_alloc : memref<!tpu.dma_semaphore, #tpu.memory_space<semaphore_mem>>
      %dma_start3A = arith.constant 0 : i32
      %dma_start3A_60 = arith.constant 0 : i32
      %dma_start3A_61 = tpu.memref_slice %arg16[%dma_start3A, %dma_start3A_60] : memref<64x48xf32, #tpu.memory_space<vmem>> -> memref<64x48xf32, #tpu.memory_space<vmem>>
      %dma_start3A_62 = arith.constant 0 : i32
      %dma_start3A_63 = tpu.memref_slice %arg17[%add3A_10, %dma_start3A_62] : memref<10000x48xf32, #tpu.memory_space<vmem_shared>> -> memref<64x48xf32, #tpu.memory_space<vmem_shared>>
      %dma_start3A_64 = arith.constant 0 : i32
      %dma_start3A_65 = tpu.memref_slice %arg17[%add3A_10, %dma_start3A_64] : memref<10000x48xf32, #tpu.memory_space<vmem_shared>> -> memref<64x48xf32, #tpu.memory_space<vmem_shared>>
      %dma_start3A_66 = arith.constant 0 : i32
      %dma_start3A_67 = arith.constant 0 : i32
      %dma_start3A_68 = tpu.memref_slice %arg16[%dma_start3A_66, %dma_start3A_67] : memref<64x48xf32, #tpu.memory_space<vmem>> -> memref<64x48xf32, #tpu.memory_space<vmem>>
      tpu.enqueue_dma source(%dma_start3A_68 : memref<64x48xf32, #tpu.memory_space<vmem>>) target(%dma_start3A_65 : memref<64x48xf32, #tpu.memory_space<vmem_shared>>) target_semaphore(%run_scoped3A : memref<!tpu.dma_semaphore, #tpu.memory_space<semaphore_mem>>)
      %dma_wait3A = arith.constant 0 : i32
      %dma_wait3A_69 = arith.constant 0 : i32
      %dma_wait3A_70 = tpu.memref_slice %arg16[%dma_wait3A, %dma_wait3A_69] : memref<64x48xf32, #tpu.memory_space<vmem>> -> memref<64x48xf32, #tpu.memory_space<vmem>>
      %dma_wait3A_71 = arith.constant 0 : i32
      %dma_wait3A_72 = tpu.memref_slice %arg17[%add3A_10, %dma_wait3A_71] : memref<10000x48xf32, #tpu.memory_space<vmem_shared>> -> memref<64x48xf32, #tpu.memory_space<vmem_shared>>
      %dma_wait3A_73 = arith.constant 0 : i32
      %dma_wait3A_74 = tpu.memref_slice %arg17[%add3A_10, %dma_wait3A_73] : memref<10000x48xf32, #tpu.memory_space<vmem_shared>> -> memref<64x48xf32, #tpu.memory_space<vmem_shared>>
      %dma_wait3A_75 = arith.constant 0 : i32
      %dma_wait3A_76 = arith.constant 0 : i32
      %dma_wait3A_77 = tpu.memref_slice %arg16[%dma_wait3A_75, %dma_wait3A_76] : memref<64x48xf32, #tpu.memory_space<vmem>> -> memref<64x48xf32, #tpu.memory_space<vmem>>
      tpu.wait_dma2 semaphore(%run_scoped3A : memref<!tpu.dma_semaphore, #tpu.memory_space<semaphore_mem>>) src(%dma_wait3A_77 : memref<64x48xf32, #tpu.memory_space<vmem>>) dst(%dma_wait3A_74 : memref<64x48xf32, #tpu.memory_space<vmem_shared>>)
      tpu.yield
    }) : () -> ()
    %mul3A_11 = arith.constant 625 : i32
    %mul3A_12 = arith.muli %arg1, %mul3A_11 : i32
    %add3A_13 = arith.constant 64 : i32
    %add3A_14 = arith.addi %mul3A_12, %add3A_13 : i32
    "tpu.region"() ({
      %run_scoped3A = tpu.sem_alloc : memref<!tpu.dma_semaphore, #tpu.memory_space<semaphore_mem>>
      %dma_start3A = arith.constant 0 : i32
      %dma_start3A_60 = arith.constant 0 : i32
      %dma_start3A_61 = tpu.memref_slice %arg16[%dma_start3A, %dma_start3A_60] : memref<64x48xf32, #tpu.memory_space<vmem>> -> memref<64x48xf32, #tpu.memory_space<vmem>>
      %dma_start3A_62 = arith.constant 0 : i32
      %dma_start3A_63 = tpu.memref_slice %arg17[%add3A_14, %dma_start3A_62] : memref<10000x48xf32, #tpu.memory_space<vmem_shared>> -> memref<64x48xf32, #tpu.memory_space<vmem_shared>>
      %dma_start3A_64 = arith.constant 0 : i32
      %dma_start3A_65 = tpu.memref_slice %arg17[%add3A_14, %dma_start3A_64] : memref<10000x48xf32, #tpu.memory_space<vmem_shared>> -> memref<64x48xf32, #tpu.memory_space<vmem_shared>>
      %dma_start3A_66 = arith.constant 0 : i32
      %dma_start3A_67 = arith.constant 0 : i32
      %dma_start3A_68 = tpu.memref_slice %arg16[%dma_start3A_66, %dma_start3A_67] : memref<64x48xf32, #tpu.memory_space<vmem>> -> memref<64x48xf32, #tpu.memory_space<vmem>>
      tpu.enqueue_dma source(%dma_start3A_68 : memref<64x48xf32, #tpu.memory_space<vmem>>) target(%dma_start3A_65 : memref<64x48xf32, #tpu.memory_space<vmem_shared>>) target_semaphore(%run_scoped3A : memref<!tpu.dma_semaphore, #tpu.memory_space<semaphore_mem>>)
      %dma_wait3A = arith.constant 0 : i32
      %dma_wait3A_69 = arith.constant 0 : i32
      %dma_wait3A_70 = tpu.memref_slice %arg16[%dma_wait3A, %dma_wait3A_69] : memref<64x48xf32, #tpu.memory_space<vmem>> -> memref<64x48xf32, #tpu.memory_space<vmem>>
      %dma_wait3A_71 = arith.constant 0 : i32
      %dma_wait3A_72 = tpu.memref_slice %arg17[%add3A_14, %dma_wait3A_71] : memref<10000x48xf32, #tpu.memory_space<vmem_shared>> -> memref<64x48xf32, #tpu.memory_space<vmem_shared>>
      %dma_wait3A_73 = arith.constant 0 : i32
      %dma_wait3A_74 = tpu.memref_slice %arg17[%add3A_14, %dma_wait3A_73] : memref<10000x48xf32, #tpu.memory_space<vmem_shared>> -> memref<64x48xf32, #tpu.memory_space<vmem_shared>>
      %dma_wait3A_75 = arith.constant 0 : i32
      %dma_wait3A_76 = arith.constant 0 : i32
      %dma_wait3A_77 = tpu.memref_slice %arg16[%dma_wait3A_75, %dma_wait3A_76] : memref<64x48xf32, #tpu.memory_space<vmem>> -> memref<64x48xf32, #tpu.memory_space<vmem>>
      tpu.wait_dma2 semaphore(%run_scoped3A : memref<!tpu.dma_semaphore, #tpu.memory_space<semaphore_mem>>) src(%dma_wait3A_77 : memref<64x48xf32, #tpu.memory_space<vmem>>) dst(%dma_wait3A_74 : memref<64x48xf32, #tpu.memory_space<vmem_shared>>)
      tpu.yield
    }) : () -> ()
    %mul3A_15 = arith.constant 625 : i32
    %mul3A_16 = arith.muli %arg1, %mul3A_15 : i32
    %add3A_17 = arith.constant 128 : i32
    %add3A_18 = arith.addi %mul3A_16, %add3A_17 : i32
    "tpu.region"() ({
      %run_scoped3A = tpu.sem_alloc : memref<!tpu.dma_semaphore, #tpu.memory_space<semaphore_mem>>
      %dma_start3A = arith.constant 0 : i32
      %dma_start3A_60 = arith.constant 0 : i32
      %dma_start3A_61 = tpu.memref_slice %arg16[%dma_start3A, %dma_start3A_60] : memref<64x48xf32, #tpu.memory_space<vmem>> -> memref<64x48xf32, #tpu.memory_space<vmem>>
      %dma_start3A_62 = arith.constant 0 : i32
      %dma_start3A_63 = tpu.memref_slice %arg17[%add3A_18, %dma_start3A_62] : memref<10000x48xf32, #tpu.memory_space<vmem_shared>> -> memref<64x48xf32, #tpu.memory_space<vmem_shared>>
      %dma_start3A_64 = arith.constant 0 : i32
      %dma_start3A_65 = tpu.memref_slice %arg17[%add3A_18, %dma_start3A_64] : memref<10000x48xf32, #tpu.memory_space<vmem_shared>> -> memref<64x48xf32, #tpu.memory_space<vmem_shared>>
      %dma_start3A_66 = arith.constant 0 : i32
      %dma_start3A_67 = arith.constant 0 : i32
      %dma_start3A_68 = tpu.memref_slice %arg16[%dma_start3A_66, %dma_start3A_67] : memref<64x48xf32, #tpu.memory_space<vmem>> -> memref<64x48xf32, #tpu.memory_space<vmem>>
      tpu.enqueue_dma source(%dma_start3A_68 : memref<64x48xf32, #tpu.memory_space<vmem>>) target(%dma_start3A_65 : memref<64x48xf32, #tpu.memory_space<vmem_shared>>) target_semaphore(%run_scoped3A : memref<!tpu.dma_semaphore, #tpu.memory_space<semaphore_mem>>)
      %dma_wait3A = arith.constant 0 : i32
      %dma_wait3A_69 = arith.constant 0 : i32
      %dma_wait3A_70 = tpu.memref_slice %arg16[%dma_wait3A, %dma_wait3A_69] : memref<64x48xf32, #tpu.memory_space<vmem>> -> memref<64x48xf32, #tpu.memory_space<vmem>>
      %dma_wait3A_71 = arith.constant 0 : i32
      %dma_wait3A_72 = tpu.memref_slice %arg17[%add3A_18, %dma_wait3A_71] : memref<10000x48xf32, #tpu.memory_space<vmem_shared>> -> memref<64x48xf32, #tpu.memory_space<vmem_shared>>
      %dma_wait3A_73 = arith.constant 0 : i32
      %dma_wait3A_74 = tpu.memref_slice %arg17[%add3A_18, %dma_wait3A_73] : memref<10000x48xf32, #tpu.memory_space<vmem_shared>> -> memref<64x48xf32, #tpu.memory_space<vmem_shared>>
      %dma_wait3A_75 = arith.constant 0 : i32
      %dma_wait3A_76 = arith.constant 0 : i32
      %dma_wait3A_77 = tpu.memref_slice %arg16[%dma_wait3A_75, %dma_wait3A_76] : memref<64x48xf32, #tpu.memory_space<vmem>> -> memref<64x48xf32, #tpu.memory_space<vmem>>
      tpu.wait_dma2 semaphore(%run_scoped3A : memref<!tpu.dma_semaphore, #tpu.memory_space<semaphore_mem>>) src(%dma_wait3A_77 : memref<64x48xf32, #tpu.memory_space<vmem>>) dst(%dma_wait3A_74 : memref<64x48xf32, #tpu.memory_space<vmem_shared>>)
      tpu.yield
    }) : () -> ()
    %mul3A_19 = arith.constant 625 : i32
    %mul3A_20 = arith.muli %arg1, %mul3A_19 : i32
    %add3A_21 = arith.constant 192 : i32
    %add3A_22 = arith.addi %mul3A_20, %add3A_21 : i32
    "tpu.region"() ({
      %run_scoped3A = tpu.sem_alloc : memref<!tpu.dma_semaphore, #tpu.memory_space<semaphore_mem>>
      %dma_start3A = arith.constant 0 : i32
      %dma_start3A_60 = arith.constant 0 : i32
      %dma_start3A_61 = tpu.memref_slice %arg16[%dma_start3A, %dma_start3A_60] : memref<64x48xf32, #tpu.memory_space<vmem>> -> memref<64x48xf32, #tpu.memory_space<vmem>>
      %dma_start3A_62 = arith.constant 0 : i32
      %dma_start3A_63 = tpu.memref_slice %arg17[%add3A_22, %dma_start3A_62] : memref<10000x48xf32, #tpu.memory_space<vmem_shared>> -> memref<64x48xf32, #tpu.memory_space<vmem_shared>>
      %dma_start3A_64 = arith.constant 0 : i32
      %dma_start3A_65 = tpu.memref_slice %arg17[%add3A_22, %dma_start3A_64] : memref<10000x48xf32, #tpu.memory_space<vmem_shared>> -> memref<64x48xf32, #tpu.memory_space<vmem_shared>>
      %dma_start3A_66 = arith.constant 0 : i32
      %dma_start3A_67 = arith.constant 0 : i32
      %dma_start3A_68 = tpu.memref_slice %arg16[%dma_start3A_66, %dma_start3A_67] : memref<64x48xf32, #tpu.memory_space<vmem>> -> memref<64x48xf32, #tpu.memory_space<vmem>>
      tpu.enqueue_dma source(%dma_start3A_68 : memref<64x48xf32, #tpu.memory_space<vmem>>) target(%dma_start3A_65 : memref<64x48xf32, #tpu.memory_space<vmem_shared>>) target_semaphore(%run_scoped3A : memref<!tpu.dma_semaphore, #tpu.memory_space<semaphore_mem>>)
      %dma_wait3A = arith.constant 0 : i32
      %dma_wait3A_69 = arith.constant 0 : i32
      %dma_wait3A_70 = tpu.memref_slice %arg16[%dma_wait3A, %dma_wait3A_69] : memref<64x48xf32, #tpu.memory_space<vmem>> -> memref<64x48xf32, #tpu.memory_space<vmem>>
      %dma_wait3A_71 = arith.constant 0 : i32
      %dma_wait3A_72 = tpu.memref_slice %arg17[%add3A_22, %dma_wait3A_71] : memref<10000x48xf32, #tpu.memory_space<vmem_shared>> -> memref<64x48xf32, #tpu.memory_space<vmem_shared>>
      %dma_wait3A_73 = arith.constant 0 : i32
      %dma_wait3A_74 = tpu.memref_slice %arg17[%add3A_22, %dma_wait3A_73] : memref<10000x48xf32, #tpu.memory_space<vmem_shared>> -> memref<64x48xf32, #tpu.memory_space<vmem_shared>>
      %dma_wait3A_75 = arith.constant 0 : i32
      %dma_wait3A_76 = arith.constant 0 : i32
      %dma_wait3A_77 = tpu.memref_slice %arg16[%dma_wait3A_75, %dma_wait3A_76] : memref<64x48xf32, #tpu.memory_space<vmem>> -> memref<64x48xf32, #tpu.memory_space<vmem>>
      tpu.wait_dma2 semaphore(%run_scoped3A : memref<!tpu.dma_semaphore, #tpu.memory_space<semaphore_mem>>) src(%dma_wait3A_77 : memref<64x48xf32, #tpu.memory_space<vmem>>) dst(%dma_wait3A_74 : memref<64x48xf32, #tpu.memory_space<vmem_shared>>)
      tpu.yield
    }) : () -> ()
    %mul3A_23 = arith.constant 625 : i32
    %mul3A_24 = arith.muli %arg1, %mul3A_23 : i32
    %add3A_25 = arith.constant 256 : i32
    %add3A_26 = arith.addi %mul3A_24, %add3A_25 : i32
    "tpu.region"() ({
      %run_scoped3A = tpu.sem_alloc : memref<!tpu.dma_semaphore, #tpu.memory_space<semaphore_mem>>
      %dma_start3A = arith.constant 0 : i32
      %dma_start3A_60 = arith.constant 0 : i32
      %dma_start3A_61 = tpu.memref_slice %arg16[%dma_start3A, %dma_start3A_60] : memref<64x48xf32, #tpu.memory_space<vmem>> -> memref<64x48xf32, #tpu.memory_space<vmem>>
      %dma_start3A_62 = arith.constant 0 : i32
      %dma_start3A_63 = tpu.memref_slice %arg17[%add3A_26, %dma_start3A_62] : memref<10000x48xf32, #tpu.memory_space<vmem_shared>> -> memref<64x48xf32, #tpu.memory_space<vmem_shared>>
      %dma_start3A_64 = arith.constant 0 : i32
      %dma_start3A_65 = tpu.memref_slice %arg17[%add3A_26, %dma_start3A_64] : memref<10000x48xf32, #tpu.memory_space<vmem_shared>> -> memref<64x48xf32, #tpu.memory_space<vmem_shared>>
      %dma_start3A_66 = arith.constant 0 : i32
      %dma_start3A_67 = arith.constant 0 : i32
      %dma_start3A_68 = tpu.memref_slice %arg16[%dma_start3A_66, %dma_start3A_67] : memref<64x48xf32, #tpu.memory_space<vmem>> -> memref<64x48xf32, #tpu.memory_space<vmem>>
      tpu.enqueue_dma source(%dma_start3A_68 : memref<64x48xf32, #tpu.memory_space<vmem>>) target(%dma_start3A_65 : memref<64x48xf32, #tpu.memory_space<vmem_shared>>) target_semaphore(%run_scoped3A : memref<!tpu.dma_semaphore, #tpu.memory_space<semaphore_mem>>)
      %dma_wait3A = arith.constant 0 : i32
      %dma_wait3A_69 = arith.constant 0 : i32
      %dma_wait3A_70 = tpu.memref_slice %arg16[%dma_wait3A, %dma_wait3A_69] : memref<64x48xf32, #tpu.memory_space<vmem>> -> memref<64x48xf32, #tpu.memory_space<vmem>>
      %dma_wait3A_71 = arith.constant 0 : i32
      %dma_wait3A_72 = tpu.memref_slice %arg17[%add3A_26, %dma_wait3A_71] : memref<10000x48xf32, #tpu.memory_space<vmem_shared>> -> memref<64x48xf32, #tpu.memory_space<vmem_shared>>
      %dma_wait3A_73 = arith.constant 0 : i32
      %dma_wait3A_74 = tpu.memref_slice %arg17[%add3A_26, %dma_wait3A_73] : memref<10000x48xf32, #tpu.memory_space<vmem_shared>> -> memref<64x48xf32, #tpu.memory_space<vmem_shared>>
      %dma_wait3A_75 = arith.constant 0 : i32
      %dma_wait3A_76 = arith.constant 0 : i32
      %dma_wait3A_77 = tpu.memref_slice %arg16[%dma_wait3A_75, %dma_wait3A_76] : memref<64x48xf32, #tpu.memory_space<vmem>> -> memref<64x48xf32, #tpu.memory_space<vmem>>
      tpu.wait_dma2 semaphore(%run_scoped3A : memref<!tpu.dma_semaphore, #tpu.memory_space<semaphore_mem>>) src(%dma_wait3A_77 : memref<64x48xf32, #tpu.memory_space<vmem>>) dst(%dma_wait3A_74 : memref<64x48xf32, #tpu.memory_space<vmem_shared>>)
      tpu.yield
    }) : () -> ()
    %mul3A_27 = arith.constant 625 : i32
    %mul3A_28 = arith.muli %arg1, %mul3A_27 : i32
    %add3A_29 = arith.constant 320 : i32
    %add3A_30 = arith.addi %mul3A_28, %add3A_29 : i32
    "tpu.region"() ({
      %run_scoped3A = tpu.sem_alloc : memref<!tpu.dma_semaphore, #tpu.memory_space<semaphore_mem>>
      %dma_start3A = arith.constant 0 : i32
      %dma_start3A_60 = arith.constant 0 : i32
      %dma_start3A_61 = tpu.memref_slice %arg16[%dma_start3A, %dma_start3A_60] : memref<64x48xf32, #tpu.memory_space<vmem>> -> memref<64x48xf32, #tpu.memory_space<vmem>>
      %dma_start3A_62 = arith.constant 0 : i32
      %dma_start3A_63 = tpu.memref_slice %arg17[%add3A_30, %dma_start3A_62] : memref<10000x48xf32, #tpu.memory_space<vmem_shared>> -> memref<64x48xf32, #tpu.memory_space<vmem_shared>>
      %dma_start3A_64 = arith.constant 0 : i32
      %dma_start3A_65 = tpu.memref_slice %arg17[%add3A_30, %dma_start3A_64] : memref<10000x48xf32, #tpu.memory_space<vmem_shared>> -> memref<64x48xf32, #tpu.memory_space<vmem_shared>>
      %dma_start3A_66 = arith.constant 0 : i32
      %dma_start3A_67 = arith.constant 0 : i32
      %dma_start3A_68 = tpu.memref_slice %arg16[%dma_start3A_66, %dma_start3A_67] : memref<64x48xf32, #tpu.memory_space<vmem>> -> memref<64x48xf32, #tpu.memory_space<vmem>>
      tpu.enqueue_dma source(%dma_start3A_68 : memref<64x48xf32, #tpu.memory_space<vmem>>) target(%dma_start3A_65 : memref<64x48xf32, #tpu.memory_space<vmem_shared>>) target_semaphore(%run_scoped3A : memref<!tpu.dma_semaphore, #tpu.memory_space<semaphore_mem>>)
      %dma_wait3A = arith.constant 0 : i32
      %dma_wait3A_69 = arith.constant 0 : i32
      %dma_wait3A_70 = tpu.memref_slice %arg16[%dma_wait3A, %dma_wait3A_69] : memref<64x48xf32, #tpu.memory_space<vmem>> -> memref<64x48xf32, #tpu.memory_space<vmem>>
      %dma_wait3A_71 = arith.constant 0 : i32
      %dma_wait3A_72 = tpu.memref_slice %arg17[%add3A_30, %dma_wait3A_71] : memref<10000x48xf32, #tpu.memory_space<vmem_shared>> -> memref<64x48xf32, #tpu.memory_space<vmem_shared>>
      %dma_wait3A_73 = arith.constant 0 : i32
      %dma_wait3A_74 = tpu.memref_slice %arg17[%add3A_30, %dma_wait3A_73] : memref<10000x48xf32, #tpu.memory_space<vmem_shared>> -> memref<64x48xf32, #tpu.memory_space<vmem_shared>>
      %dma_wait3A_75 = arith.constant 0 : i32
      %dma_wait3A_76 = arith.constant 0 : i32
      %dma_wait3A_77 = tpu.memref_slice %arg16[%dma_wait3A_75, %dma_wait3A_76] : memref<64x48xf32, #tpu.memory_space<vmem>> -> memref<64x48xf32, #tpu.memory_space<vmem>>
      tpu.wait_dma2 semaphore(%run_scoped3A : memref<!tpu.dma_semaphore, #tpu.memory_space<semaphore_mem>>) src(%dma_wait3A_77 : memref<64x48xf32, #tpu.memory_space<vmem>>) dst(%dma_wait3A_74 : memref<64x48xf32, #tpu.memory_space<vmem_shared>>)
      tpu.yield
    }) : () -> ()
    %mul3A_31 = arith.constant 625 : i32
    %mul3A_32 = arith.muli %arg1, %mul3A_31 : i32
    %add3A_33 = arith.constant 384 : i32
    %add3A_34 = arith.addi %mul3A_32, %add3A_33 : i32
    "tpu.region"() ({
      %run_scoped3A = tpu.sem_alloc : memref<!tpu.dma_semaphore, #tpu.memory_space<semaphore_mem>>
      %dma_start3A = arith.constant 0 : i32
      %dma_start3A_60 = arith.constant 0 : i32
      %dma_start3A_61 = tpu.memref_slice %arg16[%dma_start3A, %dma_start3A_60] : memref<64x48xf32, #tpu.memory_space<vmem>> -> memref<64x48xf32, #tpu.memory_space<vmem>>
      %dma_start3A_62 = arith.constant 0 : i32
      %dma_start3A_63 = tpu.memref_slice %arg17[%add3A_34, %dma_start3A_62] : memref<10000x48xf32, #tpu.memory_space<vmem_shared>> -> memref<64x48xf32, #tpu.memory_space<vmem_shared>>
      %dma_start3A_64 = arith.constant 0 : i32
      %dma_start3A_65 = tpu.memref_slice %arg17[%add3A_34, %dma_start3A_64] : memref<10000x48xf32, #tpu.memory_space<vmem_shared>> -> memref<64x48xf32, #tpu.memory_space<vmem_shared>>
      %dma_start3A_66 = arith.constant 0 : i32
      %dma_start3A_67 = arith.constant 0 : i32
      %dma_start3A_68 = tpu.memref_slice %arg16[%dma_start3A_66, %dma_start3A_67] : memref<64x48xf32, #tpu.memory_space<vmem>> -> memref<64x48xf32, #tpu.memory_space<vmem>>
      tpu.enqueue_dma source(%dma_start3A_68 : memref<64x48xf32, #tpu.memory_space<vmem>>) target(%dma_start3A_65 : memref<64x48xf32, #tpu.memory_space<vmem_shared>>) target_semaphore(%run_scoped3A : memref<!tpu.dma_semaphore, #tpu.memory_space<semaphore_mem>>)
      %dma_wait3A = arith.constant 0 : i32
      %dma_wait3A_69 = arith.constant 0 : i32
      %dma_wait3A_70 = tpu.memref_slice %arg16[%dma_wait3A, %dma_wait3A_69] : memref<64x48xf32, #tpu.memory_space<vmem>> -> memref<64x48xf32, #tpu.memory_space<vmem>>
      %dma_wait3A_71 = arith.constant 0 : i32
      %dma_wait3A_72 = tpu.memref_slice %arg17[%add3A_34, %dma_wait3A_71] : memref<10000x48xf32, #tpu.memory_space<vmem_shared>> -> memref<64x48xf32, #tpu.memory_space<vmem_shared>>
      %dma_wait3A_73 = arith.constant 0 : i32
      %dma_wait3A_74 = tpu.memref_slice %arg17[%add3A_34, %dma_wait3A_73] : memref<10000x48xf32, #tpu.memory_space<vmem_shared>> -> memref<64x48xf32, #tpu.memory_space<vmem_shared>>
      %dma_wait3A_75 = arith.constant 0 : i32
      %dma_wait3A_76 = arith.constant 0 : i32
      %dma_wait3A_77 = tpu.memref_slice %arg16[%dma_wait3A_75, %dma_wait3A_76] : memref<64x48xf32, #tpu.memory_space<vmem>> -> memref<64x48xf32, #tpu.memory_space<vmem>>
      tpu.wait_dma2 semaphore(%run_scoped3A : memref<!tpu.dma_semaphore, #tpu.memory_space<semaphore_mem>>) src(%dma_wait3A_77 : memref<64x48xf32, #tpu.memory_space<vmem>>) dst(%dma_wait3A_74 : memref<64x48xf32, #tpu.memory_space<vmem_shared>>)
      tpu.yield
    }) : () -> ()
    %mul3A_35 = arith.constant 625 : i32
    %mul3A_36 = arith.muli %arg1, %mul3A_35 : i32
    %add3A_37 = arith.constant 448 : i32
    %add3A_38 = arith.addi %mul3A_36, %add3A_37 : i32
    "tpu.region"() ({
      %run_scoped3A = tpu.sem_alloc : memref<!tpu.dma_semaphore, #tpu.memory_space<semaphore_mem>>
      %dma_start3A = arith.constant 0 : i32
      %dma_start3A_60 = arith.constant 0 : i32
      %dma_start3A_61 = tpu.memref_slice %arg16[%dma_start3A, %dma_start3A_60] : memref<64x48xf32, #tpu.memory_space<vmem>> -> memref<64x48xf32, #tpu.memory_space<vmem>>
      %dma_start3A_62 = arith.constant 0 : i32
      %dma_start3A_63 = tpu.memref_slice %arg17[%add3A_38, %dma_start3A_62] : memref<10000x48xf32, #tpu.memory_space<vmem_shared>> -> memref<64x48xf32, #tpu.memory_space<vmem_shared>>
      %dma_start3A_64 = arith.constant 0 : i32
      %dma_start3A_65 = tpu.memref_slice %arg17[%add3A_38, %dma_start3A_64] : memref<10000x48xf32, #tpu.memory_space<vmem_shared>> -> memref<64x48xf32, #tpu.memory_space<vmem_shared>>
      %dma_start3A_66 = arith.constant 0 : i32
      %dma_start3A_67 = arith.constant 0 : i32
      %dma_start3A_68 = tpu.memref_slice %arg16[%dma_start3A_66, %dma_start3A_67] : memref<64x48xf32, #tpu.memory_space<vmem>> -> memref<64x48xf32, #tpu.memory_space<vmem>>
      tpu.enqueue_dma source(%dma_start3A_68 : memref<64x48xf32, #tpu.memory_space<vmem>>) target(%dma_start3A_65 : memref<64x48xf32, #tpu.memory_space<vmem_shared>>) target_semaphore(%run_scoped3A : memref<!tpu.dma_semaphore, #tpu.memory_space<semaphore_mem>>)
      %dma_wait3A = arith.constant 0 : i32
      %dma_wait3A_69 = arith.constant 0 : i32
      %dma_wait3A_70 = tpu.memref_slice %arg16[%dma_wait3A, %dma_wait3A_69] : memref<64x48xf32, #tpu.memory_space<vmem>> -> memref<64x48xf32, #tpu.memory_space<vmem>>
      %dma_wait3A_71 = arith.constant 0 : i32
      %dma_wait3A_72 = tpu.memref_slice %arg17[%add3A_38, %dma_wait3A_71] : memref<10000x48xf32, #tpu.memory_space<vmem_shared>> -> memref<64x48xf32, #tpu.memory_space<vmem_shared>>
      %dma_wait3A_73 = arith.constant 0 : i32
      %dma_wait3A_74 = tpu.memref_slice %arg17[%add3A_38, %dma_wait3A_73] : memref<10000x48xf32, #tpu.memory_space<vmem_shared>> -> memref<64x48xf32, #tpu.memory_space<vmem_shared>>
      %dma_wait3A_75 = arith.constant 0 : i32
      %dma_wait3A_76 = arith.constant 0 : i32
      %dma_wait3A_77 = tpu.memref_slice %arg16[%dma_wait3A_75, %dma_wait3A_76] : memref<64x48xf32, #tpu.memory_space<vmem>> -> memref<64x48xf32, #tpu.memory_space<vmem>>
      tpu.wait_dma2 semaphore(%run_scoped3A : memref<!tpu.dma_semaphore, #tpu.memory_space<semaphore_mem>>) src(%dma_wait3A_77 : memref<64x48xf32, #tpu.memory_space<vmem>>) dst(%dma_wait3A_74 : memref<64x48xf32, #tpu.memory_space<vmem_shared>>)
      tpu.yield
    }) : () -> ()
    %mul3A_39 = arith.constant 625 : i32
    %mul3A_40 = arith.muli %arg1, %mul3A_39 : i32
    %add3A_41 = arith.constant 512 : i32
    %add3A_42 = arith.addi %mul3A_40, %add3A_41 : i32
    "tpu.region"() ({
      %run_scoped3A = tpu.sem_alloc : memref<!tpu.dma_semaphore, #tpu.memory_space<semaphore_mem>>
      %dma_start3A = arith.constant 0 : i32
      %dma_start3A_60 = arith.constant 0 : i32
      %dma_start3A_61 = tpu.memref_slice %arg16[%dma_start3A, %dma_start3A_60] : memref<64x48xf32, #tpu.memory_space<vmem>> -> memref<64x48xf32, #tpu.memory_space<vmem>>
      %dma_start3A_62 = arith.constant 0 : i32
      %dma_start3A_63 = tpu.memref_slice %arg17[%add3A_42, %dma_start3A_62] : memref<10000x48xf32, #tpu.memory_space<vmem_shared>> -> memref<64x48xf32, #tpu.memory_space<vmem_shared>>
      %dma_start3A_64 = arith.constant 0 : i32
      %dma_start3A_65 = tpu.memref_slice %arg17[%add3A_42, %dma_start3A_64] : memref<10000x48xf32, #tpu.memory_space<vmem_shared>> -> memref<64x48xf32, #tpu.memory_space<vmem_shared>>
      %dma_start3A_66 = arith.constant 0 : i32
      %dma_start3A_67 = arith.constant 0 : i32
      %dma_start3A_68 = tpu.memref_slice %arg16[%dma_start3A_66, %dma_start3A_67] : memref<64x48xf32, #tpu.memory_space<vmem>> -> memref<64x48xf32, #tpu.memory_space<vmem>>
      tpu.enqueue_dma source(%dma_start3A_68 : memref<64x48xf32, #tpu.memory_space<vmem>>) target(%dma_start3A_65 : memref<64x48xf32, #tpu.memory_space<vmem_shared>>) target_semaphore(%run_scoped3A : memref<!tpu.dma_semaphore, #tpu.memory_space<semaphore_mem>>)
      %dma_wait3A = arith.constant 0 : i32
      %dma_wait3A_69 = arith.constant 0 : i32
      %dma_wait3A_70 = tpu.memref_slice %arg16[%dma_wait3A, %dma_wait3A_69] : memref<64x48xf32, #tpu.memory_space<vmem>> -> memref<64x48xf32, #tpu.memory_space<vmem>>
      %dma_wait3A_71 = arith.constant 0 : i32
      %dma_wait3A_72 = tpu.memref_slice %arg17[%add3A_42, %dma_wait3A_71] : memref<10000x48xf32, #tpu.memory_space<vmem_shared>> -> memref<64x48xf32, #tpu.memory_space<vmem_shared>>
      %dma_wait3A_73 = arith.constant 0 : i32
      %dma_wait3A_74 = tpu.memref_slice %arg17[%add3A_42, %dma_wait3A_73] : memref<10000x48xf32, #tpu.memory_space<vmem_shared>> -> memref<64x48xf32, #tpu.memory_space<vmem_shared>>
      %dma_wait3A_75 = arith.constant 0 : i32
      %dma_wait3A_76 = arith.constant 0 : i32
      %dma_wait3A_77 = tpu.memref_slice %arg16[%dma_wait3A_75, %dma_wait3A_76] : memref<64x48xf32, #tpu.memory_space<vmem>> -> memref<64x48xf32, #tpu.memory_space<vmem>>
      tpu.wait_dma2 semaphore(%run_scoped3A : memref<!tpu.dma_semaphore, #tpu.memory_space<semaphore_mem>>) src(%dma_wait3A_77 : memref<64x48xf32, #tpu.memory_space<vmem>>) dst(%dma_wait3A_74 : memref<64x48xf32, #tpu.memory_space<vmem_shared>>)
      tpu.yield
    }) : () -> ()
    %mul3A_43 = arith.constant 625 : i32
    %mul3A_44 = arith.muli %arg1, %mul3A_43 : i32
    %add3A_45 = arith.constant 576 : i32
    %add3A_46 = arith.addi %mul3A_44, %add3A_45 : i32
    "tpu.region"() ({
      %run_scoped3A = tpu.sem_alloc : memref<!tpu.dma_semaphore, #tpu.memory_space<semaphore_mem>>
      %dma_start3A = arith.constant 0 : i32
      %dma_start3A_60 = arith.constant 0 : i32
      %dma_start3A_61 = tpu.memref_slice %arg16[%dma_start3A, %dma_start3A_60] : memref<64x48xf32, #tpu.memory_space<vmem>> -> memref<49x48xf32, #tpu.memory_space<vmem>>
      %dma_start3A_62 = arith.constant 0 : i32
      %dma_start3A_63 = tpu.memref_slice %arg17[%add3A_46, %dma_start3A_62] : memref<10000x48xf32, #tpu.memory_space<vmem_shared>> -> memref<49x48xf32, #tpu.memory_space<vmem_shared>>
      %dma_start3A_64 = arith.constant 0 : i32
      %dma_start3A_65 = tpu.memref_slice %arg17[%add3A_46, %dma_start3A_64] : memref<10000x48xf32, #tpu.memory_space<vmem_shared>> -> memref<49x48xf32, #tpu.memory_space<vmem_shared>>
      %dma_start3A_66 = arith.constant 0 : i32
      %dma_start3A_67 = arith.constant 0 : i32
      %dma_start3A_68 = tpu.memref_slice %arg16[%dma_start3A_66, %dma_start3A_67] : memref<64x48xf32, #tpu.memory_space<vmem>> -> memref<49x48xf32, #tpu.memory_space<vmem>>
      tpu.enqueue_dma source(%dma_start3A_68 : memref<49x48xf32, #tpu.memory_space<vmem>>) target(%dma_start3A_65 : memref<49x48xf32, #tpu.memory_space<vmem_shared>>) target_semaphore(%run_scoped3A : memref<!tpu.dma_semaphore, #tpu.memory_space<semaphore_mem>>)
      %dma_wait3A = arith.constant 0 : i32
      %dma_wait3A_69 = arith.constant 0 : i32
      %dma_wait3A_70 = tpu.memref_slice %arg16[%dma_wait3A, %dma_wait3A_69] : memref<64x48xf32, #tpu.memory_space<vmem>> -> memref<49x48xf32, #tpu.memory_space<vmem>>
      %dma_wait3A_71 = arith.constant 0 : i32
      %dma_wait3A_72 = tpu.memref_slice %arg17[%add3A_46, %dma_wait3A_71] : memref<10000x48xf32, #tpu.memory_space<vmem_shared>> -> memref<49x48xf32, #tpu.memory_space<vmem_shared>>
      %dma_wait3A_73 = arith.constant 0 : i32
      %dma_wait3A_74 = tpu.memref_slice %arg17[%add3A_46, %dma_wait3A_73] : memref<10000x48xf32, #tpu.memory_space<vmem_shared>> -> memref<49x48xf32, #tpu.memory_space<vmem_shared>>
      %dma_wait3A_75 = arith.constant 0 : i32
      %dma_wait3A_76 = arith.constant 0 : i32
      %dma_wait3A_77 = tpu.memref_slice %arg16[%dma_wait3A_75, %dma_wait3A_76] : memref<64x48xf32, #tpu.memory_space<vmem>> -> memref<49x48xf32, #tpu.memory_space<vmem>>
      tpu.wait_dma2 semaphore(%run_scoped3A : memref<!tpu.dma_semaphore, #tpu.memory_space<semaphore_mem>>) src(%dma_wait3A_77 : memref<49x48xf32, #tpu.memory_space<vmem>>) dst(%dma_wait3A_74 : memref<49x48xf32, #tpu.memory_space<vmem_shared>>)
      tpu.yield
    }) : () -> ()
    %barrier3A = arith.constant 0 : index
    tpu.barrier barrier_id(%barrier3A)
    %iota3A = tpu.iota {dimensions = array<i32: 0>} : vector<16xi32>
    %scan3A_47 = arith.constant 0 : i32
    %scan3A_48 = arith.constant 10 : i32
    %scan3A_49 = arith.addi %scan3A_47, %scan3A_48 : i32
    %scan3A_50 = arith.constant 1 : i32
    scf.for %scan3A_60 = %scan3A_47 to %scan3A_49 step %scan3A_50  : i32 {
      %mul3A_61 = arith.constant 1 : i32
      %mul3A_62 = arith.muli %scan3A_60, %mul3A_61 : i32
      %add3A_63 = arith.constant 0 : i32
      %add3A_64 = arith.addi %add3A_63, %mul3A_62 : i32
      %mul3A_65 = arith.constant 1024 : i32
      %mul3A_66 = arith.muli %add3A_64, %mul3A_65 : i32
      %add3A_67 = arith.addi %mul3A_2, %mul3A_66 : i32
      "tpu.region"() ({
        %run_scoped3A = tpu.sem_alloc : memref<!tpu.dma_semaphore, #tpu.memory_space<semaphore_mem>>
        %dma_start3A = tpu.memref_slice %arg5[%add3A_67] : memref<327680xi32, #tpu.memory_space<hbm>> -> memref<1024xi32, #tpu.memory_space<hbm>>
        %dma_start3A_76 = tpu.memref_slice %arg5[%add3A_67] : memref<327680xi32, #tpu.memory_space<hbm>> -> memref<1024xi32, #tpu.memory_space<hbm>>
        tpu.enqueue_dma source(%dma_start3A_76 : memref<1024xi32, #tpu.memory_space<hbm>>) target(%arg8 : memref<1024xi32, #tpu.memory_space<vmem>>) target_semaphore(%run_scoped3A : memref<!tpu.dma_semaphore, #tpu.memory_space<semaphore_mem>>)
        %dma_wait3A = tpu.memref_slice %arg5[%add3A_67] : memref<327680xi32, #tpu.memory_space<hbm>> -> memref<1024xi32, #tpu.memory_space<hbm>>
        %dma_wait3A_77 = tpu.memref_slice %arg5[%add3A_67] : memref<327680xi32, #tpu.memory_space<hbm>> -> memref<1024xi32, #tpu.memory_space<hbm>>
        tpu.wait_dma2 semaphore(%run_scoped3A : memref<!tpu.dma_semaphore, #tpu.memory_space<semaphore_mem>>) src(%dma_wait3A_77 : memref<1024xi32, #tpu.memory_space<hbm>>) dst(%arg8 : memref<1024xi32, #tpu.memory_space<vmem>>)
        tpu.yield
      }) : () -> ()
      %mul3A_68 = arith.constant 1024 : i32
      %mul3A_69 = arith.muli %add3A_64, %mul3A_68 : i32
      %add3A_70 = arith.addi %mul3A_2, %mul3A_69 : i32
      "tpu.region"() ({
        %run_scoped3A = tpu.sem_alloc : memref<!tpu.dma_semaphore, #tpu.memory_space<semaphore_mem>>
        %dma_start3A = tpu.memref_slice %arg6[%add3A_70] : memref<327680xi32, #tpu.memory_space<hbm>> -> memref<1024xi32, #tpu.memory_space<hbm>>
        %dma_start3A_76 = tpu.memref_slice %arg6[%add3A_70] : memref<327680xi32, #tpu.memory_space<hbm>> -> memref<1024xi32, #tpu.memory_space<hbm>>
        tpu.enqueue_dma source(%dma_start3A_76 : memref<1024xi32, #tpu.memory_space<hbm>>) target(%arg9 : memref<1024xi32, #tpu.memory_space<vmem>>) target_semaphore(%run_scoped3A : memref<!tpu.dma_semaphore, #tpu.memory_space<semaphore_mem>>)
        %dma_wait3A = tpu.memref_slice %arg6[%add3A_70] : memref<327680xi32, #tpu.memory_space<hbm>> -> memref<1024xi32, #tpu.memory_space<hbm>>
        %dma_wait3A_77 = tpu.memref_slice %arg6[%add3A_70] : memref<327680xi32, #tpu.memory_space<hbm>> -> memref<1024xi32, #tpu.memory_space<hbm>>
        tpu.wait_dma2 semaphore(%run_scoped3A : memref<!tpu.dma_semaphore, #tpu.memory_space<semaphore_mem>>) src(%dma_wait3A_77 : memref<1024xi32, #tpu.memory_space<hbm>>) dst(%arg9 : memref<1024xi32, #tpu.memory_space<vmem>>)
        tpu.yield
      }) : () -> ()
      %scan3A_71 = arith.constant 0 : i32
      %scan3A_72 = arith.constant 16 : i32
      %scan3A_73 = arith.addi %scan3A_71, %scan3A_72 : i32
      %scan3A_74 = arith.constant 1 : i32
      scf.for %scan3A_76 = %scan3A_71 to %scan3A_73 step %scan3A_74  : i32 {
        %mul3A_77 = arith.constant 1 : i32
        %mul3A_78 = arith.muli %scan3A_76, %mul3A_77 : i32
        %add3A_79 = arith.constant 0 : i32
        %add3A_80 = arith.addi %add3A_79, %mul3A_78 : i32
        %mul3A_81 = arith.constant 64 : i32
        %mul3A_82 = arith.muli %add3A_80, %mul3A_81 : i32
        %mul3A_83 = arith.constant 1024 : i32
        %mul3A_84 = arith.muli %add3A_64, %mul3A_83 : i32
        %mul3A_85 = arith.constant 64 : i32
        %mul3A_86 = arith.muli %add3A_80, %mul3A_85 : i32
        %add3A_87 = arith.addi %mul3A_84, %mul3A_86 : i32
        %add3A_88 = arith.constant 0 : i32
        %add3A_89 = arith.addi %mul3A_82, %add3A_88 : i32
        %add3A_90 = arith.constant 0 : i32
        %add3A_91 = arith.addi %add3A_87, %add3A_90 : i32
        %add3A_92 = vector.broadcast %add3A_91 : i32 to vector<16xi32>
        %add3A_93 = arith.addi %add3A_92, %iota3A : vector<16xi32>
        %lt3A = arith.constant 10000 : i32
        %lt3A_94 = vector.broadcast %lt3A : i32 to vector<16xi32>
        %lt3A_95 = arith.cmpi slt, %add3A_93, %lt3A_94 : vector<16xi32>
        %get3A = arith.index_cast %add3A_89 : i32 to index
        %get3A_96 = tpu.vector_load %arg8[%get3A] {strides = array<i32>} : memref<1024xi32, #tpu.memory_space<vmem>>, vector<16xi32>,
        %jit3A = arith.constant 0 : i32
        %broadcast_in_dim3A = vector.broadcast %jit3A : i32 to vector<16xi32>
        %select_n3A = arith.select %lt3A_95, %get3A_96, %broadcast_in_dim3A : vector<16xi1>, vector<16xi32>
        %get3A_97 = arith.index_cast %add3A_89 : i32 to index
        %get3A_98 = tpu.vector_load %arg9[%get3A_97] {strides = array<i32>} : memref<1024xi32, #tpu.memory_space<vmem>>, vector<16xi32>,
        %jit3A_99 = arith.constant 0 : i32
        %broadcast_in_dim3A_100 = vector.broadcast %jit3A_99 : i32 to vector<16xi32>
        %select_n3A_101 = arith.select %lt3A_95, %get3A_98, %broadcast_in_dim3A_100 : vector<16xi1>, vector<16xi32>
        %gather3A = tpu.vector_load_idx %arg10[%select_n3A] : memref<10000xf32, #tpu.memory_space<vmem>>[vector<16xi32>], vector<16xf32>,
        %gather3A_102 = tpu.vector_load_idx %arg11[%select_n3A_101] : memref<10000xf32, #tpu.memory_space<vmem>>[vector<16xi32>], vector<16xf32>,
        %add3A_103 = arith.addf %gather3A, %gather3A_102 : vector<16xf32>
        %lt3A_104 = arith.constant 0.000000e+00 : f32
        %lt3A_105 = vector.broadcast %lt3A_104 : f32 to vector<16xf32>
        %lt3A_106 = arith.cmpf olt, %add3A_103, %lt3A_105 : vector<16xf32>
        %mul3A_107 = arith.constant 2.000000e-01 : f32
        %mul3A_108 = vector.broadcast %mul3A_107 : f32 to vector<16xf32>
        %mul3A_109 = arith.mulf %add3A_103, %mul3A_108 : vector<16xf32>
        %select_n3A_110 = arith.select %lt3A_106, %mul3A_109, %add3A_103 : vector<16xi1>, vector<16xf32>
        %exp3A = math.exp %select_n3A_110 : vector<16xf32>
        %jit3A_111 = arith.constant 0.000000e+00 : f32
        %broadcast_in_dim3A_112 = vector.broadcast %jit3A_111 : f32 to vector<16xf32>
        %select_n3A_113 = arith.select %lt3A_95, %exp3A, %broadcast_in_dim3A_112 : vector<16xi1>, vector<16xf32>
        %add3A_114 = arith.constant 0 : i32
        %add3A_115 = vector.broadcast %add3A_114 : i32 to vector<16xi32>
        %add3A_116 = arith.addi %select_n3A, %add3A_115 : vector<16xi32>
        %swap3A = arith.constant 0 : index
        %swap3A_117 = tpu.vector_load %arg12[%swap3A] {strides = array<i32>} : memref<64xi32, #tpu.memory_space<vmem>>, vector<16xi32>,
        tpu.vector_store %arg12[%swap3A], %add3A_116 {strides = array<i32>} : memref<64xi32, #tpu.memory_space<vmem>>, vector<16xi32>,
        %swap3A_118 = arith.constant 0 : index
        %swap3A_119 = tpu.vector_load %arg13[%swap3A_118] {strides = array<i32>} : memref<64xi32, #tpu.memory_space<vmem>>, vector<16xi32>,
        tpu.vector_store %arg13[%swap3A_118], %select_n3A_101 {strides = array<i32>} : memref<64xi32, #tpu.memory_space<vmem>>, vector<16xi32>,
        %swap3A_120 = arith.constant 0 : index
        %swap3A_121 = tpu.vector_load %arg14[%swap3A_120] {strides = array<i32>} : memref<64xf32, #tpu.memory_space<vmem>>, vector<16xf32>,
        tpu.vector_store %arg14[%swap3A_120], %select_n3A_113 {strides = array<i32>} : memref<64xf32, #tpu.memory_space<vmem>>, vector<16xf32>,
        %add3A_122 = arith.constant 16 : i32
        %add3A_123 = arith.addi %mul3A_82, %add3A_122 : i32
        %add3A_124 = arith.constant 16 : i32
        %add3A_125 = arith.addi %add3A_87, %add3A_124 : i32
        %add3A_126 = vector.broadcast %add3A_125 : i32 to vector<16xi32>
        %add3A_127 = arith.addi %add3A_126, %iota3A : vector<16xi32>
        %lt3A_128 = arith.constant 10000 : i32
        %lt3A_129 = vector.broadcast %lt3A_128 : i32 to vector<16xi32>
        %lt3A_130 = arith.cmpi slt, %add3A_127, %lt3A_129 : vector<16xi32>
        %get3A_131 = arith.index_cast %add3A_123 : i32 to index
        %get3A_132 = tpu.vector_load %arg8[%get3A_131] {strides = array<i32>} : memref<1024xi32, #tpu.memory_space<vmem>>, vector<16xi32>,
        %jit3A_133 = arith.constant 0 : i32
        %broadcast_in_dim3A_134 = vector.broadcast %jit3A_133 : i32 to vector<16xi32>
        %select_n3A_135 = arith.select %lt3A_130, %get3A_132, %broadcast_in_dim3A_134 : vector<16xi1>, vector<16xi32>
        %get3A_136 = arith.index_cast %add3A_123 : i32 to index
        %get3A_137 = tpu.vector_load %arg9[%get3A_136] {strides = array<i32>} : memref<1024xi32, #tpu.memory_space<vmem>>, vector<16xi32>,
        %jit3A_138 = arith.constant 0 : i32
        %broadcast_in_dim3A_139 = vector.broadcast %jit3A_138 : i32 to vector<16xi32>
        %select_n3A_140 = arith.select %lt3A_130, %get3A_137, %broadcast_in_dim3A_139 : vector<16xi1>, vector<16xi32>
        %gather3A_141 = tpu.vector_load_idx %arg10[%select_n3A_135] : memref<10000xf32, #tpu.memory_space<vmem>>[vector<16xi32>], vector<16xf32>,
        %gather3A_142 = tpu.vector_load_idx %arg11[%select_n3A_140] : memref<10000xf32, #tpu.memory_space<vmem>>[vector<16xi32>], vector<16xf32>,
        %add3A_143 = arith.addf %gather3A_141, %gather3A_142 : vector<16xf32>
        %lt3A_144 = arith.constant 0.000000e+00 : f32
        %lt3A_145 = vector.broadcast %lt3A_144 : f32 to vector<16xf32>
        %lt3A_146 = arith.cmpf olt, %add3A_143, %lt3A_145 : vector<16xf32>
        %mul3A_147 = arith.constant 2.000000e-01 : f32
        %mul3A_148 = vector.broadcast %mul3A_147 : f32 to vector<16xf32>
        %mul3A_149 = arith.mulf %add3A_143, %mul3A_148 : vector<16xf32>
        %select_n3A_150 = arith.select %lt3A_146, %mul3A_149, %add3A_143 : vector<16xi1>, vector<16xf32>
        %exp3A_151 = math.exp %select_n3A_150 : vector<16xf32>
        %jit3A_152 = arith.constant 0.000000e+00 : f32
        %broadcast_in_dim3A_153 = vector.broadcast %jit3A_152 : f32 to vector<16xf32>
        %select_n3A_154 = arith.select %lt3A_130, %exp3A_151, %broadcast_in_dim3A_153 : vector<16xi1>, vector<16xf32>
        %add3A_155 = arith.constant 0 : i32
        %add3A_156 = vector.broadcast %add3A_155 : i32 to vector<16xi32>
        %add3A_157 = arith.addi %select_n3A_135, %add3A_156 : vector<16xi32>
        %swap3A_158 = arith.constant 16 : index
        %swap3A_159 = tpu.vector_load %arg12[%swap3A_158] {strides = array<i32>} : memref<64xi32, #tpu.memory_space<vmem>>, vector<16xi32>,
        tpu.vector_store %arg12[%swap3A_158], %add3A_157 {strides = array<i32>} : memref<64xi32, #tpu.memory_space<vmem>>, vector<16xi32>,
        %swap3A_160 = arith.constant 16 : index
        %swap3A_161 = tpu.vector_load %arg13[%swap3A_160] {strides = array<i32>} : memref<64xi32, #tpu.memory_space<vmem>>, vector<16xi32>,
        tpu.vector_store %arg13[%swap3A_160], %select_n3A_140 {strides = array<i32>} : memref<64xi32, #tpu.memory_space<vmem>>, vector<16xi32>,
        %swap3A_162 = arith.constant 16 : index
        %swap3A_163 = tpu.vector_load %arg14[%swap3A_162] {strides = array<i32>} : memref<64xf32, #tpu.memory_space<vmem>>, vector<16xf32>,
        tpu.vector_store %arg14[%swap3A_162], %select_n3A_154 {strides = array<i32>} : memref<64xf32, #tpu.memory_space<vmem>>, vector<16xf32>,
        %add3A_164 = arith.constant 32 : i32
        %add3A_165 = arith.addi %mul3A_82, %add3A_164 : i32
        %add3A_166 = arith.constant 32 : i32
        %add3A_167 = arith.addi %add3A_87, %add3A_166 : i32
        %add3A_168 = vector.broadcast %add3A_167 : i32 to vector<16xi32>
        %add3A_169 = arith.addi %add3A_168, %iota3A : vector<16xi32>
        %lt3A_170 = arith.constant 10000 : i32
        %lt3A_171 = vector.broadcast %lt3A_170 : i32 to vector<16xi32>
        %lt3A_172 = arith.cmpi slt, %add3A_169, %lt3A_171 : vector<16xi32>
        %get3A_173 = arith.index_cast %add3A_165 : i32 to index
        %get3A_174 = tpu.vector_load %arg8[%get3A_173] {strides = array<i32>} : memref<1024xi32, #tpu.memory_space<vmem>>, vector<16xi32>,
        %jit3A_175 = arith.constant 0 : i32
        %broadcast_in_dim3A_176 = vector.broadcast %jit3A_175 : i32 to vector<16xi32>
        %select_n3A_177 = arith.select %lt3A_172, %get3A_174, %broadcast_in_dim3A_176 : vector<16xi1>, vector<16xi32>
        %get3A_178 = arith.index_cast %add3A_165 : i32 to index
        %get3A_179 = tpu.vector_load %arg9[%get3A_178] {strides = array<i32>} : memref<1024xi32, #tpu.memory_space<vmem>>, vector<16xi32>,
        %jit3A_180 = arith.constant 0 : i32
        %broadcast_in_dim3A_181 = vector.broadcast %jit3A_180 : i32 to vector<16xi32>
        %select_n3A_182 = arith.select %lt3A_172, %get3A_179, %broadcast_in_dim3A_181 : vector<16xi1>, vector<16xi32>
        %gather3A_183 = tpu.vector_load_idx %arg10[%select_n3A_177] : memref<10000xf32, #tpu.memory_space<vmem>>[vector<16xi32>], vector<16xf32>,
        %gather3A_184 = tpu.vector_load_idx %arg11[%select_n3A_182] : memref<10000xf32, #tpu.memory_space<vmem>>[vector<16xi32>], vector<16xf32>,
        %add3A_185 = arith.addf %gather3A_183, %gather3A_184 : vector<16xf32>
        %lt3A_186 = arith.constant 0.000000e+00 : f32
        %lt3A_187 = vector.broadcast %lt3A_186 : f32 to vector<16xf32>
        %lt3A_188 = arith.cmpf olt, %add3A_185, %lt3A_187 : vector<16xf32>
        %mul3A_189 = arith.constant 2.000000e-01 : f32
        %mul3A_190 = vector.broadcast %mul3A_189 : f32 to vector<16xf32>
        %mul3A_191 = arith.mulf %add3A_185, %mul3A_190 : vector<16xf32>
        %select_n3A_192 = arith.select %lt3A_188, %mul3A_191, %add3A_185 : vector<16xi1>, vector<16xf32>
        %exp3A_193 = math.exp %select_n3A_192 : vector<16xf32>
        %jit3A_194 = arith.constant 0.000000e+00 : f32
        %broadcast_in_dim3A_195 = vector.broadcast %jit3A_194 : f32 to vector<16xf32>
        %select_n3A_196 = arith.select %lt3A_172, %exp3A_193, %broadcast_in_dim3A_195 : vector<16xi1>, vector<16xf32>
        %add3A_197 = arith.constant 0 : i32
        %add3A_198 = vector.broadcast %add3A_197 : i32 to vector<16xi32>
        %add3A_199 = arith.addi %select_n3A_177, %add3A_198 : vector<16xi32>
        %swap3A_200 = arith.constant 32 : index
        %swap3A_201 = tpu.vector_load %arg12[%swap3A_200] {strides = array<i32>} : memref<64xi32, #tpu.memory_space<vmem>>, vector<16xi32>,
        tpu.vector_store %arg12[%swap3A_200], %add3A_199 {strides = array<i32>} : memref<64xi32, #tpu.memory_space<vmem>>, vector<16xi32>,
        %swap3A_202 = arith.constant 32 : index
        %swap3A_203 = tpu.vector_load %arg13[%swap3A_202] {strides = array<i32>} : memref<64xi32, #tpu.memory_space<vmem>>, vector<16xi32>,
        tpu.vector_store %arg13[%swap3A_202], %select_n3A_182 {strides = array<i32>} : memref<64xi32, #tpu.memory_space<vmem>>, vector<16xi32>,
        %swap3A_204 = arith.constant 32 : index
        %swap3A_205 = tpu.vector_load %arg14[%swap3A_204] {strides = array<i32>} : memref<64xf32, #tpu.memory_space<vmem>>, vector<16xf32>,
        tpu.vector_store %arg14[%swap3A_204], %select_n3A_196 {strides = array<i32>} : memref<64xf32, #tpu.memory_space<vmem>>, vector<16xf32>,
        %add3A_206 = arith.constant 48 : i32
        %add3A_207 = arith.addi %mul3A_82, %add3A_206 : i32
        %add3A_208 = arith.constant 48 : i32
        %add3A_209 = arith.addi %add3A_87, %add3A_208 : i32
        %add3A_210 = vector.broadcast %add3A_209 : i32 to vector<16xi32>
        %add3A_211 = arith.addi %add3A_210, %iota3A : vector<16xi32>
        %lt3A_212 = arith.constant 10000 : i32
        %lt3A_213 = vector.broadcast %lt3A_212 : i32 to vector<16xi32>
        %lt3A_214 = arith.cmpi slt, %add3A_211, %lt3A_213 : vector<16xi32>
        %get3A_215 = arith.index_cast %add3A_207 : i32 to index
        %get3A_216 = tpu.vector_load %arg8[%get3A_215] {strides = array<i32>} : memref<1024xi32, #tpu.memory_space<vmem>>, vector<16xi32>,
        %jit3A_217 = arith.constant 0 : i32
        %broadcast_in_dim3A_218 = vector.broadcast %jit3A_217 : i32 to vector<16xi32>
        %select_n3A_219 = arith.select %lt3A_214, %get3A_216, %broadcast_in_dim3A_218 : vector<16xi1>, vector<16xi32>
        %get3A_220 = arith.index_cast %add3A_207 : i32 to index
        %get3A_221 = tpu.vector_load %arg9[%get3A_220] {strides = array<i32>} : memref<1024xi32, #tpu.memory_space<vmem>>, vector<16xi32>,
        %jit3A_222 = arith.constant 0 : i32
        %broadcast_in_dim3A_223 = vector.broadcast %jit3A_222 : i32 to vector<16xi32>
        %select_n3A_224 = arith.select %lt3A_214, %get3A_221, %broadcast_in_dim3A_223 : vector<16xi1>, vector<16xi32>
        %gather3A_225 = tpu.vector_load_idx %arg10[%select_n3A_219] : memref<10000xf32, #tpu.memory_space<vmem>>[vector<16xi32>], vector<16xf32>,
        %gather3A_226 = tpu.vector_load_idx %arg11[%select_n3A_224] : memref<10000xf32, #tpu.memory_space<vmem>>[vector<16xi32>], vector<16xf32>,
        %add3A_227 = arith.addf %gather3A_225, %gather3A_226 : vector<16xf32>
        %lt3A_228 = arith.constant 0.000000e+00 : f32
        %lt3A_229 = vector.broadcast %lt3A_228 : f32 to vector<16xf32>
        %lt3A_230 = arith.cmpf olt, %add3A_227, %lt3A_229 : vector<16xf32>
        %mul3A_231 = arith.constant 2.000000e-01 : f32
        %mul3A_232 = vector.broadcast %mul3A_231 : f32 to vector<16xf32>
        %mul3A_233 = arith.mulf %add3A_227, %mul3A_232 : vector<16xf32>
        %select_n3A_234 = arith.select %lt3A_230, %mul3A_233, %add3A_227 : vector<16xi1>, vector<16xf32>
        %exp3A_235 = math.exp %select_n3A_234 : vector<16xf32>
        %jit3A_236 = arith.constant 0.000000e+00 : f32
        %broadcast_in_dim3A_237 = vector.broadcast %jit3A_236 : f32 to vector<16xf32>
        %select_n3A_238 = arith.select %lt3A_214, %exp3A_235, %broadcast_in_dim3A_237 : vector<16xi1>, vector<16xf32>
        %add3A_239 = arith.constant 0 : i32
        %add3A_240 = vector.broadcast %add3A_239 : i32 to vector<16xi32>
        %add3A_241 = arith.addi %select_n3A_219, %add3A_240 : vector<16xi32>
        %swap3A_242 = arith.constant 48 : index
        %swap3A_243 = tpu.vector_load %arg12[%swap3A_242] {strides = array<i32>} : memref<64xi32, #tpu.memory_space<vmem>>, vector<16xi32>,
        tpu.vector_store %arg12[%swap3A_242], %add3A_241 {strides = array<i32>} : memref<64xi32, #tpu.memory_space<vmem>>, vector<16xi32>,
        %swap3A_244 = arith.constant 48 : index
        %swap3A_245 = tpu.vector_load %arg13[%swap3A_244] {strides = array<i32>} : memref<64xi32, #tpu.memory_space<vmem>>, vector<16xi32>,
        tpu.vector_store %arg13[%swap3A_244], %select_n3A_224 {strides = array<i32>} : memref<64xi32, #tpu.memory_space<vmem>>, vector<16xi32>,
        %swap3A_246 = arith.constant 48 : index
        %swap3A_247 = tpu.vector_load %arg14[%swap3A_246] {strides = array<i32>} : memref<64xf32, #tpu.memory_space<vmem>>, vector<16xf32>,
        tpu.vector_store %arg14[%swap3A_246], %select_n3A_238 {strides = array<i32>} : memref<64xf32, #tpu.memory_space<vmem>>, vector<16xf32>,
        %dma_start3A = arith.constant 0 : i32
        %dma_start3A_248 = arith.constant 0 : i32
        %dma_start3A_249 = tpu.memref_slice %arg2[%dma_start3A, %dma_start3A_248] : memref<10000x48xf32, #tpu.memory_space<hbm>> -> memref<10000x48xf32, #tpu.memory_space<hbm>>
        tpu.enqueue_indirect_dma source(%dma_start3A_249 : memref<10000x48xf32, #tpu.memory_space<hbm>>) target(%arg15 : memref<64x48xf32, #tpu.memory_space<vmem>>) offsets(%arg12 : memref<64xi32, #tpu.memory_space<vmem>>) semaphore(%arg18 : memref<!tpu.dma_semaphore, #tpu.memory_space<semaphore_mem>>)
        %dma_wait3A = arith.constant 0 : i32
        %dma_wait3A_250 = arith.constant 0 : i32
        %dma_wait3A_251 = tpu.memref_slice %arg2[%dma_wait3A, %dma_wait3A_250] : memref<10000x48xf32, #tpu.memory_space<hbm>> -> memref<10000x48xf32, #tpu.memory_space<hbm>>
        tpu.wait_indirect_dma semaphore(%arg18 : memref<!tpu.dma_semaphore, #tpu.memory_space<semaphore_mem>>) src(%dma_wait3A_251 : memref<10000x48xf32, #tpu.memory_space<hbm>>) dst(%arg15 : memref<64x48xf32, #tpu.memory_space<vmem>>)
        %scan3A_252 = arith.constant 0 : i32
        %scan3A_253 = arith.constant 64 : i32
        %scan3A_254 = arith.addi %scan3A_252, %scan3A_253 : i32
        %scan3A_255 = arith.constant 1 : i32
        scf.for %scan3A_257 = %scan3A_252 to %scan3A_254 step %scan3A_255  : i32 {
          %mul3A_258 = arith.constant 1 : i32
          %mul3A_259 = arith.muli %scan3A_257, %mul3A_258 : i32
          %add3A_260 = arith.constant 0 : i32
          %add3A_261 = arith.addi %add3A_260, %mul3A_259 : i32
          %mul3A_262 = arith.constant 0 : i32
          %mul3A_263 = vector.broadcast %mul3A_262 : i32 to vector<16xi32>
          %mul3A_264 = arith.muli %iota3A, %mul3A_263 : vector<16xi32>
          %add3A_265 = vector.broadcast %add3A_261 : i32 to vector<16xi32>
          %add3A_266 = arith.addi %mul3A_264, %add3A_265 : vector<16xi32>
          %gather3A_267 = tpu.vector_load_idx %arg14[%add3A_266] : memref<64xf32, #tpu.memory_space<vmem>>[vector<16xi32>], vector<16xf32>,
          %get3A_268 = arith.index_cast %add3A_261 : i32 to index
          %get3A_269 = arith.constant 0 : index
          %get3A_270 = tpu.vector_load %arg15[%get3A_268, %get3A_269] {strides = array<i32>} : memref<64x48xf32, #tpu.memory_space<vmem>>, vector<16xf32>,
          %mul3A_271 = arith.mulf %get3A_270, %gather3A_267 : vector<16xf32>
          %swap3A_272 = arith.index_cast %add3A_261 : i32 to index
          %swap3A_273 = arith.constant 0 : index
          %swap3A_274 = tpu.vector_load %arg16[%swap3A_272, %swap3A_273] {strides = array<i32>} : memref<64x48xf32, #tpu.memory_space<vmem>>, vector<16xf32>,
          tpu.vector_store %arg16[%swap3A_272, %swap3A_273], %mul3A_271 {strides = array<i32>} : memref<64x48xf32, #tpu.memory_space<vmem>>, vector<16xf32>,
          %get3A_275 = arith.index_cast %add3A_261 : i32 to index
          %get3A_276 = arith.constant 16 : index
          %get3A_277 = tpu.vector_load %arg15[%get3A_275, %get3A_276] {strides = array<i32>} : memref<64x48xf32, #tpu.memory_space<vmem>>, vector<16xf32>,
          %mul3A_278 = arith.mulf %get3A_277, %gather3A_267 : vector<16xf32>
          %swap3A_279 = arith.index_cast %add3A_261 : i32 to index
          %swap3A_280 = arith.constant 16 : index
          %swap3A_281 = tpu.vector_load %arg16[%swap3A_279, %swap3A_280] {strides = array<i32>} : memref<64x48xf32, #tpu.memory_space<vmem>>, vector<16xf32>,
          tpu.vector_store %arg16[%swap3A_279, %swap3A_280], %mul3A_278 {strides = array<i32>} : memref<64x48xf32, #tpu.memory_space<vmem>>, vector<16xf32>,
          %get3A_282 = arith.index_cast %add3A_261 : i32 to index
          %get3A_283 = arith.constant 32 : index
          %get3A_284 = tpu.vector_load %arg15[%get3A_282, %get3A_283] {strides = array<i32>} : memref<64x48xf32, #tpu.memory_space<vmem>>, vector<16xf32>,
          %mul3A_285 = arith.mulf %get3A_284, %gather3A_267 : vector<16xf32>
          %eq3A = arith.constant 8 : i32
          %eq3A_286 = vector.broadcast %eq3A : i32 to vector<16xi32>
          %eq3A_287 = arith.cmpi eq, %iota3A, %eq3A_286 : vector<16xi32>
          %select_n3A_288 = arith.select %eq3A_287, %gather3A_267, %mul3A_285 : vector<16xi1>, vector<16xf32>
          %swap3A_289 = arith.index_cast %add3A_261 : i32 to index
          %swap3A_290 = arith.constant 32 : index
          %swap3A_291 = tpu.vector_load %arg16[%swap3A_289, %swap3A_290] {strides = array<i32>} : memref<64x48xf32, #tpu.memory_space<vmem>>, vector<16xf32>,
          tpu.vector_store %arg16[%swap3A_289, %swap3A_290], %select_n3A_288 {strides = array<i32>} : memref<64x48xf32, #tpu.memory_space<vmem>>, vector<16xf32>,
        }
        %scan3A_256 = arith.constant 64 : i32
        "tpu.region"() ({
          %run_scoped3A = tpu.sem_alloc : memref<!tpu.dma_semaphore, #tpu.memory_space<semaphore_mem>>
          %dma_start3A_257 = arith.constant 0 : i32
          %dma_start3A_258 = arith.constant 0 : i32
          %dma_start3A_259 = tpu.memref_slice %arg17[%dma_start3A_257, %dma_start3A_258] : memref<10000x48xf32, #tpu.memory_space<vmem_shared>> -> memref<10000x48xf32, #tpu.memory_space<vmem_shared>>
          tpu.enqueue_indirect_dma source(%arg16 : memref<64x48xf32, #tpu.memory_space<vmem>>) target(%dma_start3A_259 : memref<10000x48xf32, #tpu.memory_space<vmem_shared>>) offsets(%arg13 : memref<64xi32, #tpu.memory_space<vmem>>) semaphore(%run_scoped3A : memref<!tpu.dma_semaphore, #tpu.memory_space<semaphore_mem>>) {add = true}
          %dma_wait3A_260 = arith.constant 0 : i32
          %dma_wait3A_261 = arith.constant 0 : i32
          %dma_wait3A_262 = tpu.memref_slice %arg17[%dma_wait3A_260, %dma_wait3A_261] : memref<10000x48xf32, #tpu.memory_space<vmem_shared>> -> memref<10000x48xf32, #tpu.memory_space<vmem_shared>>
          tpu.wait_indirect_dma semaphore(%run_scoped3A : memref<!tpu.dma_semaphore, #tpu.memory_space<semaphore_mem>>) src(%arg16 : memref<64x48xf32, #tpu.memory_space<vmem>>) dst(%dma_wait3A_262 : memref<10000x48xf32, #tpu.memory_space<vmem_shared>>)
          tpu.yield
        }) : () -> ()
      }
      %scan3A_75 = arith.constant 16 : i32
    }
    %scan3A_51 = arith.constant 10 : i32
    %barrier3A_52 = arith.constant 0 : index
    tpu.barrier barrier_id(%barrier3A_52)
    %mul3A_53 = arith.constant 625 : i32
    %mul3A_54 = arith.muli %arg1, %mul3A_53 : i32
    %mul3A_55 = arith.constant 10000 : i32
    %mul3A_56 = arith.muli %arg0, %mul3A_55 : i32
    %mul3A_57 = arith.constant 625 : i32
    %mul3A_58 = arith.muli %arg1, %mul3A_57 : i32
    %add3A_59 = arith.addi %mul3A_56, %mul3A_58 : i32
    "tpu.region"() ({
      %run_scoped3A = tpu.sem_alloc : memref<!tpu.dma_semaphore, #tpu.memory_space<semaphore_mem>>
      %dma_start3A = arith.constant 0 : i32
      %dma_start3A_60 = tpu.memref_slice %arg7[%add3A_59, %dma_start3A] : memref<20000x48xf32, #tpu.memory_space<hbm>> -> memref<625x48xf32, #tpu.memory_space<hbm>>
      %dma_start3A_61 = arith.constant 0 : i32
      %dma_start3A_62 = tpu.memref_slice %arg17[%mul3A_54, %dma_start3A_61] : memref<10000x48xf32, #tpu.memory_space<vmem_shared>> -> memref<625x48xf32, #tpu.memory_space<vmem_shared>>
      tpu.enqueue_dma source(%dma_start3A_62 : memref<625x48xf32, #tpu.memory_space<vmem_shared>>) target(%dma_start3A_60 : memref<625x48xf32, #tpu.memory_space<hbm>>) target_semaphore(%run_scoped3A : memref<!tpu.dma_semaphore, #tpu.memory_space<semaphore_mem>>)
      %dma_wait3A = arith.constant 0 : i32
      %dma_wait3A_63 = tpu.memref_slice %arg7[%add3A_59, %dma_wait3A] : memref<20000x48xf32, #tpu.memory_space<hbm>> -> memref<625x48xf32, #tpu.memory_space<hbm>>
      %dma_wait3A_64 = arith.constant 0 : i32
      %dma_wait3A_65 = tpu.memref_slice %arg17[%mul3A_54, %dma_wait3A_64] : memref<10000x48xf32, #tpu.memory_space<vmem_shared>> -> memref<625x48xf32, #tpu.memory_space<vmem_shared>>
      tpu.wait_dma2 semaphore(%run_scoped3A : memref<!tpu.dma_semaphore, #tpu.memory_space<semaphore_mem>>) src(%dma_wait3A_65 : memref<625x48xf32, #tpu.memory_space<vmem_shared>>) dst(%dma_wait3A_63 : memref<625x48xf32, #tpu.memory_space<hbm>>)
      tpu.yield
    }) : () -> ()
    return
  }
}

module attributes {stable_mosaic.version = 14 : i64} {
  func.func @_proj1_body(%arg0: i32, %arg1: memref<10000x128xf32, #tpu.memory_space<vmem>>, %arg2: memref<128x128xf32, #tpu.memory_space<vmem>>, %arg3: memref<1x1x128xf32, #tpu.memory_space<vmem>>, %arg4: memref<1x1x128xf32, #tpu.memory_space<vmem>>, %arg5: memref<1x10000x128xf32, #tpu.memory_space<vmem>>, %arg6: memref<1x1x10000xf32, #tpu.memory_space<vmem>>, %arg7: memref<1x1x10000xf32, #tpu.memory_space<vmem>>) attributes {dimension_semantics = [#tpu.dimension_semantics<arbitrary>], iteration_bounds = array<i64: 4>, scalar_prefetch = 0 : i64, scratch_operands = 0 : i64, tpu.core_type = #tpu.core_type<tc>, window_params = [{pipeline_mode = #tpu.pipeline_mode<synchronous>, transform_indices = @transform_0, window_bounds = array<i64: 10000, 128>}, {transform_indices = @transform_1, window_bounds = array<i64: 128, 128>}, {transform_indices = @transform_2, window_bounds = array<i64: 1, 1, 128>}, {transform_indices = @transform_3, window_bounds = array<i64: 1, 1, 128>}, {transform_indices = @transform_4, window_bounds = array<i64: 1, 10000, 128>}, {transform_indices = @transform_5, window_bounds = array<i64: 1, 1, 10000>}, {transform_indices = @transform_6, window_bounds = array<i64: 1, 1, 10000>}]} {
    %get3A = arith.constant 0 : index
    %get3A_0 = arith.constant 0 : index
    %get3A_1 = vector.load %arg1[%get3A, %get3A_0] : memref<10000x128xf32, #tpu.memory_space<vmem>>, vector<10000x128xf32>
    %get3A_2 = arith.constant 0 : index
    %get3A_3 = arith.constant 0 : index
    %get3A_4 = vector.load %arg2[%get3A_2, %get3A_3] : memref<128x128xf32, #tpu.memory_space<vmem>>, vector<128x128xf32>
    %dot_general3A = arith.constant dense<0.000000e+00> : vector<10000x128xf32>
    %dot_general3A_5 = tpu.matmul %get3A_1, %get3A_4, %dot_general3A {dimension_numbers = #tpu.dot_dimension_numbers<[1], [0], [0], [1], [0, 0, 1, 1], [], []>, transpose_lhs_hint = false} : vector<10000x128xf32>, vector<128x128xf32>, vector<10000x128xf32> -> vector<10000x128xf32>
    %swap3A = arith.constant 0 : index
    %swap3A_6 = arith.constant 0 : index
    %swap3A_7 = arith.constant 0 : index
    %swap3A_8 = vector.load %arg5[%swap3A, %swap3A_6, %swap3A_7] : memref<1x10000x128xf32, #tpu.memory_space<vmem>>, vector<1x10000x128xf32>
    %swap3A_9 = vector.shape_cast %swap3A_8 : vector<1x10000x128xf32> to vector<10000x128xf32>
    %swap3A_10 = vector.shape_cast %dot_general3A_5 : vector<10000x128xf32> to vector<1x10000x128xf32>
    tpu.vector_store %arg5[%swap3A, %swap3A_6, %swap3A_7], %swap3A_10 {strides = array<i32>} : memref<1x10000x128xf32, #tpu.memory_space<vmem>>, vector<1x10000x128xf32>,
    %get3A_11 = arith.constant 0 : index
    %get3A_12 = arith.constant 0 : index
    %get3A_13 = arith.constant 0 : index
    %get3A_14 = vector.load %arg3[%get3A_11, %get3A_12, %get3A_13] : memref<1x1x128xf32, #tpu.memory_space<vmem>>, vector<1x1x128xf32>
    %get3A_15 = vector.shape_cast %get3A_14 : vector<1x1x128xf32> to vector<1x128xf32>
    %mul3A = vector.broadcast %get3A_15 : vector<1x128xf32> to vector<10000x128xf32>
    %mul3A_16 = arith.mulf %dot_general3A_5, %mul3A : vector<10000x128xf32>
    %reduce_sum3A = arith.constant dense<0.000000e+00> : vector<10000xf32>
    %reduce_sum3A_17 = vector.multi_reduction <add>, %mul3A_16, %reduce_sum3A [1] : vector<10000x128xf32> to vector<10000xf32>
    %broadcast_in_dim3A = vector.shape_cast %reduce_sum3A_17 : vector<10000xf32> to vector<1x10000xf32>
    %swap3A_18 = arith.constant 0 : index
    %swap3A_19 = arith.constant 0 : index
    %swap3A_20 = arith.constant 0 : index
    %swap3A_21 = vector.load %arg6[%swap3A_18, %swap3A_19, %swap3A_20] : memref<1x1x10000xf32, #tpu.memory_space<vmem>>, vector<1x1x10000xf32>
    %swap3A_22 = vector.shape_cast %swap3A_21 : vector<1x1x10000xf32> to vector<1x10000xf32>
    %swap3A_23 = vector.shape_cast %broadcast_in_dim3A : vector<1x10000xf32> to vector<1x1x10000xf32>
    tpu.vector_store %arg6[%swap3A_18, %swap3A_19, %swap3A_20], %swap3A_23 {strides = array<i32>} : memref<1x1x10000xf32, #tpu.memory_space<vmem>>, vector<1x1x10000xf32>,
    %get3A_24 = arith.constant 0 : index
    %get3A_25 = arith.constant 0 : index
    %get3A_26 = arith.constant 0 : index
    %get3A_27 = vector.load %arg4[%get3A_24, %get3A_25, %get3A_26] : memref<1x1x128xf32, #tpu.memory_space<vmem>>, vector<1x1x128xf32>
    %get3A_28 = vector.shape_cast %get3A_27 : vector<1x1x128xf32> to vector<1x128xf32>
    %mul3A_29 = vector.broadcast %get3A_28 : vector<1x128xf32> to vector<10000x128xf32>
    %mul3A_30 = arith.mulf %dot_general3A_5, %mul3A_29 : vector<10000x128xf32>
    %reduce_sum3A_31 = arith.constant dense<0.000000e+00> : vector<10000xf32>
    %reduce_sum3A_32 = vector.multi_reduction <add>, %mul3A_30, %reduce_sum3A_31 [1] : vector<10000x128xf32> to vector<10000xf32>
    %broadcast_in_dim3A_33 = vector.shape_cast %reduce_sum3A_32 : vector<10000xf32> to vector<1x10000xf32>
    %swap3A_34 = arith.constant 0 : index
    %swap3A_35 = arith.constant 0 : index
    %swap3A_36 = arith.constant 0 : index
    %swap3A_37 = vector.load %arg7[%swap3A_34, %swap3A_35, %swap3A_36] : memref<1x1x10000xf32, #tpu.memory_space<vmem>>, vector<1x1x10000xf32>
    %swap3A_38 = vector.shape_cast %swap3A_37 : vector<1x1x10000xf32> to vector<1x10000xf32>
    %swap3A_39 = vector.shape_cast %broadcast_in_dim3A_33 : vector<1x10000xf32> to vector<1x1x10000xf32>
    tpu.vector_store %arg7[%swap3A_34, %swap3A_35, %swap3A_36], %swap3A_39 {strides = array<i32>} : memref<1x1x10000xf32, #tpu.memory_space<vmem>>, vector<1x1x10000xf32>,
    return
  }
  func.func @transform_0(%arg0: i32) -> (i32, i32) {
    %c0_i32 = arith.constant 0 : i32
    %c0_i32_0 = arith.constant 0 : i32
    %c0_i32_1 = arith.constant 0 : i32
    return %c0_i32, %c0_i32_0 : i32, i32
  }
  func.func @transform_1(%arg0: i32) -> (i32, i32) {
    %c0_i32 = arith.constant 0 : i32
    %c0_i32_0 = arith.constant 0 : i32
    return %c0_i32, %arg0 : i32, i32
  }
  func.func @transform_2(%arg0: i32) -> (i32, i32, i32) {
    %c0_i32 = arith.constant 0 : i32
    %c0_i32_0 = arith.constant 0 : i32
    %c0_i32_1 = arith.constant 0 : i32
    return %arg0, %c0_i32, %c0_i32_0 : i32, i32, i32
  }
  func.func @transform_3(%arg0: i32) -> (i32, i32, i32) {
    %c0_i32 = arith.constant 0 : i32
    %c0_i32_0 = arith.constant 0 : i32
    %c0_i32_1 = arith.constant 0 : i32
    return %arg0, %c0_i32, %c0_i32_0 : i32, i32, i32
  }
  func.func @transform_4(%arg0: i32) -> (i32, i32, i32) {
    %c0_i32 = arith.constant 0 : i32
    %c0_i32_0 = arith.constant 0 : i32
    %c0_i32_1 = arith.constant 0 : i32
    return %arg0, %c0_i32, %c0_i32_0 : i32, i32, i32
  }
  func.func @transform_5(%arg0: i32) -> (i32, i32, i32) {
    %c0_i32 = arith.constant 0 : i32
    %c0_i32_0 = arith.constant 0 : i32
    %c0_i32_1 = arith.constant 0 : i32
    return %arg0, %c0_i32, %c0_i32_0 : i32, i32, i32
  }
  func.func @transform_6(%arg0: i32) -> (i32, i32, i32) {
    %c0_i32 = arith.constant 0 : i32
    %c0_i32_0 = arith.constant 0 : i32
    %c0_i32_1 = arith.constant 0 : i32
    return %arg0, %c0_i32, %c0_i32_0 : i32, i32, i32
  }
}

module attributes {stable_mosaic.version = 14 : i64} {
  func.func @_epi1_body(%arg0: i32, %arg1: memref<4x1000x144xf32, #tpu.memory_space<vmem>>, %arg2: memref<1x512xf32, #tpu.memory_space<vmem>>, %arg3: memref<512x40xf32, #tpu.memory_space<vmem>>, %arg4: memref<1x40xf32, #tpu.memory_space<vmem>>, %arg5: memref<1x40xf32, #tpu.memory_space<vmem>>, %arg6: memref<1000x48xf32, #tpu.memory_space<vmem>>, %arg7: memref<1000x1xf32, #tpu.memory_space<vmem>>, %arg8: memref<1000x1xf32, #tpu.memory_space<vmem>>) attributes {dimension_semantics = [#tpu.dimension_semantics<arbitrary>], iteration_bounds = array<i64: 10>, scalar_prefetch = 0 : i64, scratch_operands = 0 : i64, tpu.core_type = #tpu.core_type<tc>, window_params = [{transform_indices = @transform_0, window_bounds = array<i64: 4, 1000, 144>}, {pipeline_mode = #tpu.pipeline_mode<synchronous>, transform_indices = @transform_1, window_bounds = array<i64: 1, 512>}, {pipeline_mode = #tpu.pipeline_mode<synchronous>, transform_indices = @transform_2, window_bounds = array<i64: 512, 40>}, {pipeline_mode = #tpu.pipeline_mode<synchronous>, transform_indices = @transform_3, window_bounds = array<i64: 1, 40>}, {pipeline_mode = #tpu.pipeline_mode<synchronous>, transform_indices = @transform_4, window_bounds = array<i64: 1, 40>}, {transform_indices = @transform_5, window_bounds = array<i64: 1000, 48>}, {transform_indices = @transform_6, window_bounds = array<i64: 1000, 1>}, {transform_indices = @transform_7, window_bounds = array<i64: 1000, 1>}]} {
    %get3A = arith.constant 0 : index
    %get3A_0 = arith.constant 0 : index
    %get3A_1 = arith.constant 0 : index
    %get3A_2 = vector.load %arg1[%get3A, %get3A_0, %get3A_1] : memref<4x1000x144xf32, #tpu.memory_space<vmem>>, vector<1x1000x144xf32>
    %get3A_3 = vector.shape_cast %get3A_2 : vector<1x1000x144xf32> to vector<1000x144xf32>
    %slice3A = vector.extract_strided_slice %get3A_3 {offsets = [0, 128], sizes = [1000, 1], strides = [1, 1]} : vector<1000x144xf32> to vector<1000x1xf32>
    %slice3A_4 = vector.extract_strided_slice %get3A_3 {offsets = [0, 0], sizes = [1000, 128], strides = [1, 1]} : vector<1000x144xf32> to vector<1000x128xf32>
    %add3A = arith.constant 9.99999971E-10 : f32
    %add3A_5 = vector.broadcast %add3A : f32 to vector<1000x1xf32>
    %add3A_6 = arith.addf %slice3A, %add3A_5 : vector<1000x1xf32>
    %div3A = vector.broadcast %add3A_6 : vector<1000x1xf32> to vector<1000x128xf32>
    %div3A_7 = arith.divf %slice3A_4, %div3A : vector<1000x128xf32>
    %get3A_8 = arith.constant 1 : index
    %get3A_9 = arith.constant 0 : index
    %get3A_10 = arith.constant 0 : index
    %get3A_11 = vector.load %arg1[%get3A_8, %get3A_9, %get3A_10] : memref<4x1000x144xf32, #tpu.memory_space<vmem>>, vector<1x1000x144xf32>
    %get3A_12 = vector.shape_cast %get3A_11 : vector<1x1000x144xf32> to vector<1000x144xf32>
    %slice3A_13 = vector.extract_strided_slice %get3A_12 {offsets = [0, 128], sizes = [1000, 1], strides = [1, 1]} : vector<1000x144xf32> to vector<1000x1xf32>
    %slice3A_14 = vector.extract_strided_slice %get3A_12 {offsets = [0, 0], sizes = [1000, 128], strides = [1, 1]} : vector<1000x144xf32> to vector<1000x128xf32>
    %add3A_15 = arith.constant 9.99999971E-10 : f32
    %add3A_16 = vector.broadcast %add3A_15 : f32 to vector<1000x1xf32>
    %add3A_17 = arith.addf %slice3A_13, %add3A_16 : vector<1000x1xf32>
    %div3A_18 = vector.broadcast %add3A_17 : vector<1000x1xf32> to vector<1000x128xf32>
    %div3A_19 = arith.divf %slice3A_14, %div3A_18 : vector<1000x128xf32>
    %get3A_20 = arith.constant 2 : index
    %get3A_21 = arith.constant 0 : index
    %get3A_22 = arith.constant 0 : index
    %get3A_23 = vector.load %arg1[%get3A_20, %get3A_21, %get3A_22] : memref<4x1000x144xf32, #tpu.memory_space<vmem>>, vector<1x1000x144xf32>
    %get3A_24 = vector.shape_cast %get3A_23 : vector<1x1000x144xf32> to vector<1000x144xf32>
    %slice3A_25 = vector.extract_strided_slice %get3A_24 {offsets = [0, 128], sizes = [1000, 1], strides = [1, 1]} : vector<1000x144xf32> to vector<1000x1xf32>
    %slice3A_26 = vector.extract_strided_slice %get3A_24 {offsets = [0, 0], sizes = [1000, 128], strides = [1, 1]} : vector<1000x144xf32> to vector<1000x128xf32>
    %add3A_27 = arith.constant 9.99999971E-10 : f32
    %add3A_28 = vector.broadcast %add3A_27 : f32 to vector<1000x1xf32>
    %add3A_29 = arith.addf %slice3A_25, %add3A_28 : vector<1000x1xf32>
    %div3A_30 = vector.broadcast %add3A_29 : vector<1000x1xf32> to vector<1000x128xf32>
    %div3A_31 = arith.divf %slice3A_26, %div3A_30 : vector<1000x128xf32>
    %get3A_32 = arith.constant 3 : index
    %get3A_33 = arith.constant 0 : index
    %get3A_34 = arith.constant 0 : index
    %get3A_35 = vector.load %arg1[%get3A_32, %get3A_33, %get3A_34] : memref<4x1000x144xf32, #tpu.memory_space<vmem>>, vector<1x1000x144xf32>
    %get3A_36 = vector.shape_cast %get3A_35 : vector<1x1000x144xf32> to vector<1000x144xf32>
    %slice3A_37 = vector.extract_strided_slice %get3A_36 {offsets = [0, 128], sizes = [1000, 1], strides = [1, 1]} : vector<1000x144xf32> to vector<1000x1xf32>
    %slice3A_38 = vector.extract_strided_slice %get3A_36 {offsets = [0, 0], sizes = [1000, 128], strides = [1, 1]} : vector<1000x144xf32> to vector<1000x128xf32>
    %add3A_39 = arith.constant 9.99999971E-10 : f32
    %add3A_40 = vector.broadcast %add3A_39 : f32 to vector<1000x1xf32>
    %add3A_41 = arith.addf %slice3A_37, %add3A_40 : vector<1000x1xf32>
    %div3A_42 = vector.broadcast %add3A_41 : vector<1000x1xf32> to vector<1000x128xf32>
    %div3A_43 = arith.divf %slice3A_38, %div3A_42 : vector<1000x128xf32>
    %concatenate3A = tpu.concatenate %div3A_7, %div3A_19, %div3A_31, %div3A_43 in 1 : vector<1000x128xf32>, vector<1000x128xf32>, vector<1000x128xf32>, vector<1000x128xf32> -> vector<1000x512xf32>
    %get3A_44 = arith.constant 0 : index
    %get3A_45 = arith.constant 0 : index
    %get3A_46 = vector.load %arg2[%get3A_44, %get3A_45] : memref<1x512xf32, #tpu.memory_space<vmem>>, vector<1x512xf32>
    %add3A_47 = vector.broadcast %get3A_46 : vector<1x512xf32> to vector<1000x512xf32>
    %add3A_48 = arith.addf %concatenate3A, %add3A_47 : vector<1000x512xf32>
    %max3A = arith.constant 0.000000e+00 : f32
    %max3A_49 = vector.broadcast %max3A : f32 to vector<1000x512xf32>
    %max3A_50 = arith.maximumf %add3A_48, %max3A_49 : vector<1000x512xf32>
    %get3A_51 = arith.constant 0 : index
    %get3A_52 = arith.constant 0 : index
    %get3A_53 = vector.load %arg3[%get3A_51, %get3A_52] : memref<512x40xf32, #tpu.memory_space<vmem>>, vector<512x40xf32>
    %dot_general3A = arith.constant dense<0.000000e+00> : vector<1000x40xf32>
    %dot_general3A_54 = tpu.matmul %max3A_50, %get3A_53, %dot_general3A {dimension_numbers = #tpu.dot_dimension_numbers<[1], [0], [0], [1], [0, 0, 1, 1], [], []>, transpose_lhs_hint = false} : vector<1000x512xf32>, vector<512x40xf32>, vector<1000x40xf32> -> vector<1000x40xf32>
    %broadcast_in_dim3A = arith.constant 0.000000e+00 : f32
    %broadcast_in_dim3A_55 = vector.broadcast %broadcast_in_dim3A : f32 to vector<1000x8xf32>
    %concatenate3A_56 = tpu.concatenate %dot_general3A_54, %broadcast_in_dim3A_55 in 1 : vector<1000x40xf32>, vector<1000x8xf32> -> vector<1000x48xf32>
    %swap3A = arith.constant 0 : index
    %swap3A_57 = arith.constant 0 : index
    %swap3A_58 = vector.load %arg6[%swap3A, %swap3A_57] : memref<1000x48xf32, #tpu.memory_space<vmem>>, vector<1000x48xf32>
    tpu.vector_store %arg6[%swap3A, %swap3A_57], %concatenate3A_56 {strides = array<i32>} : memref<1000x48xf32, #tpu.memory_space<vmem>>, vector<1000x48xf32>,
    %get3A_59 = arith.constant 0 : index
    %get3A_60 = arith.constant 0 : index
    %get3A_61 = vector.load %arg4[%get3A_59, %get3A_60] : memref<1x40xf32, #tpu.memory_space<vmem>>, vector<1x40xf32>
    %mul3A = vector.broadcast %get3A_61 : vector<1x40xf32> to vector<1000x40xf32>
    %mul3A_62 = arith.mulf %dot_general3A_54, %mul3A : vector<1000x40xf32>
    %reduce_sum3A = arith.constant dense<0.000000e+00> : vector<1000xf32>
    %reduce_sum3A_63 = vector.multi_reduction <add>, %mul3A_62, %reduce_sum3A [1] : vector<1000x40xf32> to vector<1000xf32>
    %broadcast_in_dim3A_64 = vector.shape_cast %reduce_sum3A_63 : vector<1000xf32> to vector<1000x1xf32>
    %swap3A_65 = arith.constant 0 : index
    %swap3A_66 = arith.constant 0 : index
    %swap3A_67 = vector.load %arg7[%swap3A_65, %swap3A_66] : memref<1000x1xf32, #tpu.memory_space<vmem>>, vector<1000x1xf32>
    tpu.vector_store %arg7[%swap3A_65, %swap3A_66], %broadcast_in_dim3A_64 {strides = array<i32>} : memref<1000x1xf32, #tpu.memory_space<vmem>>, vector<1000x1xf32>,
    %get3A_68 = arith.constant 0 : index
    %get3A_69 = arith.constant 0 : index
    %get3A_70 = vector.load %arg5[%get3A_68, %get3A_69] : memref<1x40xf32, #tpu.memory_space<vmem>>, vector<1x40xf32>
    %mul3A_71 = vector.broadcast %get3A_70 : vector<1x40xf32> to vector<1000x40xf32>
    %mul3A_72 = arith.mulf %dot_general3A_54, %mul3A_71 : vector<1000x40xf32>
    %reduce_sum3A_73 = arith.constant dense<0.000000e+00> : vector<1000xf32>
    %reduce_sum3A_74 = vector.multi_reduction <add>, %mul3A_72, %reduce_sum3A_73 [1] : vector<1000x40xf32> to vector<1000xf32>
    %broadcast_in_dim3A_75 = vector.shape_cast %reduce_sum3A_74 : vector<1000xf32> to vector<1000x1xf32>
    %swap3A_76 = arith.constant 0 : index
    %swap3A_77 = arith.constant 0 : index
    %swap3A_78 = vector.load %arg8[%swap3A_76, %swap3A_77] : memref<1000x1xf32, #tpu.memory_space<vmem>>, vector<1000x1xf32>
    tpu.vector_store %arg8[%swap3A_76, %swap3A_77], %broadcast_in_dim3A_75 {strides = array<i32>} : memref<1000x1xf32, #tpu.memory_space<vmem>>, vector<1000x1xf32>,
    return
  }
  func.func @transform_0(%arg0: i32) -> (i32, i32, i32) {
    %c0_i32 = arith.constant 0 : i32
    %c0_i32_0 = arith.constant 0 : i32
    %c0_i32_1 = arith.constant 0 : i32
    return %c0_i32, %arg0, %c0_i32_0 : i32, i32, i32
  }
  func.func @transform_1(%arg0: i32) -> (i32, i32) {
    %c0_i32 = arith.constant 0 : i32
    %c0_i32_0 = arith.constant 0 : i32
    %c0_i32_1 = arith.constant 0 : i32
    return %c0_i32, %c0_i32_0 : i32, i32
  }
  func.func @transform_2(%arg0: i32) -> (i32, i32) {
    %c0_i32 = arith.constant 0 : i32
    %c0_i32_0 = arith.constant 0 : i32
    %c0_i32_1 = arith.constant 0 : i32
    return %c0_i32, %c0_i32_0 : i32, i32
  }
  func.func @transform_3(%arg0: i32) -> (i32, i32) {
    %c0_i32 = arith.constant 0 : i32
    %c0_i32_0 = arith.constant 0 : i32
    %c0_i32_1 = arith.constant 0 : i32
    return %c0_i32, %c0_i32_0 : i32, i32
  }
  func.func @transform_4(%arg0: i32) -> (i32, i32) {
    %c0_i32 = arith.constant 0 : i32
    %c0_i32_0 = arith.constant 0 : i32
    %c0_i32_1 = arith.constant 0 : i32
    return %c0_i32, %c0_i32_0 : i32, i32
  }
  func.func @transform_5(%arg0: i32) -> (i32, i32) {
    %c0_i32 = arith.constant 0 : i32
    %c0_i32_0 = arith.constant 0 : i32
    return %arg0, %c0_i32 : i32, i32
  }
  func.func @transform_6(%arg0: i32) -> (i32, i32) {
    %c0_i32 = arith.constant 0 : i32
    %c0_i32_0 = arith.constant 0 : i32
    return %arg0, %c0_i32 : i32, i32
  }
  func.func @transform_7(%arg0: i32) -> (i32, i32) {
    %c0_i32 = arith.constant 0 : i32
    %c0_i32_0 = arith.constant 0 : i32
    return %arg0, %c0_i32 : i32, i32
  }
}

module attributes {stable_mosaic.version = 14 : i64} {
  func.func @_epi2_body(%arg0: i32, %arg1: memref<2x1000x48xf32, #tpu.memory_space<vmem>>, %arg2: memref<1x40xf32, #tpu.memory_space<vmem>>, %arg3: memref<1000x40xf32, #tpu.memory_space<vmem>>) attributes {dimension_semantics = [#tpu.dimension_semantics<arbitrary>], iteration_bounds = array<i64: 10>, scalar_prefetch = 0 : i64, scratch_operands = 0 : i64, tpu.core_type = #tpu.core_type<tc>, window_params = [{transform_indices = @transform_0, window_bounds = array<i64: 2, 1000, 48>}, {pipeline_mode = #tpu.pipeline_mode<synchronous>, transform_indices = @transform_1, window_bounds = array<i64: 1, 40>}, {transform_indices = @transform_2, window_bounds = array<i64: 1000, 40>}]} {
    %get3A = arith.constant 0 : index
    %get3A_0 = arith.constant 0 : index
    %get3A_1 = arith.constant 0 : index
    %get3A_2 = vector.load %arg1[%get3A, %get3A_0, %get3A_1] : memref<2x1000x48xf32, #tpu.memory_space<vmem>>, vector<1x1000x48xf32>
    %get3A_3 = vector.shape_cast %get3A_2 : vector<1x1000x48xf32> to vector<1000x48xf32>
    %get3A_4 = arith.constant 1 : index
    %get3A_5 = arith.constant 0 : index
    %get3A_6 = arith.constant 0 : index
    %get3A_7 = vector.load %arg1[%get3A_4, %get3A_5, %get3A_6] : memref<2x1000x48xf32, #tpu.memory_space<vmem>>, vector<1x1000x48xf32>
    %get3A_8 = vector.shape_cast %get3A_7 : vector<1x1000x48xf32> to vector<1000x48xf32>
    %add3A = arith.addf %get3A_3, %get3A_8 : vector<1000x48xf32>
    %slice3A = vector.extract_strided_slice %add3A {offsets = [0, 40], sizes = [1000, 1], strides = [1, 1]} : vector<1000x48xf32> to vector<1000x1xf32>
    %slice3A_9 = vector.extract_strided_slice %add3A {offsets = [0, 0], sizes = [1000, 40], strides = [1, 1]} : vector<1000x48xf32> to vector<1000x40xf32>
    %add3A_10 = arith.constant 9.99999971E-10 : f32
    %add3A_11 = vector.broadcast %add3A_10 : f32 to vector<1000x1xf32>
    %add3A_12 = arith.addf %slice3A, %add3A_11 : vector<1000x1xf32>
    %div3A = vector.broadcast %add3A_12 : vector<1000x1xf32> to vector<1000x40xf32>
    %div3A_13 = arith.divf %slice3A_9, %div3A : vector<1000x40xf32>
    %get3A_14 = arith.constant 0 : index
    %get3A_15 = arith.constant 0 : index
    %get3A_16 = vector.load %arg2[%get3A_14, %get3A_15] : memref<1x40xf32, #tpu.memory_space<vmem>>, vector<1x40xf32>
    %add3A_17 = vector.broadcast %get3A_16 : vector<1x40xf32> to vector<1000x40xf32>
    %add3A_18 = arith.addf %div3A_13, %add3A_17 : vector<1000x40xf32>
    %swap3A = arith.constant 0 : index
    %swap3A_19 = arith.constant 0 : index
    %swap3A_20 = vector.load %arg3[%swap3A, %swap3A_19] : memref<1000x40xf32, #tpu.memory_space<vmem>>, vector<1000x40xf32>
    tpu.vector_store %arg3[%swap3A, %swap3A_19], %add3A_18 {strides = array<i32>} : memref<1000x40xf32, #tpu.memory_space<vmem>>, vector<1000x40xf32>,
    return
  }
  func.func @transform_0(%arg0: i32) -> (i32, i32, i32) {
    %c0_i32 = arith.constant 0 : i32
    %c0_i32_0 = arith.constant 0 : i32
    %c0_i32_1 = arith.constant 0 : i32
    return %c0_i32, %arg0, %c0_i32_0 : i32, i32, i32
  }
  func.func @transform_1(%arg0: i32) -> (i32, i32) {
    %c0_i32 = arith.constant 0 : i32
    %c0_i32_0 = arith.constant 0 : i32
    %c0_i32_1 = arith.constant 0 : i32
    return %c0_i32, %c0_i32_0 : i32, i32
  }
  func.func @transform_2(%arg0: i32) -> (i32, i32) {
    %c0_i32 = arith.constant 0 : i32
    %c0_i32_0 = arith.constant 0 : i32
    return %arg0, %c0_i32 : i32, i32
  }
}

</mosaic_0001>

<sc_bundles>
// kernel: _run.10.cloned.1.call-start
scs
__scs_entry_jumppad:
0x0: {  	(pc) =	sbr.rel $0x88, $3  }
0x1: {  	(tag) =	ssettag $0x0;
	lr =	simm.s32 $0x1  }
0x2: {  	[smem:$0x3F97] =	sst lr;
	_ =	strace $0xD0000000  }
0x3: {  	_ = 	snop  }
0x4: {  	_ = 	snop  }
0x5: {  	_ = 	snop  }
0x6: {  	_ = 	snop  }
0x7: {  	_ = 	snop  }
__scs_overlays_trampoline_lowered:
0x8: {  	[smem:$0x3FA6] =	sst s0  }
0x9: {  	[smem:$0x3FA7] =	sst s1  }
0xa: {  	[smem:$0x3FA8] =	sst s2  }
0xb: {  	[smem:$0x3FA9] =	sst s3  }
0xc: {  	[smem:$0x3FAA] =	sst s4  }
0xd: {  	[smem:$0x3FAB] =	sst s5  }
0xe: {  	[smem:$0x3FAC] =	sst s6  }
0xf: {  	[smem:$0x3FAD] =	sst s7  }
0x10: {  	[smem:$0x3FAE] =	sst s8  }
0x11: {  	[smem:$0x3FAF] =	sst s9;
	s0 =	simm.s32 @!p0 $0x0  }
0x12: {  	s1 =	sld [smem:$0x3F95];
	s0 =	simm.s32 @p0 $0x1  }
0x13: {  	[smem:$0x3FB0] =	sst s0;
	s0 =	simm.s32 @!p1 $0x0  }
0x14: {  	s2 =	sld [smem:$0x3F94];
	s0 =	simm.s32 @p1 $0x1  }
0x15: {  	[smem:$0x3FB1] =	sst s0;
	s0 =	simm.s32 @!p2 $0x0  }
0x16: {  	s3 =	sld [smem:$0x3FDB];
	s0 =	simm.s32 @p2 $0x1  }
0x17: {  	s4 =	simm.s32 $0x1BF5;
	[smem:$0x3FB3] =	sst s0  }
0x18: {  	s0 =	sld [smem:$0x3F96];
	_ =	swait.ge [sflag:s4], $0x0  }
0x19: {  	s7 =	sld [smem:$0x3F97]  }
0x1a: {  	s8 =	sadd.s32 $0xFFFFE003, lr  }
0x1b: {  	s9 =	sadd.s32 $0xFFFFFEF7, lr;
	s5 =	simm.s32 $0xFFFFFFFF;
	p2 =	slt.u32 s8, $0xFFFFF086  }
0x1c: {  	p1 =	slt.u32 s9, $0xF7A;
	s5 =	simm.s32 @!p2 $0x0  }
0x1d: {  	s5 =	simm.s32 @p1 $0x1;
	p0 =	seq.s32 s7, s2  }
0x1e: {  	s7 =	smul.u32 @!p0 $0xF7A, s2;
	p2 =	seq.s32 @!p0 s5, $0x0  }
0x1f: {  	s9 =	smul.u32 $0xF7A, s1;
	s8 =	simm.s32 @!p0 $0x1BF5;
	p2 =	por !p2, p0  }
0x20: {  	[sflag:s8] =	ssyncset.s32 @!p0 $0xFFFFF086;
	s6 =	sadd.s32 @!p0 s3, s7;
	s7 =	simm.s32 @!p0 $0x108  }
0x21: {  	s3 =	sadd.s32 s3, s9;
	s6 =	sadd.s32 @!p0 $0x88, s6;
	s7 =	simm.s32 @p2 $0x1082  }
0x22: {  	[simem:s7], [sflag:s8] =	dma.local @!p0 [hbm:s6], $0xF7A  }
0x23: {  	s9 =	sor.u32 $0xD0000000, s2;
	s6 =	simm.s32 $0x108;
	_ =	swait.ge @!p0 [sflag:s8], $0x0  }
0x24: {  	s3 =	sadd.s32 $0x88, s3;
	s6 =	simm.s32 @!p1 $0x1082;
	[sflag:s4] =	ssyncset.s32 $0xFFFFF086  }
0x25: {  	[simem:s6], [sflag:s4] =	dma.local [hbm:s3], $0xF7A  }
0x26: {  	[smem:$0x3F97] =	sst s1;
	(tag) =	ssettag s2;
	_ =	strace s9  }
0x27: {  	s1 =	sld [smem:$0x3FA7]  }
0x28: {  	s2 =	sld [smem:$0x3FA8]  }
0x29: {  	s4 =	sld [smem:$0x3FAA]  }
0x2a: {  	p0 =	seq.s32 s5, $0x0;
	s5 =	sld [smem:$0x3FAB]  }
0x2b: {  	s6 =	sld [smem:$0x3FAC]  }
0x2c: {  	s7 =	sld [smem:$0x3FAD]  }
0x2d: {  	s3 =	simm.s32 $0x108;
	s8 =	sld [smem:$0x3FAE]  }
0x2e: {  	s3 =	simm.s32 @!p0 $0x1082;
	s9 =	sld [smem:$0x3FAF]  }
0x2f: {  	lr =	sadd.s32 s0, s3;
	s0 =	sld [smem:$0x3FA6]  }
0x30: {  	s3 =	sld [smem:$0x3FA9]  }
0x31: {  	[smem:$0x3FB2] =	sst s10  }
0x32: {  	s10 =	sld [smem:$0x3FB0];
	_ =	sdelay $0x3  }
0x33: {  	p0 =	seq.s32 s10, $0x1;
	s10 =	sld [smem:$0x3FB2];
	_ =	sdelay $0x3  }
0x34: {  	[smem:$0x3FB2] =	sst s10  }
0x35: {  	s10 =	sld [smem:$0x3FB1];
	_ =	sdelay $0x3  }
0x36: {  	p1 =	seq.s32 s10, $0x1;
	s10 =	sld [smem:$0x3FB2];
	_ =	sdelay $0x3  }
0x37: {  	[smem:$0x3FB2] =	sst s10  }
0x38: {  	s10 =	sld [smem:$0x3FB3]  }
0x39: {  	_ = 	snop;
	(pc) =	sbr.ind lr, $3  }
0x3a: {  	_ = 	snop  }
0x3b: {  	_ = 	snop  }
0x3c: {  	p2 =	seq.s32 s10, $0x1;
	s10 =	sld [smem:$0x3FB2]  }
0x3d: {  	_ =	shalt  }
0x3e: {  	_ =	shalt  }
0x3f: {  	_ =	shalt  }
0x40: {  	_ =	shalt  }
0x41: {  	_ =	shalt  }
0x42: {  	_ =	shalt  }
0x43: {  	_ =	shalt  }
0x44: {  	_ =	shalt  }
0x45: {  	_ =	shalt  }
0x46: {  	_ =	shalt  }
0x47: {  	_ =	shalt  }
0x48: {  	_ =	shalt  }
0x49: {  	_ =	shalt  }
0x4a: {  	_ =	shalt  }
0x4b: {  	_ =	shalt  }
0x4c: {  	_ =	shalt  }
0x4d: {  	_ =	shalt  }
0x4e: {  	_ =	shalt  }
0x4f: {  	_ =	shalt  }
0x50: {  	_ =	shalt  }
0x51: {  	_ =	shalt  }
0x52: {  	_ =	shalt  }
0x53: {  	_ =	shalt  }
0x54: {  	_ =	shalt  }
0x55: {  	_ =	shalt  }
0x56: {  	_ =	shalt  }
0x57: {  	_ =	shalt  }
0x58: {  	_ =	shalt  }
0x59: {  	_ =	shalt  }
0x5a: {  	_ =	shalt  }
0x5b: {  	_ =	shalt  }
0x5c: {  	_ =	shalt  }
0x5d: {  	_ =	shalt  }
0x5e: {  	_ =	shalt  }
0x5f: {  	_ =	shalt  }
0x60: {  	_ =	shalt  }
0x61: {  	_ =	shalt  }
0x62: {  	_ =	shalt  }
0x63: {  	_ =	shalt  }
0x64: {  	_ =	shalt  }
0x65: {  	_ =	shalt  }
0x66: {  	_ =	shalt  }
0x67: {  	_ =	shalt  }
0x68: {  	_ =	shalt  }
0x69: {  	_ =	shalt  }
0x6a: {  	_ =	shalt  }
0x6b: {  	_ =	shalt  }
0x6c: {  	_ =	shalt  }
0x6d: {  	_ =	shalt  }
0x6e: {  	_ =	shalt  }
0x6f: {  	_ =	shalt  }
0x70: {  	_ =	shalt  }
0x71: {  	_ =	shalt  }
0x72: {  	_ =	shalt  }
0x73: {  	_ =	shalt  }
0x74: {  	_ =	shalt  }
0x75: {  	_ =	shalt  }
0x76: {  	_ =	shalt  }
0x77: {  	_ =	shalt  }
0x78: {  	_ =	shalt  }
0x79: {  	_ =	shalt  }
0x7a: {  	_ =	shalt  }
0x7b: {  	_ =	shalt  }
0x7c: {  	_ =	shalt  }
0x7d: {  	_ =	shalt  }
0x7e: {  	_ =	shalt  }
0x7f: {  	_ =	shalt  }
0x80: {  	_ =	shalt  }
0x81: {  	_ =	shalt  }
0x82: {  	_ =	shalt  }
0x83: {  	_ =	shalt  }
0x84: {  	_ =	shalt  }
0x85: {  	_ =	shalt  }
0x86: {  	_ =	shalt  }
0x87: {  	_ =	shalt  }
.Lfunc_end0:
.L_simem_size_0:
called_computation.1_lowered:
.L_overlay_start_0:
0x88: {  	s2 =	sld [smem:$0x3FD9]  }
0x89: {  	s3 =	sld [smem:$0x3FFE];
	_ =	sdelay $0x1  }
0x8a: {  	s1 =	srdreg.scid  }
0x8b: {  	s0 =	sand.u32 $0x1, s1  }
0x8c: {  	s17 =	sshll.u32 s0, $0xA;
	s2 =	sadd.s32 s3, s2  }
0x8d: {  	s2 =	sadd.s32 s2, s17  }
0x8e: {  	[smem:$0x3FBE] =	sst s2  }
0x8f: {  	_ = 	snop  }
0x90: {  	s2 =	sld [smem:$0x3FD0];
	(tm) =	ssettm $0x1  }
0x91: {  	s18 =	sld [smem:$0x3FFB];
	_ =	sdelay $0x3  }
0x92: {  	_ =	strace s18  }
0x93: {  	s3 =	sld [smem:$0x3FFC];
	_ =	sdelay $0x3  }
0x94: {  	_ =	strace s3  }
0x95: {  	s3 =	sld [smem:$0x3FFD];
	_ =	sdelay $0x3  }
0x96: {  	_ =	strace s3  }
0x97: {  	_ =	strace $0x8FFFFFFF  }
0x98: {  	s19 =	sld [smem:$0x3FDB];
	_ =	sdelay $0x1  }
0x99: {  	s4 =	simm.s32 $_scs_section_size  }
0x9a: {  	s5 =	simm.s32 $_size__tile_overlayer_lowered;
	s6 =	simm.s32 $_tile_overlayer_lowered  }
0x9b: {  	s22 =	simm.s32 $0x1BFF;
	s21 =	sshll.u32 s6, $0x1;
	s3 =	sadd.s32 s4, s19  }
0x9c: {  	s7 =	simm.s32 $0x0;
	s20 =	sshll.u32 s5, $0x1;
	s5 =	sadd.s32 s21, s3  }
0x9d: {  	[timem:s7], [sflag:s22] =	dma.local [hbm:s5], s20  }
0x9e: {  	_ =	swait.ge [sflag:s22], s20  }
0x9f: {  	s4 =	ssub.s32 $0x0, s20;
	[sflag:s22] =	ssyncset.done $0x0  }
0xa0: {  	[sflag:s22] =	ssyncadd.s32 s4;
	_ =	sdelay $0x1  }
0xa1: {  	s23 =	simm.s32 $0x1B8B  }
0xa2: {  	_ =	swait.ge [sflag:s23], $0x1  }
0xa3: {  	[sflag:s23] =	ssyncset.done $0x0  }
0xa4: {  	s25 =	simm.s32 $0x1B8E;
	s24 =	sld [smem:$0x3FFE];
	[sflag:s23] =	ssyncadd.s32 $0xFFFFFFFF  }
0xa5: {  	s26 =	simm.s32 $execute0_lowered;
	[smem:$0x3FD2] =	sst s25  }
0xa6: {  	s5 =	sshll.u32 s26, $0x1;
	_ =	strace $0x80000049;
	[dreg:$0x1] =	wrdreg $0xFFFFFFFF  }
0xa7: {  	s28 =	simm.s32 $_size_execute0_lowered;
	s3 =	sadd.s32 s3, s5;
	[dreg:$0x0] =	wrdreg $0x0  }
0xa8: {  	s5 =	sshll.u32 s28, $0x1;
	[dreg:$0x2] =	wrdreg s3  }
0xa9: {  	[dreg:$0x3] =	wrdreg s5  }
0xaa: {  	[dreg:$0x4] =	wrdreg $0xC0  }
0xab: {  	_ =	task [dreg:s7], $0x5FFFF  }
0xac: {  	[dreg:$0x1] =	wrdreg $0xFFFFFFFF  }
0xad: {  	[dreg:$0x0] =	wrdreg $0x60  }
0xae: {  	[dreg:$0x2] =	wrdreg s24  }
0xaf: {  	[dreg:$0x3] =	wrdreg s2  }
0xb0: {  	[dreg:$0x4] =	wrdreg $0x6EE00  }
0xb1: {  	[dreg:$0x5] =	wrdreg $0x9  }
0xb2: {  	_ =	task.clear_ibuf [dreg:s7], $0x6FFFF;
	_ =	strace $0x90000049  }
0xb3: {  	s29 =	simm.s32 $0x9;
	_ =	strace $0x8000004B  }
0xb4: {  	_ =	swait.ge [sflag:s29], $0x1  }
0xb5: {  	[sflag:s29] =	ssyncadd.s32 $0xFFFFFFFF  }
0xb6: {  	_ =	strace $0x9000004B  }
0xb7: {  	_ =	sfence  }
0xb8: {  	s30 =	sld [smem:$0x0];
	_ =	sdelay $0x2  }
0xb9: {  	s31 =	sshll.u32 s1, $0xD;
	s1 =	sshrl.u32 s1, $0x2  }
0xba: {  	s3 =	sand.u32 $0x4000, s31;
	s1 =	sadd.s32 s1, s30  }
0xbb: {  	s0 =	sor.u32 s3, s0;
	s1 =	sshll.u32 s1, $0x11  }
0xbc: {  	s0 =	sor.u32 s1, s0  }
0xbd: {  	s0 =	sadd.s32 $0x8F2B, s0  }
0xbe: {  	[sflag:s0] =	ssyncadd.remote.s32 $0x1  }
0xbf: {  	_ =	sfence.sel $0xFFFF  }
0xc0: {  	[dreg:$0x0] =	wrdreg $0xFFFFFFFF;
	(pc) =	sbr.abs _section_cstart, $3  }
0xc1: {  	[dreg:$0x1] =	wrdreg $0xFFFFFFFF  }
0xc2: {  	_ =	task.clear_ibuf [dreg:s7], $0x2FFFF;
	_ =	strace $0x9FFFFFFF  }
0xc3: {  	(tm) =	ssettm $0x7FFFFFFF  }
tec
execute0_lowered:
.L_overlay_start_1:
0x0: {  	(tag) =	ssettag $0x1  }
0x1: {  	s1 =	rddreg [dreg:$0x0]  }
0x2: {  	s3 =	rddreg [dreg:$0x1]  }
0x3: {  	s4 =	rddreg [dreg:$0x2];
	s0 =	srdreg.scid  }
0x4: {  	s9 =	stileid.u32;
	s5 =	simm.s32 $0x0;
	s28 =	simm.s32 $0x40  }
0x5: {  	s29 =	simm.s32 $0x5620;
	s30 =	simm.s32 $0x56E0;
	s31 =	simm.s32 $0x1  }
0x6: {  	s0 =	sand.u32 $0x1, s0;
	s2 =	smul.u32 $0xEA6, s9;
	[smem:$0x7FF] =	sst s5  }
0x7: {  	s6 =	sadd.s32 $0xF200, s1;
	s19 =	sadd.s32 $0xEC00, s1;
	s20 =	smul.u32 $0x1D4C0, s9  }
0x8: {  	s8 =	sadd.s32 $0x9EC00, s1;
	_ =	strace $0x8000004A;
	[dreg:$0x4] =	wrdreg s6  }
0x9: {  	s18 =	smul.u32 $0xEA60, s0;
	[dreg:$0x5] =	wrdreg s19;
	s21 =	ssub.s32 $0x2, s0  }
0xa: {  	s0 =	sshll.u32 s0, $0x4;
	s7 =	sshrl.u32 s21, $0x1;
	s5 =	sshrl.u32 s20, $0x2  }
0xb: {  	s0 =	sor.u32 s9, s0;
	s2 =	sadd.s32 s2, s18;
	s6 =	ssub.s32 s21, s7  }
0xc: {  	s9 =	sadd.s32 s5, s4;
	s10 =	smul.u32 $0x2710, s0;
	s0 =	simm.s32 $0x56A0  }
0xd: {  	s5 =	simm.s32 $0x0;
	s2 =	sadd.s32 s2, s1;
	s22 =	sadd.s32 $0xC00, s9  }
0xe: {  	s23 =	sadd.s32 $0x1800, s9;
	s24 =	sadd.s32 $0x2400, s9;
	[dreg:$0x6] =	wrdreg s22  }
0xf: {  	s25 =	sadd.s32 $0x3000, s9;
	s26 =	sadd.s32 $0x3C00, s9;
	[dreg:$0x7] =	wrdreg s23  }
0x10: {  	s16 =	sadd.s32 $0x4800, s9;
	s17 =	sadd.s32 $0x5400, s9;
	[dreg:$0x8] =	wrdreg s24  }
0x11: {  	s18 =	sadd.s32 $0x6000, s9;
	s19 =	sadd.s32 $0x6C00, s9;
	[dreg:$0x9] =	wrdreg s25  }
0x12: {  	s21 =	smax.u32 s6, $0x1;
	[dreg:$0xa] =	wrdreg s26;
	s20 =	sadd.s32 $0xF800, s2  }
0x13: {  	s22 =	simm.s32 $0x800;
	s23 =	simm.s32 $0x2;
	s24 =	simm.s32 $0x2F10  }
0x14: {  	v0 =	vimm.f32 $0.0e+00;
	vm0 =	vcmask $0x1F24;
	s25 =	simm.s32 $0x62E0;
	s26 =	simm.s32 $0x400;
	s2 =	simm.s32 $0x5660  }
.LBB2_1:
0x15: {  	s6 =	simm.s32 $0x0;
	s7 =	rddreg [dreg:$0x4]  }
0x16: {  	[tilespmem:s22], [sflag:$0x2] =	stream.linear.gather [hbm4b:s7+s6], $0x2710, $0x38;
	[tilespmem:$0xE410] =	vst v63  }
0x17: {  	_ =	swait.ge [sflag:s23], $0x2710  }
0x18: {  	[sflag:s23] =	ssyncset.done $0x0  }
0x19: {  	s15 =	rddreg [dreg:$0x5];
	[sflag:s23] =	ssyncadd.s32 $0xFFFFD8F0  }
0x1a: {  	[tilespmem:s24], [sflag:$0x2] =	stream.linear.gather [hbm4b:s15+s6], $0x2710, $0x38;
	[tilespmem:$0xE410] =	vst v63  }
0x1b: {  	_ =	swait.ge [sflag:s23], $0x2710  }
0x1c: {  	[sflag:s23] =	ssyncset.done $0x0  }
0x1d: {  	s7 =	simm.s32 $0x0;
	s6 =	simm.s32 $0xC0;
	[sflag:s23] =	ssyncadd.s32 $0xFFFFD8F0  }
.LBB2_2:
0x1e: {  	p0 =	sne.s32 s6, $0x2F40;
	[tilespmem:s7+$0x6300] =	vst v0;
	s11 =	smov.u32 s6;
	s6 =	sadd.s32 $0xC0, s6  }
.Ltmp0:
0x1f: {  	[tilespmem:s7+$0x62E0] =	vst v0;
	(pc) =	sbr.rel @p0 .LBB2_2-.Ltmp0, $2  }
0x20: {  	[tilespmem:s7+$0x62F0] =	vst v0;
	_ =	sdelay $0x2  }
0x21: {  	s7 =	sshra.s32 s11, $0x2  }
0x22: {  	[tilespmem:s7+$0x6300] =	vst v0  }
0x23: {  	[tilespmem:s7+$0x62E0] =	vst v0  }
0x24: {  	[tilespmem:s7+$0x62F0] =	vst v0  }
0x25: {  	[spmem:s9] =	stream.linear.scatter [tilespmem:s25], [sflag:$0x2], $0xC00, $0x38;
	[tilespmem:$0xE410] =	vst v63  }
0x26: {  	_ =	swait.ge [sflag:s23], $0xC00  }
0x27: {  	[sflag:s23] =	ssyncset.done $0x0  }
0x28: {  	s6 =	rddreg [dreg:$0x6];
	[sflag:s23] =	ssyncadd.s32 $0xFFFFF400  }
0x29: {  	[spmem:s6] =	stream.linear.scatter [tilespmem:s25], [sflag:$0x2], $0xC00, $0x38;
	[tilespmem:$0xE410] =	vst v63  }
0x2a: {  	_ =	swait.ge [sflag:s23], $0xC00  }
0x2b: {  	[sflag:s23] =	ssyncset.done $0x0  }
0x2c: {  	s12 =	rddreg [dreg:$0x7];
	[sflag:s23] =	ssyncadd.s32 $0xFFFFF400  }
0x2d: {  	[spmem:s12] =	stream.linear.scatter [tilespmem:s25], [sflag:$0x2], $0xC00, $0x38;
	[tilespmem:$0xE410] =	vst v63  }
0x2e: {  	_ =	swait.ge [sflag:s23], $0xC00  }
0x2f: {  	[sflag:s23] =	ssyncset.done $0x0  }
0x30: {  	s13 =	rddreg [dreg:$0x8];
	[sflag:s23] =	ssyncadd.s32 $0xFFFFF400  }
0x31: {  	[spmem:s13] =	stream.linear.scatter [tilespmem:s25], [sflag:$0x2], $0xC00, $0x38;
	[tilespmem:$0xE410] =	vst v63  }
0x32: {  	_ =	swait.ge [sflag:s23], $0xC00  }
0x33: {  	[sflag:s23] =	ssyncset.done $0x0  }
0x34: {  	s14 =	rddreg [dreg:$0x9];
	[sflag:s23] =	ssyncadd.s32 $0xFFFFF400  }
0x35: {  	[spmem:s14] =	stream.linear.scatter [tilespmem:s25], [sflag:$0x2], $0xC00, $0x38;
	[tilespmem:$0xE410] =	vst v63  }
0x36: {  	_ =	swait.ge [sflag:s23], $0xC00  }
0x37: {  	[sflag:s23] =	ssyncset.done $0x0  }
0x38: {  	s15 =	rddreg [dreg:$0xa];
	[sflag:s23] =	ssyncadd.s32 $0xFFFFF400  }
0x39: {  	[spmem:s15] =	stream.linear.scatter [tilespmem:s25], [sflag:$0x2], $0xC00, $0x38;
	[tilespmem:$0xE410] =	vst v63  }
0x3a: {  	_ =	swait.ge [sflag:s23], $0xC00  }
0x3b: {  	[sflag:s23] =	ssyncset.done $0x0  }
0x3c: {  	[sflag:s23] =	ssyncadd.s32 $0xFFFFF400  }
0x3d: {  	[spmem:s16] =	stream.linear.scatter [tilespmem:s25], [sflag:$0x2], $0xC00, $0x38;
	[tilespmem:$0xE410] =	vst v63  }
0x3e: {  	_ =	swait.ge [sflag:s23], $0xC00  }
0x3f: {  	[sflag:s23] =	ssyncset.done $0x0  }
0x40: {  	[sflag:s23] =	ssyncadd.s32 $0xFFFFF400  }
0x41: {  	[spmem:s17] =	stream.linear.scatter [tilespmem:s25], [sflag:$0x2], $0xC00, $0x38;
	[tilespmem:$0xE410] =	vst v63  }
0x42: {  	_ =	swait.ge [sflag:s23], $0xC00  }
0x43: {  	[sflag:s23] =	ssyncset.done $0x0  }
0x44: {  	[sflag:s23] =	ssyncadd.s32 $0xFFFFF400  }
0x45: {  	[spmem:s18] =	stream.linear.scatter [tilespmem:s25], [sflag:$0x2], $0xC00, $0x38;
	[tilespmem:$0xE410] =	vst v63  }
0x46: {  	_ =	swait.ge [sflag:s23], $0xC00  }
0x47: {  	[sflag:s23] =	ssyncset.done $0x0  }
0x48: {  	[sflag:s23] =	ssyncadd.s32 $0xFFFFF400  }
0x49: {  	[spmem:s19] =	stream.linear.scatter [tilespmem:s25], [sflag:$0x2], $0x930, $0x38;
	[tilespmem:$0xE410] =	vst v63  }
0x4a: {  	_ =	swait.ge [sflag:s23], $0x930  }
0x4b: {  	[sflag:s23] =	ssyncset.done $0x0  }
0x4c: {  	[sflag:s23] =	ssyncadd.s32 $0xFFFFF6D0  }
0x4d: {  	s7 =	simm.s32 $0x0;
	s6 =	simm.s32 $0x0;
	[bflag:$0x0] =	sbarrier.arrive $0xFFFF  }
.LBB2_4:
0x4e: {  	s11 =	sshll.u32 s7, $0xA  }
0x4f: {  	s12 =	sadd.s32 s10, s11  }
0x50: {  	s12 =	sshrl.u32 s12, $0x3  }
0x51: {  	s13 =	sadd.s32 s3, s12  }
0x52: {  	[tilespmem:s6], [sflag:$0x2] =	stream.linear.gather [hbm4b:s13+s6], $0x400, $0x38;
	[tilespmem:$0xE410] =	vst v63  }
0x53: {  	_ =	swait.ge [sflag:s23], $0x400  }
0x54: {  	[sflag:s23] =	ssyncset.done $0x0  }
0x55: {  	s12 =	sadd.s32 s8, s12;
	[sflag:s23] =	ssyncadd.s32 $0xFFFFFC00  }
0x56: {  	[tilespmem:s26], [sflag:$0x2] =	stream.linear.gather [hbm4b:s12+s6], $0x400, $0x38;
	[tilespmem:$0xE410] =	vst v63  }
0x57: {  	_ =	swait.ge [sflag:s23], $0x400  }
0x58: {  	[sflag:s23] =	ssyncset.done $0x0  }
0x59: {  	s12 =	simm.s32 $0x0;
	[sflag:s23] =	ssyncadd.s32 $0xFFFFFC00  }
.LBB2_5:
0x5a: {  	s13 =	sshll.u32 s12, $0x6  }
0x5b: {  	v1 =	vld [tilespmem:s13+$0x0]  }
0x5c: {  	v2 =	vld [tilespmem:s13+$0x400];
	_ =	sdelay $0x1  }
0x5d: {  	s14 =	sor.u32 s11, s13  }
0x5e: {  	p0 =	slt.u32 s14, $0x2710  }
0x5f: {  	v1 =	vpsel !p0, $0x0, v1  }
0x60: {  	v2 =	vpsel !p0, $0x0, v2;
	_ =	sdelay $0x3  }
0x61: {  	v3 =	vld.idx.msk [tilespmem:v1+s22+$0x0], $0xffff  }
0x62: {  	v4 =	vld.idx.msk [tilespmem:v2+s24+$0x0], $0xffff;
	_ =	sdelay $0x4  }
0x63: {  	v3 =	vadd.f32 v4, v3;
	_ =	sdelay $0x1  }
0x64: {  	v4 =	vmul.f32 $2.000000030e-01, v3  }
0x65: {  	vm1 =	vlt.f32 v3, $0.0e+00  }
0x66: {  	v3 =	vsel vm1, v4, v3  }
0x67: {  	v3 =	vmul.f32 $1.442695020e+00, v3;
	_ =	sdelay $0x1  }
0x68: {  	(erf) = vpow2.f32 v3;
	_ =	sdelay $0x8  }
0x69: {  	[tilespmem:$0x5620] =	vst v1;
	v3 =	vpop (erf)  }
0x6a: {  	[tilespmem:$0x5660] =	vst v2;
	v1 =	vpsel !p0, $0x0, v3  }
0x6b: {  	[tilespmem:$0x56A0] =	vst v1  }
0x6c: {  	v1 =	vld [tilespmem:s13+$0x10]  }
0x6d: {  	v2 =	vld [tilespmem:s13+$0x410];
	_ =	sdelay $0x1  }
0x6e: {  	s15 =	sor.u32 $0x10, s14  }
0x6f: {  	p4 =	slt.u32 s15, $0x2710  }
0x70: {  	v1 =	vpsel !p4, $0x0, v1  }
0x71: {  	v2 =	vpsel !p4, $0x0, v2;
	_ =	sdelay $0x3  }
0x72: {  	v3 =	vld.idx.msk [tilespmem:v1+s22+$0x0], $0xffff  }
0x73: {  	v4 =	vld.idx.msk [tilespmem:v2+s24+$0x0], $0xffff;
	_ =	sdelay $0x4  }
0x74: {  	v3 =	vadd.f32 v4, v3;
	_ =	sdelay $0x1  }
0x75: {  	v4 =	vmul.f32 $2.000000030e-01, v3  }
0x76: {  	vm1 =	vlt.f32 v3, $0.0e+00  }
0x77: {  	v3 =	vsel vm1, v4, v3  }
0x78: {  	v3 =	vmul.f32 $1.442695020e+00, v3;
	_ =	sdelay $0x1  }
0x79: {  	(erf) = vpow2.f32 v3;
	_ =	sdelay $0x8  }
0x7a: {  	[tilespmem:$0x5630] =	vst v1;
	v3 =	vpop (erf)  }
0x7b: {  	[tilespmem:$0x5670] =	vst v2;
	v1 =	vpsel !p4, $0x0, v3  }
0x7c: {  	[tilespmem:$0x56B0] =	vst v1  }
0x7d: {  	v1 =	vld [tilespmem:s13+$0x20]  }
0x7e: {  	v2 =	vld [tilespmem:s13+$0x420];
	_ =	sdelay $0x1  }
0x7f: {  	s15 =	sor.u32 $0x20, s14  }
0x80: {  	p5 =	slt.u32 s15, $0x2710  }
0x81: {  	v1 =	vpsel !p5, $0x0, v1  }
0x82: {  	v2 =	vpsel !p5, $0x0, v2;
	_ =	sdelay $0x3  }
0x83: {  	v3 =	vld.idx.msk [tilespmem:v1+s22+$0x0], $0xffff  }
0x84: {  	v4 =	vld.idx.msk [tilespmem:v2+s24+$0x0], $0xffff;
	_ =	sdelay $0x4  }
0x85: {  	v3 =	vadd.f32 v4, v3;
	_ =	sdelay $0x1  }
0x86: {  	v4 =	vmul.f32 $2.000000030e-01, v3  }
0x87: {  	vm1 =	vlt.f32 v3, $0.0e+00  }
0x88: {  	v3 =	vsel vm1, v4, v3  }
0x89: {  	v3 =	vmul.f32 $1.442695020e+00, v3;
	_ =	sdelay $0x1  }
0x8a: {  	(erf) = vpow2.f32 v3;
	_ =	sdelay $0x8  }
0x8b: {  	[tilespmem:$0x5640] =	vst v1;
	v3 =	vpop (erf)  }
0x8c: {  	[tilespmem:$0x5680] =	vst v2;
	v1 =	vpsel !p5, $0x0, v3  }
0x8d: {  	[tilespmem:$0x56C0] =	vst v1  }
0x8e: {  	v1 =	vld [tilespmem:s13+$0x30]  }
0x8f: {  	v2 =	vld [tilespmem:s13+$0x430];
	_ =	sdelay $0x1  }
0x90: {  	s14 =	sor.u32 $0x30, s14  }
0x91: {  	p6 =	slt.u32 s14, $0x2710  }
0x92: {  	v1 =	vpsel !p6, $0x0, v1  }
0x93: {  	v2 =	vpsel !p6, $0x0, v2;
	_ =	sdelay $0x3  }
0x94: {  	v3 =	vld.idx.msk [tilespmem:v1+s22+$0x0], $0xffff  }
0x95: {  	v4 =	vld.idx.msk [tilespmem:v2+s24+$0x0], $0xffff;
	_ =	sdelay $0x4  }
0x96: {  	v3 =	vadd.f32 v4, v3;
	_ =	sdelay $0x1  }
0x97: {  	v4 =	vmul.f32 $2.000000030e-01, v3  }
0x98: {  	vm1 =	vlt.f32 v3, $0.0e+00  }
0x99: {  	v3 =	vsel vm1, v4, v3  }
0x9a: {  	v3 =	vmul.f32 $1.442695020e+00, v3;
	_ =	sdelay $0x1  }
0x9b: {  	(erf) = vpow2.f32 v3;
	_ =	sdelay $0x8  }
0x9c: {  	[tilespmem:$0x5650] =	vst v1;
	v3 =	vpop (erf)  }
0x9d: {  	s15 =	simm.s32 $0x0;
	[tilespmem:$0x5690] =	vst v2;
	v1 =	vpsel !p6, $0x0, v3  }
0x9e: {  	[tilespmem:$0x56D0] =	vst v1;
	v1 =	vmov s15  }
0x9f: {  	[tilespmem:s30], [sflag:$0x1] =	stream.indirect.gather [hbm4b:s1+s28], $0x30, s29, s28, $0xb8;
	[tilespmem:$0xE410] =	vst v63  }
0xa0: {  	_ =	swait.ge [sflag:s31], $0xC00  }
0xa1: {  	[sflag:s31] =	ssyncset.done $0x0  }
0xa2: {  	[sflag:s31] =	ssyncadd.s32 $0xFFFFF400  }
0xa3: {  	s13 =	simm.s32 $0x56F0;
	v1 =	vld.idx.msk [tilespmem:v1+s0+$0x0], $0xffff  }
0xa4: {  	v2 =	vld [tilespmem:s13+$0xFFFFFFF0];
	_ =	sdelay $0x4  }
0xa5: {  	v2 =	vmul.f32 v2, v1  }
0xa6: {  	s14 =	simm.s32 $0x62F0  }
0xa7: {  	[tilespmem:s14+$0xFFFFFFF0] =	vst v2  }
0xa8: {  	v2 =	vld [tilespmem:s13+$0x0];
	_ =	sdelay $0x4  }
0xa9: {  	v2 =	vmul.f32 v2, v1;
	_ =	sdelay $0x1  }
0xaa: {  	[tilespmem:s14+$0x0] =	vst v2  }
0xab: {  	v3 =	vld [tilespmem:s13+$0x10];
	_ =	sdelay $0x2  }
0xac: {  	s15 =	simm.s32 $0x1  }
0xad: {  	v2 =	vmov s15;
	s15 =	simm.s32 $0x2  }
.LBB2_6:
0xae: {  	p0 =	sne.s32 s15, $0x3F;
	v3 =	vmul.f32 v3, v1;
	_ =	sdelay $0x1  }
0xaf: {  	v1 =	vsel vm0, v3, v1  }
0xb0: {  	[tilespmem:s14+$0x10] =	vst v1  }
0xb1: {  	s13 =	sadd.s32 $0x30, s13;
	v1 =	vld.idx.msk [tilespmem:v2+s0+$0x0], $0xffff  }
0xb2: {  	v2 =	vld [tilespmem:s13+$0xFFFFFFF0];
	_ =	sdelay $0x4  }
0xb3: {  	v2 =	vmul.f32 v2, v1  }
0xb4: {  	s14 =	sadd.s32 $0x30, s14  }
0xb5: {  	[tilespmem:s14+$0xFFFFFFF0] =	vst v2  }
0xb6: {  	v2 =	vld [tilespmem:s13+$0x0];
	_ =	sdelay $0x4  }
0xb7: {  	v2 =	vmul.f32 v2, v1;
	_ =	sdelay $0x1  }
0xb8: {  	[tilespmem:s14+$0x0] =	vst v2  }
.Ltmp1:
0xb9: {  	v3 =	vld [tilespmem:s13+$0x10];
	(pc) =	sbr.rel @p0 .LBB2_6-.Ltmp1, $2  }
0xba: {  	_ =	sdelay $0x2  }
0xbb: {  	v2 =	vmov s15;
	s15 =	sadd.s32 $0x1, s15  }
0xbc: {  	v3 =	vmul.f32 v3, v1;
	_ =	sdelay $0x1  }
0xbd: {  	v1 =	vsel vm0, v3, v1  }
0xbe: {  	[tilespmem:s14+$0x10] =	vst v1  }
0xbf: {  	s13 =	sadd.s32 $0x30, s13;
	v1 =	vld.idx.msk [tilespmem:v2+s0+$0x0], $0xffff  }
0xc0: {  	v2 =	vld [tilespmem:s13+$0xFFFFFFF0];
	_ =	sdelay $0x4  }
0xc1: {  	v2 =	vmul.f32 v2, v1  }
0xc2: {  	s15 =	sadd.s32 $0x30, s14  }
0xc3: {  	[tilespmem:s15+$0xFFFFFFF0] =	vst v2  }
0xc4: {  	v2 =	vld [tilespmem:s13+$0x0];
	_ =	sdelay $0x4  }
0xc5: {  	v2 =	vmul.f32 v2, v1;
	_ =	sdelay $0x1  }
0xc6: {  	[tilespmem:s15+$0x0] =	vst v2  }
0xc7: {  	v2 =	vld [tilespmem:s13+$0x10];
	_ =	sdelay $0x4  }
0xc8: {  	v2 =	vmul.f32 v2, v1  }
0xc9: {  	s12 =	sadd.s32 $0x1, s12  }
0xca: {  	p0 =	sne.s32 s12, $0x10;
	v1 =	vsel vm0, v2, v1  }
.Ltmp2:
0xcb: {  	[tilespmem:s15+$0x10] =	vst v1;
	(pc) =	sbr.rel @p0 .LBB2_5-.Ltmp2, $4  }
0xcc: {  	[spmem:s4] =	stream.indirect.scatter.add.f32 [tilespmem:s25], [sflag:$0x2], $0x30, s2, s28, $0xb8;
	[tilespmem:$0xE410] =	vst v63  }
0xcd: {  	_ =	swait.ge [sflag:s23], $0xC00  }
0xce: {  	[sflag:s23] =	ssyncset.done $0x0  }
0xcf: {  	[sflag:s23] =	ssyncadd.s32 $0xFFFFF400  }
0xd0: {  	s7 =	sadd.s32 $0x1, s7  }
0xd1: {  	p0 =	sne.s32 s7, $0xA  }
.Ltmp3:
0xd2: {  	_ = 	snop;
	(pc) =	sbr.rel @p0 .LBB2_4-.Ltmp3, $1  }
0xd3: {  	_ =	sdelay $0x3  }
0xd4: {  	s6 =	stileid.u32;
	s5 =	sadd.s32 $0x1, s5  }
0xd5: {  	[bflag:$0x0] =	sbarrier.arrive $0xFFFF;
	s6 =	sshll.u32 s6, $0x6;
	p0 =	sne.s32 s5, s21  }
.Ltmp4:
0xd6: {  	s7 =	sshrl.u32 s9, $0x3;
	s6 =	sor.u32 $0x1C02, s6;
	(pc) =	sbr.rel @p0 .LBB2_1-.Ltmp4, $4  }
0xd7: {  	[hbm:s20], [sflag:s6] =	dma.local [spmem:s7], $0xEA6  }
0xd8: {  	_ =	swait.ge [sflag:s23], $0xEA6  }
0xd9: {  	[sflag:s23] =	ssyncset.done $0x0  }
0xda: {  	[sflag:s23] =	ssyncadd.s32 $0xFFFFF15A  }
0xdb: {  	_ =	sfence.sel $0x180000  }
0xdc: {  	[bflag:$0x0] =	sbarrier.arrive $0xFFFF  }
0xdd: {  	_ =	strace $0x9000004A  }
0xde: {  	s0 =	stileid.u32;
	[bflag:$0x2] =	sbarrier.arrive $0xFFFF  }
0xdf: {  	p0 =	sne.s32 s0, $0x0;
	s0 =	rddreg [dreg:$0x3]  }
0xe0: {  	s0 =	sadd.s32 @!p0 $0x100000, s0  }
0xe1: {  	[sflag:s0] =	ssyncadd.tile.s32 @!p0 $0x1;
	_ =	shalt  }
.Lfunc_end2:
_tile_overlayer_lowered:
.L_overlay_start_2:
0xe2: {  	(tag) =	ssettag $0x2  }
0xe3: {  	s0 =	rddreg [dreg:$0x0];
	s2 =	stileid.u32  }
0xe4: {  	s1 =	rddreg [dreg:$0x1];
	p0 =	sne.s32 s2, $0x0  }
0xe5: {  	s3 =	rddreg [dreg:$0x2];
	[bflag:$0x3] =	sbarrier.arrive $0xFFFF;
	s2 =	simm.s32 @!p0 $0x1C02  }
0xe6: {  	[timem:s3], [sflag:s2] =	dma.local @!p0 [hbm:s0], s1  }
0xe7: {  	s0 =	simm.s32 @!p0 $0x2  }
0xe8: {  	_ =	swait.ge @!p0 [sflag:s0], s1  }
0xe9: {  	s1 =	ssub.s32 @!p0 $0x0, s1;
	[sflag:s0] =	ssyncset.done @!p0 $0x0  }
0xea: {  	[sflag:s0] =	ssyncadd.s32 @!p0 s1  }
0xeb: {  	[bflag:$0x3] =	sbarrier.arrive $0xFFFF  }
0xec: {  	_ =	shalt  }

// kernel: _run.7.cloned.1.call-start
scs
__scs_entry_jumppad:
0x0: {  	(pc) =	sbr.rel $0x88, $3  }
0x1: {  	(tag) =	ssettag $0x0;
	lr =	simm.s32 $0x1  }
0x2: {  	[smem:$0x3F97] =	sst lr;
	_ =	strace $0xD0000000  }
0x3: {  	_ = 	snop  }
0x4: {  	_ = 	snop  }
0x5: {  	_ = 	snop  }
0x6: {  	_ = 	snop  }
0x7: {  	_ = 	snop  }
__scs_overlays_trampoline_lowered:
0x8: {  	[smem:$0x3FA6] =	sst s0  }
0x9: {  	[smem:$0x3FA7] =	sst s1  }
0xa: {  	[smem:$0x3FA8] =	sst s2  }
0xb: {  	[smem:$0x3FA9] =	sst s3  }
0xc: {  	[smem:$0x3FAA] =	sst s4  }
0xd: {  	[smem:$0x3FAB] =	sst s5  }
0xe: {  	[smem:$0x3FAC] =	sst s6  }
0xf: {  	[smem:$0x3FAD] =	sst s7  }
0x10: {  	[smem:$0x3FAE] =	sst s8  }
0x11: {  	[smem:$0x3FAF] =	sst s9;
	s0 =	simm.s32 @!p0 $0x0  }
0x12: {  	s1 =	sld [smem:$0x3F95];
	s0 =	simm.s32 @p0 $0x1  }
0x13: {  	[smem:$0x3FB0] =	sst s0;
	s0 =	simm.s32 @!p1 $0x0  }
0x14: {  	s2 =	sld [smem:$0x3F94];
	s0 =	simm.s32 @p1 $0x1  }
0x15: {  	[smem:$0x3FB1] =	sst s0;
	s0 =	simm.s32 @!p2 $0x0  }
0x16: {  	s3 =	sld [smem:$0x3FDB];
	s0 =	simm.s32 @p2 $0x1  }
0x17: {  	s4 =	simm.s32 $0x1BF5;
	[smem:$0x3FB3] =	sst s0  }
0x18: {  	s0 =	sld [smem:$0x3F96];
	_ =	swait.ge [sflag:s4], $0x0  }
0x19: {  	s7 =	sld [smem:$0x3F97]  }
0x1a: {  	s8 =	sadd.s32 $0xFFFFE003, lr  }
0x1b: {  	s9 =	sadd.s32 $0xFFFFFEF7, lr;
	s5 =	simm.s32 $0xFFFFFFFF;
	p2 =	slt.u32 s8, $0xFFFFF086  }
0x1c: {  	p1 =	slt.u32 s9, $0xF7A;
	s5 =	simm.s32 @!p2 $0x0  }
0x1d: {  	s5 =	simm.s32 @p1 $0x1;
	p0 =	seq.s32 s7, s2  }
0x1e: {  	s7 =	smul.u32 @!p0 $0xF7A, s2;
	p2 =	seq.s32 @!p0 s5, $0x0  }
0x1f: {  	s9 =	smul.u32 $0xF7A, s1;
	s8 =	simm.s32 @!p0 $0x1BF5;
	p2 =	por !p2, p0  }
0x20: {  	[sflag:s8] =	ssyncset.s32 @!p0 $0xFFFFF086;
	s6 =	sadd.s32 @!p0 s3, s7;
	s7 =	simm.s32 @!p0 $0x108  }
0x21: {  	s3 =	sadd.s32 s3, s9;
	s6 =	sadd.s32 @!p0 $0x88, s6;
	s7 =	simm.s32 @p2 $0x1082  }
0x22: {  	[simem:s7], [sflag:s8] =	dma.local @!p0 [hbm:s6], $0xF7A  }
0x23: {  	s9 =	sor.u32 $0xD0000000, s2;
	s6 =	simm.s32 $0x108;
	_ =	swait.ge @!p0 [sflag:s8], $0x0  }
0x24: {  	s3 =	sadd.s32 $0x88, s3;
	s6 =	simm.s32 @!p1 $0x1082;
	[sflag:s4] =	ssyncset.s32 $0xFFFFF086  }
0x25: {  	[simem:s6], [sflag:s4] =	dma.local [hbm:s3], $0xF7A  }
0x26: {  	[smem:$0x3F97] =	sst s1;
	(tag) =	ssettag s2;
	_ =	strace s9  }
0x27: {  	s1 =	sld [smem:$0x3FA7]  }
0x28: {  	s2 =	sld [smem:$0x3FA8]  }
0x29: {  	s4 =	sld [smem:$0x3FAA]  }
0x2a: {  	p0 =	seq.s32 s5, $0x0;
	s5 =	sld [smem:$0x3FAB]  }
0x2b: {  	s6 =	sld [smem:$0x3FAC]  }
0x2c: {  	s7 =	sld [smem:$0x3FAD]  }
0x2d: {  	s3 =	simm.s32 $0x108;
	s8 =	sld [smem:$0x3FAE]  }
0x2e: {  	s3 =	simm.s32 @!p0 $0x1082;
	s9 =	sld [smem:$0x3FAF]  }
0x2f: {  	lr =	sadd.s32 s0, s3;
	s0 =	sld [smem:$0x3FA6]  }
0x30: {  	s3 =	sld [smem:$0x3FA9]  }
0x31: {  	[smem:$0x3FB2] =	sst s10  }
0x32: {  	s10 =	sld [smem:$0x3FB0];
	_ =	sdelay $0x3  }
0x33: {  	p0 =	seq.s32 s10, $0x1;
	s10 =	sld [smem:$0x3FB2];
	_ =	sdelay $0x3  }
0x34: {  	[smem:$0x3FB2] =	sst s10  }
0x35: {  	s10 =	sld [smem:$0x3FB1];
	_ =	sdelay $0x3  }
0x36: {  	p1 =	seq.s32 s10, $0x1;
	s10 =	sld [smem:$0x3FB2];
	_ =	sdelay $0x3  }
0x37: {  	[smem:$0x3FB2] =	sst s10  }
0x38: {  	s10 =	sld [smem:$0x3FB3]  }
0x39: {  	_ = 	snop;
	(pc) =	sbr.ind lr, $3  }
0x3a: {  	_ = 	snop  }
0x3b: {  	_ = 	snop  }
0x3c: {  	p2 =	seq.s32 s10, $0x1;
	s10 =	sld [smem:$0x3FB2]  }
0x3d: {  	_ =	shalt  }
0x3e: {  	_ =	shalt  }
0x3f: {  	_ =	shalt  }
0x40: {  	_ =	shalt  }
0x41: {  	_ =	shalt  }
0x42: {  	_ =	shalt  }
0x43: {  	_ =	shalt  }
0x44: {  	_ =	shalt  }
0x45: {  	_ =	shalt  }
0x46: {  	_ =	shalt  }
0x47: {  	_ =	shalt  }
0x48: {  	_ =	shalt  }
0x49: {  	_ =	shalt  }
0x4a: {  	_ =	shalt  }
0x4b: {  	_ =	shalt  }
0x4c: {  	_ =	shalt  }
0x4d: {  	_ =	shalt  }
0x4e: {  	_ =	shalt  }
0x4f: {  	_ =	shalt  }
0x50: {  	_ =	shalt  }
0x51: {  	_ =	shalt  }
0x52: {  	_ =	shalt  }
0x53: {  	_ =	shalt  }
0x54: {  	_ =	shalt  }
0x55: {  	_ =	shalt  }
0x56: {  	_ =	shalt  }
0x57: {  	_ =	shalt  }
0x58: {  	_ =	shalt  }
0x59: {  	_ =	shalt  }
0x5a: {  	_ =	shalt  }
0x5b: {  	_ =	shalt  }
0x5c: {  	_ =	shalt  }
0x5d: {  	_ =	shalt  }
0x5e: {  	_ =	shalt  }
0x5f: {  	_ =	shalt  }
0x60: {  	_ =	shalt  }
0x61: {  	_ =	shalt  }
0x62: {  	_ =	shalt  }
0x63: {  	_ =	shalt  }
0x64: {  	_ =	shalt  }
0x65: {  	_ =	shalt  }
0x66: {  	_ =	shalt  }
0x67: {  	_ =	shalt  }
0x68: {  	_ =	shalt  }
0x69: {  	_ =	shalt  }
0x6a: {  	_ =	shalt  }
0x6b: {  	_ =	shalt  }
0x6c: {  	_ =	shalt  }
0x6d: {  	_ =	shalt  }
0x6e: {  	_ =	shalt  }
0x6f: {  	_ =	shalt  }
0x70: {  	_ =	shalt  }
0x71: {  	_ =	shalt  }
0x72: {  	_ =	shalt  }
0x73: {  	_ =	shalt  }
0x74: {  	_ =	shalt  }
0x75: {  	_ =	shalt  }
0x76: {  	_ =	shalt  }
0x77: {  	_ =	shalt  }
0x78: {  	_ =	shalt  }
0x79: {  	_ =	shalt  }
0x7a: {  	_ =	shalt  }
0x7b: {  	_ =	shalt  }
0x7c: {  	_ =	shalt  }
0x7d: {  	_ =	shalt  }
0x7e: {  	_ =	shalt  }
0x7f: {  	_ =	shalt  }
0x80: {  	_ =	shalt  }
0x81: {  	_ =	shalt  }
0x82: {  	_ =	shalt  }
0x83: {  	_ =	shalt  }
0x84: {  	_ =	shalt  }
0x85: {  	_ =	shalt  }
0x86: {  	_ =	shalt  }
0x87: {  	_ =	shalt  }
.Lfunc_end0:
.L_simem_size_0:
called_computation_lowered:
.L_overlay_start_0:
0x88: {  	s2 =	sld [smem:$0x3FD9]  }
0x89: {  	s3 =	sld [smem:$0x3FFE];
	_ =	sdelay $0x1  }
0x8a: {  	s1 =	srdreg.scid  }
0x8b: {  	s0 =	sand.u32 $0x1, s1  }
0x8c: {  	s17 =	sshll.u32 s0, $0xA;
	s2 =	sadd.s32 s3, s2  }
0x8d: {  	s2 =	sadd.s32 s2, s17  }
0x8e: {  	[smem:$0x3FBE] =	sst s2  }
0x8f: {  	_ = 	snop  }
0x90: {  	s2 =	sld [smem:$0x3FD0];
	(tm) =	ssettm $0x1  }
0x91: {  	s18 =	sld [smem:$0x3FFB];
	_ =	sdelay $0x3  }
0x92: {  	_ =	strace s18  }
0x93: {  	s3 =	sld [smem:$0x3FFC];
	_ =	sdelay $0x3  }
0x94: {  	_ =	strace s3  }
0x95: {  	s3 =	sld [smem:$0x3FFD];
	_ =	sdelay $0x3  }
0x96: {  	_ =	strace s3  }
0x97: {  	_ =	strace $0x8FFFFFFF  }
0x98: {  	s19 =	sld [smem:$0x3FDB];
	_ =	sdelay $0x1  }
0x99: {  	s4 =	simm.s32 $_scs_section_size  }
0x9a: {  	s5 =	simm.s32 $_size__tile_overlayer_lowered;
	s6 =	simm.s32 $_tile_overlayer_lowered  }
0x9b: {  	s22 =	simm.s32 $0x1BFF;
	s21 =	sshll.u32 s6, $0x1;
	s3 =	sadd.s32 s4, s19  }
0x9c: {  	s7 =	simm.s32 $0x0;
	s20 =	sshll.u32 s5, $0x1;
	s5 =	sadd.s32 s21, s3  }
0x9d: {  	[timem:s7], [sflag:s22] =	dma.local [hbm:s5], s20  }
0x9e: {  	_ =	swait.ge [sflag:s22], s20  }
0x9f: {  	s4 =	ssub.s32 $0x0, s20;
	[sflag:s22] =	ssyncset.done $0x0  }
0xa0: {  	[sflag:s22] =	ssyncadd.s32 s4;
	_ =	sdelay $0x1  }
0xa1: {  	s23 =	simm.s32 $0x1B8B  }
0xa2: {  	_ =	swait.ge [sflag:s23], $0x1  }
0xa3: {  	[sflag:s23] =	ssyncset.done $0x0  }
0xa4: {  	s25 =	simm.s32 $0x1B8E;
	s24 =	sld [smem:$0x3FFE];
	[sflag:s23] =	ssyncadd.s32 $0xFFFFFFFF  }
0xa5: {  	s26 =	simm.s32 $execute0_lowered;
	[smem:$0x3FD2] =	sst s25  }
0xa6: {  	s5 =	sshll.u32 s26, $0x1;
	_ =	strace $0x80000046;
	[dreg:$0x1] =	wrdreg $0xFFFFFFFF  }
0xa7: {  	s28 =	simm.s32 $_size_execute0_lowered;
	s3 =	sadd.s32 s3, s5;
	[dreg:$0x0] =	wrdreg $0x0  }
0xa8: {  	s5 =	sshll.u32 s28, $0x1;
	[dreg:$0x2] =	wrdreg s3  }
0xa9: {  	[dreg:$0x3] =	wrdreg s5  }
0xaa: {  	[dreg:$0x4] =	wrdreg $0xC0  }
0xab: {  	_ =	task [dreg:s7], $0x5FFFF  }
0xac: {  	[dreg:$0x1] =	wrdreg $0xFFFFFFFF  }
0xad: {  	[dreg:$0x0] =	wrdreg $0x60  }
0xae: {  	[dreg:$0x2] =	wrdreg s24  }
0xaf: {  	[dreg:$0x3] =	wrdreg s2  }
0xb0: {  	[dreg:$0x4] =	wrdreg $0x9AE00  }
0xb1: {  	[dreg:$0x5] =	wrdreg $0x9  }
0xb2: {  	_ =	task.clear_ibuf [dreg:s7], $0x6FFFF;
	_ =	strace $0x90000046  }
0xb3: {  	s29 =	simm.s32 $0x9;
	_ =	strace $0x80000048  }
0xb4: {  	_ =	swait.ge [sflag:s29], $0x1  }
0xb5: {  	[sflag:s29] =	ssyncadd.s32 $0xFFFFFFFF  }
0xb6: {  	_ =	strace $0x90000048  }
0xb7: {  	_ =	sfence  }
0xb8: {  	s30 =	sld [smem:$0x0];
	_ =	sdelay $0x2  }
0xb9: {  	s31 =	sshll.u32 s1, $0xD;
	s1 =	sshrl.u32 s1, $0x2  }
0xba: {  	s3 =	sand.u32 $0x4000, s31;
	s1 =	sadd.s32 s1, s30  }
0xbb: {  	s0 =	sor.u32 s3, s0;
	s1 =	sshll.u32 s1, $0x11  }
0xbc: {  	s0 =	sor.u32 s1, s0  }
0xbd: {  	s0 =	sadd.s32 $0x8F2B, s0  }
0xbe: {  	[sflag:s0] =	ssyncadd.remote.s32 $0x1  }
0xbf: {  	_ =	sfence.sel $0xFFFF  }
0xc0: {  	[dreg:$0x0] =	wrdreg $0xFFFFFFFF;
	(pc) =	sbr.abs _section_cstart, $3  }
0xc1: {  	[dreg:$0x1] =	wrdreg $0xFFFFFFFF  }
0xc2: {  	_ =	task.clear_ibuf [dreg:s7], $0x2FFFF;
	_ =	strace $0x9FFFFFFF  }
0xc3: {  	(tm) =	ssettm $0x7FFFFFFF  }
tec
execute0_lowered:
.L_overlay_start_1:
0x0: {  	(tag) =	ssettag $0x1  }
0x1: {  	s1 =	rddreg [dreg:$0x0]  }
0x2: {  	s2 =	rddreg [dreg:$0x1]  }
0x3: {  	s3 =	rddreg [dreg:$0x2]  }
0x4: {  	s0 =	simm.s32 $0x0;
	s15 =	srdreg.scid;
	s12 =	stileid.u32  }
0x5: {  	s28 =	simm.s32 $0x2F10;
	s29 =	simm.s32 $0x76E0;
	s30 =	simm.s32 $0x400  }
0x6: {  	s31 =	simm.s32 $0x40;
	[smem:$0x7FF] =	sst s0;
	s4 =	sadd.s32 $0x9C400, s1  }
0x7: {  	s0 =	sand.u32 $0x1, s15;
	s8 =	sadd.s32 $0x9D800, s1;
	s9 =	smul.u32 $0x57E40, s12  }
0x8: {  	s6 =	sadd.s32 $0x9EC00, s1;
	s10 =	sadd.s32 $0xA8C00, s1;
	s5 =	ssub.s32 $0x2, s0  }
0x9: {  	_ =	strace $0x80000047;
	s0 =	smul.u32 $0x4E20, s0;
	s7 =	sshrl.u32 s5, $0x1  }
0xa: {  	s9 =	sshrl.u32 s9, $0x2;
	s5 =	ssub.s32 s5, s7;
	s7 =	smul.u32 $0x4E20, s12  }
0xb: {  	s11 =	sshrl.u32 s0, $0x3;
	s12 =	smul.u32 $0x271, s12;
	s9 =	sadd.s32 s9, s3  }
0xc: {  	s18 =	sadd.s32 $0x2710, s0;
	s13 =	sadd.s32 s4, s11;
	s11 =	sadd.s32 s8, s11  }
0xd: {  	s15 =	sadd.s32 $0x2400, s9;
	s23 =	sadd.s32 $0x4800, s9;
	[dreg:$0x4] =	wrdreg s13  }
0xe: {  	s16 =	sadd.s32 $0x6C00, s9;
	s14 =	sadd.s32 $0x9000, s9;
	[dreg:$0x5] =	wrdreg s11  }
0xf: {  	s19 =	sadd.s32 $0xB400, s9;
	s20 =	sshrl.u32 s18, $0x3;
	[dreg:$0x6] =	wrdreg s16  }
0x10: {  	s22 =	sadd.s32 $0xFC00, s9;
	s26 =	smax.u32 s5, $0x1;
	[dreg:$0x7] =	wrdreg s14  }
0x11: {  	s5 =	simm.s32 $0x56E0;
	s17 =	sadd.s32 s12, s0;
	[dreg:$0x8] =	wrdreg s19  }
0x12: {  	s12 =	sadd.s32 s12, s18;
	s16 =	sadd.s32 $0xD800, s9;
	[dreg:$0xc] =	wrdreg s22  }
0x13: {  	s4 =	sadd.s32 s4, s20;
	s21 =	sadd.s32 s8, s20;
	[dreg:$0xf] =	wrdreg s26  }
0x14: {  	s22 =	sadd.s32 $0x12000, s9;
	s26 =	simm.s32 $0x2;
	[dreg:$0x9] =	wrdreg s16  }
0x15: {  	v0 =	vmov s0;
	s0 =	simm.s32 $0x5620;
	s11 =	smul.u32 $0x12, s17;
	[dreg:$0xa] =	wrdreg s4  }
0x16: {  	s8 =	simm.s32 $0x56A0;
	s12 =	smul.u32 $0x12, s12;
	[dreg:$0xb] =	wrdreg s21  }
0x17: {  	s4 =	simm.s32 $0x1;
	s17 =	simm.s32 $0x0;
	s24 =	sadd.s32 s10, s11  }
0x18: {  	s25 =	sadd.s32 s10, s12;
	s10 =	simm.s32 $0x5660;
	[dreg:$0xd] =	wrdreg s24  }
0x19: {  	v2 =	vimm.f32 $0.0e+00;
	vm0 =	vmmov $0x1;
	v1 =	vmov s18;
	[dreg:$0xe] =	wrdreg s25;
	s24 =	sadd.s32 $0x14400, s9;
	s25 =	simm.s32 $0x800  }
.LBB2_1:
0x1a: {  	s11 =	simm.s32 $0x0;
	s12 =	rddreg [dreg:$0x4]  }
0x1b: {  	[tilespmem:s25], [sflag:$0x2] =	stream.linear.gather [hbm4b:s12+s11], $0x2710, $0x38;
	[tilespmem:$0x1FA70] =	vst v63  }
0x1c: {  	_ =	swait.ge [sflag:s26], $0x2710  }
0x1d: {  	[sflag:s26] =	ssyncset.done $0x0  }
0x1e: {  	s21 =	rddreg [dreg:$0x5];
	[sflag:s26] =	ssyncadd.s32 $0xFFFFD8F0  }
0x1f: {  	[tilespmem:s28], [sflag:$0x2] =	stream.linear.gather [hbm4b:s21+s11], $0x2710, $0x38;
	[tilespmem:$0x1FA70] =	vst v63  }
0x20: {  	_ =	swait.ge [sflag:s26], $0x2710  }
0x21: {  	[sflag:s26] =	ssyncset.done $0x0  }
0x22: {  	s12 =	simm.s32 $0x240;
	s11 =	simm.s32 $0x0;
	[sflag:s26] =	ssyncadd.s32 $0xFFFFD8F0  }
.LBB2_2:
0x23: {  	p0 =	sne.s32 s12, $0x8DC0;
	[tilespmem:s11+$0x7760] =	vst v2  }
0x24: {  	[tilespmem:s11+$0x76E0] =	vst v2  }
0x25: {  	[tilespmem:s11+$0x76F0] =	vst v2  }
0x26: {  	[tilespmem:s11+$0x7700] =	vst v2  }
.Ltmp0:
0x27: {  	[tilespmem:s11+$0x7710] =	vst v2;
	(pc) =	sbr.rel @p0 .LBB2_2-.Ltmp0, $4  }
0x28: {  	[tilespmem:s11+$0x7720] =	vst v2  }
0x29: {  	[tilespmem:s11+$0x7730] =	vst v2  }
0x2a: {  	[tilespmem:s11+$0x7740] =	vst v2  }
0x2b: {  	[tilespmem:s11+$0x7750] =	vst v2;
	s11 =	sshra.s32 s12, $0x2;
	s12 =	sadd.s32 $0x240, s12  }
0x2c: {  	[tilespmem:s11+$0x7760] =	vst v2  }
0x2d: {  	[tilespmem:s11+$0x76E0] =	vst v2  }
0x2e: {  	[tilespmem:s11+$0x76F0] =	vst v2  }
0x2f: {  	[tilespmem:s11+$0x7700] =	vst v2  }
0x30: {  	[tilespmem:s11+$0x7710] =	vst v2  }
0x31: {  	[tilespmem:s11+$0x7720] =	vst v2  }
0x32: {  	[tilespmem:s11+$0x7730] =	vst v2  }
0x33: {  	[tilespmem:s11+$0x7740] =	vst v2  }
0x34: {  	[tilespmem:s11+$0x7750] =	vst v2  }
0x35: {  	[spmem:s9] =	stream.linear.scatter [tilespmem:s29], [sflag:$0x2], $0x2400, $0x38;
	[tilespmem:$0x1FA70] =	vst v63  }
0x36: {  	_ =	swait.ge [sflag:s26], $0x2400  }
0x37: {  	[sflag:s26] =	ssyncset.done $0x0  }
0x38: {  	[sflag:s26] =	ssyncadd.s32 $0xFFFFDC00  }
0x39: {  	[spmem:s15] =	stream.linear.scatter [tilespmem:s29], [sflag:$0x2], $0x2400, $0x38;
	[tilespmem:$0x1FA70] =	vst v63  }
0x3a: {  	_ =	swait.ge [sflag:s26], $0x2400  }
0x3b: {  	[sflag:s26] =	ssyncset.done $0x0  }
0x3c: {  	[sflag:s26] =	ssyncadd.s32 $0xFFFFDC00  }
0x3d: {  	[spmem:s23] =	stream.linear.scatter [tilespmem:s29], [sflag:$0x2], $0x2400, $0x38;
	[tilespmem:$0x1FA70] =	vst v63  }
0x3e: {  	_ =	swait.ge [sflag:s26], $0x2400  }
0x3f: {  	[sflag:s26] =	ssyncset.done $0x0  }
0x40: {  	s16 =	rddreg [dreg:$0x6];
	[sflag:s26] =	ssyncadd.s32 $0xFFFFDC00  }
0x41: {  	[spmem:s16] =	stream.linear.scatter [tilespmem:s29], [sflag:$0x2], $0x2400, $0x38;
	[tilespmem:$0x1FA70] =	vst v63  }
0x42: {  	_ =	swait.ge [sflag:s26], $0x2400  }
0x43: {  	[sflag:s26] =	ssyncset.done $0x0  }
0x44: {  	s18 =	rddreg [dreg:$0x7];
	[sflag:s26] =	ssyncadd.s32 $0xFFFFDC00  }
0x45: {  	[spmem:s18] =	stream.linear.scatter [tilespmem:s29], [sflag:$0x2], $0x2400, $0x38;
	[tilespmem:$0x1FA70] =	vst v63  }
0x46: {  	_ =	swait.ge [sflag:s26], $0x2400  }
0x47: {  	[sflag:s26] =	ssyncset.done $0x0  }
0x48: {  	s19 =	rddreg [dreg:$0x8];
	[sflag:s26] =	ssyncadd.s32 $0xFFFFDC00  }
0x49: {  	[spmem:s19] =	stream.linear.scatter [tilespmem:s29], [sflag:$0x2], $0x2400, $0x38;
	[tilespmem:$0x1FA70] =	vst v63  }
0x4a: {  	_ =	swait.ge [sflag:s26], $0x2400  }
0x4b: {  	[sflag:s26] =	ssyncset.done $0x0  }
0x4c: {  	s20 =	rddreg [dreg:$0x9];
	[sflag:s26] =	ssyncadd.s32 $0xFFFFDC00  }
0x4d: {  	[spmem:s20] =	stream.linear.scatter [tilespmem:s29], [sflag:$0x2], $0x2400, $0x38;
	[tilespmem:$0x1FA70] =	vst v63  }
0x4e: {  	_ =	swait.ge [sflag:s26], $0x2400  }
0x4f: {  	[sflag:s26] =	ssyncset.done $0x0  }
0x50: {  	s21 =	rddreg [dreg:$0xc];
	[sflag:s26] =	ssyncadd.s32 $0xFFFFDC00  }
0x51: {  	[spmem:s21] =	stream.linear.scatter [tilespmem:s29], [sflag:$0x2], $0x2400, $0x38;
	[tilespmem:$0x1FA70] =	vst v63  }
0x52: {  	_ =	swait.ge [sflag:s26], $0x2400  }
0x53: {  	[sflag:s26] =	ssyncset.done $0x0  }
0x54: {  	[sflag:s26] =	ssyncadd.s32 $0xFFFFDC00  }
0x55: {  	[spmem:s22] =	stream.linear.scatter [tilespmem:s29], [sflag:$0x2], $0x2400, $0x38;
	[tilespmem:$0x1FA70] =	vst v63  }
0x56: {  	_ =	swait.ge [sflag:s26], $0x2400  }
0x57: {  	[sflag:s26] =	ssyncset.done $0x0  }
0x58: {  	[sflag:s26] =	ssyncadd.s32 $0xFFFFDC00  }
0x59: {  	[spmem:s24] =	stream.linear.scatter [tilespmem:s29], [sflag:$0x2], $0x1B90, $0x38;
	[tilespmem:$0x1FA70] =	vst v63  }
0x5a: {  	_ =	swait.ge [sflag:s26], $0x1B90  }
0x5b: {  	[sflag:s26] =	ssyncset.done $0x0  }
0x5c: {  	[sflag:s26] =	ssyncadd.s32 $0xFFFFE470  }
0x5d: {  	s18 =	simm.s32 $0x0;
	s20 =	simm.s32 $0x0;
	[bflag:$0x0] =	sbarrier.arrive $0xFFFF  }
.LBB2_4:
0x5e: {  	s21 =	sshll.u32 s20, $0xA  }
0x5f: {  	s11 =	sadd.s32 s7, s21  }
0x60: {  	s11 =	sshrl.u32 s11, $0x3  }
0x61: {  	s12 =	sadd.s32 s2, s11  }
0x62: {  	[tilespmem:s18], [sflag:$0x2] =	stream.linear.gather [hbm4b:s12+s18], $0x400, $0x38;
	[tilespmem:$0x1FA70] =	vst v63  }
0x63: {  	_ =	swait.ge [sflag:s26], $0x400  }
0x64: {  	[sflag:s26] =	ssyncset.done $0x0  }
0x65: {  	s11 =	sadd.s32 s6, s11;
	[sflag:s26] =	ssyncadd.s32 $0xFFFFFC00  }
0x66: {  	[tilespmem:s30], [sflag:$0x2] =	stream.linear.gather [hbm4b:s11+s18], $0x400, $0x38;
	[tilespmem:$0x1FA70] =	vst v63  }
0x67: {  	_ =	swait.ge [sflag:s26], $0x400  }
0x68: {  	[sflag:s26] =	ssyncset.done $0x0  }
0x69: {  	s11 =	simm.s32 $0x0;
	[sflag:s26] =	ssyncadd.s32 $0xFFFFFC00  }
.LBB2_5:
0x6a: {  	s12 =	sshll.u32 s11, $0x6  }
0x6b: {  	v3 =	vld [tilespmem:s12+$0x0]  }
0x6c: {  	v4 =	vld [tilespmem:s12+$0x400];
	_ =	sdelay $0x1  }
0x6d: {  	s13 =	sor.u32 s21, s12  }
0x6e: {  	p0 =	slt.u32 s13, $0x4E20  }
0x6f: {  	v3 =	vpsel !p0, $0x0, v3  }
0x70: {  	v4 =	vpsel !p0, $0x0, v4;
	_ =	sdelay $0x3  }
0x71: {  	v5 =	vld.idx.msk [tilespmem:v3+s25+$0x0], $0xffff  }
0x72: {  	v6 =	vld.idx.msk [tilespmem:v4+s28+$0x0], $0xffff;
	_ =	sdelay $0x4  }
0x73: {  	v5 =	vadd.f32 v6, v5;
	_ =	sdelay $0x1  }
0x74: {  	v6 =	vmul.f32 $2.000000030e-01, v5  }
0x75: {  	vm1 =	vlt.f32 v5, $0.0e+00  }
0x76: {  	v5 =	vsel vm1, v6, v5  }
0x77: {  	v5 =	vmul.f32 $1.442695020e+00, v5;
	_ =	sdelay $0x1  }
0x78: {  	(erf) = vpow2.f32 v5;
	_ =	sdelay $0x8  }
0x79: {  	v3 =	vadd.s32 v0, v3;
	[tilespmem:$0x5660] =	vst v4;
	v5 =	vpop (erf)  }
0x7a: {  	[tilespmem:$0x5620] =	vst v3;
	v3 =	vpsel !p0, $0x0, v5  }
0x7b: {  	[tilespmem:$0x56A0] =	vst v3  }
0x7c: {  	v3 =	vld [tilespmem:s12+$0x10]  }
0x7d: {  	v4 =	vld [tilespmem:s12+$0x410];
	_ =	sdelay $0x1  }
0x7e: {  	s14 =	sor.u32 $0x10, s13  }
0x7f: {  	p4 =	slt.u32 s14, $0x4E20  }
0x80: {  	v3 =	vpsel !p4, $0x0, v3  }
0x81: {  	v4 =	vpsel !p4, $0x0, v4;
	_ =	sdelay $0x3  }
0x82: {  	v5 =	vld.idx.msk [tilespmem:v3+s25+$0x0], $0xffff  }
0x83: {  	v6 =	vld.idx.msk [tilespmem:v4+s28+$0x0], $0xffff;
	_ =	sdelay $0x4  }
0x84: {  	v5 =	vadd.f32 v6, v5;
	_ =	sdelay $0x1  }
0x85: {  	v6 =	vmul.f32 $2.000000030e-01, v5  }
0x86: {  	vm1 =	vlt.f32 v5, $0.0e+00  }
0x87: {  	v5 =	vsel vm1, v6, v5  }
0x88: {  	v5 =	vmul.f32 $1.442695020e+00, v5;
	_ =	sdelay $0x1  }
0x89: {  	(erf) = vpow2.f32 v5;
	_ =	sdelay $0x8  }
0x8a: {  	v3 =	vadd.s32 v0, v3;
	[tilespmem:$0x5670] =	vst v4;
	v5 =	vpop (erf)  }
0x8b: {  	[tilespmem:$0x5630] =	vst v3;
	v3 =	vpsel !p4, $0x0, v5  }
0x8c: {  	[tilespmem:$0x56B0] =	vst v3  }
0x8d: {  	v3 =	vld [tilespmem:s12+$0x20]  }
0x8e: {  	v4 =	vld [tilespmem:s12+$0x420];
	_ =	sdelay $0x1  }
0x8f: {  	s19 =	sor.u32 $0x20, s13  }
0x90: {  	p5 =	slt.u32 s19, $0x4E20  }
0x91: {  	v3 =	vpsel !p5, $0x0, v3  }
0x92: {  	v4 =	vpsel !p5, $0x0, v4;
	_ =	sdelay $0x3  }
0x93: {  	v5 =	vld.idx.msk [tilespmem:v3+s25+$0x0], $0xffff  }
0x94: {  	v6 =	vld.idx.msk [tilespmem:v4+s28+$0x0], $0xffff;
	_ =	sdelay $0x4  }
0x95: {  	v5 =	vadd.f32 v6, v5;
	_ =	sdelay $0x1  }
0x96: {  	v6 =	vmul.f32 $2.000000030e-01, v5  }
0x97: {  	vm1 =	vlt.f32 v5, $0.0e+00  }
0x98: {  	v5 =	vsel vm1, v6, v5  }
0x99: {  	v5 =	vmul.f32 $1.442695020e+00, v5;
	_ =	sdelay $0x1  }
0x9a: {  	(erf) = vpow2.f32 v5;
	_ =	sdelay $0x8  }
0x9b: {  	v3 =	vadd.s32 v0, v3;
	[tilespmem:$0x5680] =	vst v4;
	v5 =	vpop (erf)  }
0x9c: {  	[tilespmem:$0x5640] =	vst v3;
	v3 =	vpsel !p5, $0x0, v5  }
0x9d: {  	[tilespmem:$0x56C0] =	vst v3  }
0x9e: {  	v3 =	vld [tilespmem:s12+$0x30]  }
0x9f: {  	v4 =	vld [tilespmem:s12+$0x430];
	_ =	sdelay $0x1  }
0xa0: {  	s14 =	sor.u32 $0x30, s13  }
0xa1: {  	p6 =	slt.u32 s14, $0x4E20  }
0xa2: {  	v3 =	vpsel !p6, $0x0, v3  }
0xa3: {  	v4 =	vpsel !p6, $0x0, v4;
	_ =	sdelay $0x3  }
0xa4: {  	v5 =	vld.idx.msk [tilespmem:v3+s25+$0x0], $0xffff  }
0xa5: {  	v6 =	vld.idx.msk [tilespmem:v4+s28+$0x0], $0xffff;
	_ =	sdelay $0x4  }
0xa6: {  	v5 =	vadd.f32 v6, v5;
	_ =	sdelay $0x1  }
0xa7: {  	v6 =	vmul.f32 $2.000000030e-01, v5  }
0xa8: {  	vm1 =	vlt.f32 v5, $0.0e+00  }
0xa9: {  	v5 =	vsel vm1, v6, v5  }
0xaa: {  	v5 =	vmul.f32 $1.442695020e+00, v5;
	_ =	sdelay $0x1  }
0xab: {  	(erf) = vpow2.f32 v5;
	_ =	sdelay $0x8  }
0xac: {  	v3 =	vadd.s32 v0, v3;
	[tilespmem:$0x5690] =	vst v4;
	v5 =	vpop (erf)  }
0xad: {  	s16 =	simm.s32 $0x0;
	[tilespmem:$0x5650] =	vst v3;
	v3 =	vpsel !p6, $0x0, v5  }
0xae: {  	[tilespmem:$0x56D0] =	vst v3;
	v3 =	vmov s16  }
0xaf: {  	[tilespmem:s5], [sflag:$0x1] =	stream.indirect.gather [hbm4b:s1+s31], $0x80, s0, s31, $0xb8;
	[tilespmem:$0x1FA70] =	vst v63  }
0xb0: {  	_ =	swait.ge [sflag:s4], $0x2000  }
0xb1: {  	[sflag:s4] =	ssyncset.done $0x0  }
0xb2: {  	[sflag:s4] =	ssyncadd.s32 $0xFFFFE000  }
0xb3: {  	s12 =	simm.s32 $0x5720;
	v3 =	vld.idx.msk [tilespmem:v3+s8+$0x0], $0xffff  }
0xb4: {  	v4 =	vld [tilespmem:s12+$0xFFFFFFC0];
	_ =	sdelay $0x4  }
0xb5: {  	v4 =	vmul.f32 v4, v3  }
0xb6: {  	s13 =	simm.s32 $0x7720  }
0xb7: {  	[tilespmem:s13+$0xFFFFFFC0] =	vst v4  }
0xb8: {  	v4 =	vld [tilespmem:s12+$0xFFFFFFD0];
	_ =	sdelay $0x4  }
0xb9: {  	v4 =	vmul.f32 v4, v3;
	_ =	sdelay $0x1  }
0xba: {  	[tilespmem:s13+$0xFFFFFFD0] =	vst v4  }
0xbb: {  	v4 =	vld [tilespmem:s12+$0xFFFFFFE0];
	_ =	sdelay $0x4  }
0xbc: {  	v4 =	vmul.f32 v4, v3;
	_ =	sdelay $0x1  }
0xbd: {  	[tilespmem:s13+$0xFFFFFFE0] =	vst v4  }
0xbe: {  	v4 =	vld [tilespmem:s12+$0xFFFFFFF0];
	_ =	sdelay $0x4  }
0xbf: {  	v4 =	vmul.f32 v4, v3;
	_ =	sdelay $0x1  }
0xc0: {  	[tilespmem:s13+$0xFFFFFFF0] =	vst v4  }
0xc1: {  	v4 =	vld [tilespmem:s12+$0x0];
	_ =	sdelay $0x4  }
0xc2: {  	v4 =	vmul.f32 v4, v3;
	_ =	sdelay $0x1  }
0xc3: {  	[tilespmem:s13+$0x0] =	vst v4  }
0xc4: {  	v4 =	vld [tilespmem:s12+$0x10];
	_ =	sdelay $0x4  }
0xc5: {  	v4 =	vmul.f32 v4, v3;
	_ =	sdelay $0x1  }
0xc6: {  	[tilespmem:s13+$0x10] =	vst v4  }
0xc7: {  	v4 =	vld [tilespmem:s12+$0x20];
	_ =	sdelay $0x4  }
0xc8: {  	v4 =	vmul.f32 v4, v3;
	_ =	sdelay $0x1  }
0xc9: {  	[tilespmem:s13+$0x20] =	vst v4  }
0xca: {  	v4 =	vld [tilespmem:s12+$0x30];
	_ =	sdelay $0x1  }
0xcb: {  	s19 =	simm.s32 $0x1;
	v5 =	vnsel vm0, $0x0, v3  }
0xcc: {  	s14 =	simm.s32 $0x2;
	[tilespmem:s13+$0x40] =	vst v5;
	v5 =	vmov s19  }
.LBB2_6:
0xcd: {  	p0 =	sne.s32 s14, $0x3F  }
0xce: {  	v3 =	vmul.f32 v4, v3;
	_ =	sdelay $0x1  }
0xcf: {  	[tilespmem:s13+$0x30] =	vst v3  }
0xd0: {  	s12 =	sadd.s32 $0x80, s12;
	v3 =	vld.idx.msk [tilespmem:v5+s8+$0x0], $0xffff  }
0xd1: {  	v4 =	vld [tilespmem:s12+$0xFFFFFFC0];
	_ =	sdelay $0x4  }
0xd2: {  	v5 =	vnsel vm0, $0x0, v3;
	v4 =	vmul.f32 v4, v3  }
0xd3: {  	s13 =	sadd.s32 $0x90, s13  }
0xd4: {  	[tilespmem:s13+$0xFFFFFFC0] =	vst v4  }
0xd5: {  	v4 =	vld [tilespmem:s12+$0xFFFFFFD0];
	_ =	sdelay $0x4  }
0xd6: {  	v4 =	vmul.f32 v4, v3;
	_ =	sdelay $0x1  }
0xd7: {  	[tilespmem:s13+$0xFFFFFFD0] =	vst v4  }
0xd8: {  	v4 =	vld [tilespmem:s12+$0xFFFFFFE0];
	_ =	sdelay $0x4  }
0xd9: {  	v4 =	vmul.f32 v4, v3;
	_ =	sdelay $0x1  }
0xda: {  	[tilespmem:s13+$0xFFFFFFE0] =	vst v4  }
0xdb: {  	v4 =	vld [tilespmem:s12+$0xFFFFFFF0];
	_ =	sdelay $0x4  }
0xdc: {  	v4 =	vmul.f32 v4, v3;
	_ =	sdelay $0x1  }
0xdd: {  	[tilespmem:s13+$0xFFFFFFF0] =	vst v4  }
0xde: {  	v4 =	vld [tilespmem:s12+$0x0];
	_ =	sdelay $0x4  }
0xdf: {  	v4 =	vmul.f32 v4, v3;
	_ =	sdelay $0x1  }
0xe0: {  	[tilespmem:s13+$0x0] =	vst v4  }
0xe1: {  	v4 =	vld [tilespmem:s12+$0x10];
	_ =	sdelay $0x4  }
0xe2: {  	v4 =	vmul.f32 v4, v3;
	_ =	sdelay $0x1  }
0xe3: {  	[tilespmem:s13+$0x10] =	vst v4  }
0xe4: {  	v4 =	vld [tilespmem:s12+$0x20];
	_ =	sdelay $0x4  }
0xe5: {  	v4 =	vmul.f32 v4, v3;
	_ =	sdelay $0x1  }
.Ltmp1:
0xe6: {  	[tilespmem:s13+$0x20] =	vst v4;
	(pc) =	sbr.rel @p0 .LBB2_6-.Ltmp1, $2  }
0xe7: {  	v4 =	vld [tilespmem:s12+$0x30];
	[tilespmem:s13+$0x40] =	vst v5;
	_ =	sdelay $0x2  }
0xe8: {  	v5 =	vmov s14;
	s14 =	sadd.s32 $0x1, s14  }
0xe9: {  	_ = 	snop  }
0xea: {  	v3 =	vmul.f32 v4, v3;
	_ =	sdelay $0x1  }
0xeb: {  	[tilespmem:s13+$0x30] =	vst v3  }
0xec: {  	s12 =	sadd.s32 $0x80, s12;
	v3 =	vld.idx.msk [tilespmem:v5+s8+$0x0], $0xffff  }
0xed: {  	v63 =	vld [tilespmem:s12+$0xFFFFFFC0];
	_ =	sdelay $0x4  }
0xee: {  	v4 =	vmul.f32 v63, v3  }
0xef: {  	s19 =	sadd.s32 $0x90, s13  }
0xf0: {  	[tilespmem:s19+$0xFFFFFFC0] =	vst v4  }
0xf1: {  	v4 =	vld [tilespmem:s12+$0xFFFFFFD0];
	_ =	sdelay $0x4  }
0xf2: {  	v4 =	vmul.f32 v4, v3;
	_ =	sdelay $0x1  }
0xf3: {  	[tilespmem:s19+$0xFFFFFFD0] =	vst v4  }
0xf4: {  	v4 =	vld [tilespmem:s12+$0xFFFFFFE0];
	_ =	sdelay $0x4  }
0xf5: {  	v4 =	vmul.f32 v4, v3;
	_ =	sdelay $0x1  }
0xf6: {  	[tilespmem:s19+$0xFFFFFFE0] =	vst v4  }
0xf7: {  	v4 =	vld [tilespmem:s12+$0xFFFFFFF0];
	_ =	sdelay $0x4  }
0xf8: {  	v4 =	vmul.f32 v4, v3;
	_ =	sdelay $0x1  }
0xf9: {  	[tilespmem:s19+$0xFFFFFFF0] =	vst v4  }
0xfa: {  	v4 =	vld [tilespmem:s12+$0x0];
	_ =	sdelay $0x4  }
0xfb: {  	v4 =	vmul.f32 v4, v3;
	_ =	sdelay $0x1  }
0xfc: {  	[tilespmem:s19+$0x0] =	vst v4  }
0xfd: {  	v4 =	vld [tilespmem:s12+$0x10];
	_ =	sdelay $0x4  }
0xfe: {  	v4 =	vmul.f32 v4, v3;
	_ =	sdelay $0x1  }
0xff: {  	[tilespmem:s19+$0x10] =	vst v4  }
0x100: {  	v4 =	vld [tilespmem:s12+$0x20];
	_ =	sdelay $0x4  }
0x101: {  	v4 =	vmul.f32 v4, v3;
	_ =	sdelay $0x1  }
0x102: {  	[tilespmem:s19+$0x20] =	vst v4  }
0x103: {  	v4 =	vld [tilespmem:s12+$0x30];
	_ =	sdelay $0x4  }
0x104: {  	s11 =	sadd.s32 $0x1, s11;
	v5 =	vnsel vm0, $0x0, v3;
	v3 =	vmul.f32 v4, v3  }
0x105: {  	p0 =	sne.s32 s11, $0x10;
	[tilespmem:s19+$0x40] =	vst v5  }
.Ltmp2:
0x106: {  	[tilespmem:s19+$0x30] =	vst v3;
	(pc) =	sbr.rel @p0 .LBB2_5-.Ltmp2, $4  }
0x107: {  	[spmem:s3] =	stream.indirect.scatter.add.f32 [tilespmem:s29], [sflag:$0x2], $0x90, s10, s31, $0xb8;
	[tilespmem:$0x1FA70] =	vst v63  }
0x108: {  	_ =	swait.ge [sflag:s26], $0x2400  }
0x109: {  	[sflag:s26] =	ssyncset.done $0x0  }
0x10a: {  	[sflag:s26] =	ssyncadd.s32 $0xFFFFDC00  }
0x10b: {  	s20 =	sadd.s32 $0x1, s20  }
0x10c: {  	p0 =	sne.s32 s20, $0x14  }
.Ltmp3:
0x10d: {  	_ = 	snop;
	(pc) =	sbr.rel @p0 .LBB2_4-.Ltmp3, $1  }
0x10e: {  	_ =	sdelay $0x3  }
0x10f: {  	s11 =	stileid.u32  }
0x110: {  	[bflag:$0x0] =	sbarrier.arrive $0xFFFF;
	s11 =	sshll.u32 s11, $0x6  }
0x111: {  	s20 =	sshrl.u32 s9, $0x3;
	s16 =	rddreg [dreg:$0xd];
	s18 =	sor.u32 $0x1C02, s11  }
0x112: {  	[hbm:s16], [sflag:s18] =	dma.local [spmem:s20], $0x2BF2  }
0x113: {  	_ =	swait.ge [sflag:s26], $0x2BF2  }
0x114: {  	[sflag:s26] =	ssyncset.done $0x0  }
0x115: {  	[sflag:s26] =	ssyncadd.s32 $0xFFFFD40E  }
0x116: {  	[bflag:$0x0] =	sbarrier.arrive $0xFFFF  }
0x117: {  	s19 =	simm.s32 $0x0;
	s12 =	rddreg [dreg:$0xa]  }
0x118: {  	[tilespmem:s25], [sflag:$0x2] =	stream.linear.gather [hbm4b:s12+s19], $0x2710, $0x38;
	[tilespmem:$0x1FA70] =	vst v63  }
0x119: {  	_ =	swait.ge [sflag:s26], $0x2710  }
0x11a: {  	[sflag:s26] =	ssyncset.done $0x0  }
0x11b: {  	s21 =	rddreg [dreg:$0xb];
	[sflag:s26] =	ssyncadd.s32 $0xFFFFD8F0  }
0x11c: {  	[tilespmem:s28], [sflag:$0x2] =	stream.linear.gather [hbm4b:s21+s19], $0x2710, $0x38;
	[tilespmem:$0x1FA70] =	vst v63  }
0x11d: {  	_ =	swait.ge [sflag:s26], $0x2710  }
0x11e: {  	[sflag:s26] =	ssyncset.done $0x0  }
0x11f: {  	s11 =	simm.s32 $0x0;
	s12 =	simm.s32 $0x240;
	[sflag:s26] =	ssyncadd.s32 $0xFFFFD8F0  }
.LBB2_10:
0x120: {  	p0 =	sne.s32 s12, $0x8DC0;
	[tilespmem:s11+$0x7760] =	vst v2  }
0x121: {  	[tilespmem:s11+$0x76E0] =	vst v2  }
0x122: {  	[tilespmem:s11+$0x76F0] =	vst v2  }
0x123: {  	[tilespmem:s11+$0x7700] =	vst v2  }
.Ltmp4:
0x124: {  	[tilespmem:s11+$0x7710] =	vst v2;
	(pc) =	sbr.rel @p0 .LBB2_10-.Ltmp4, $4  }
0x125: {  	[tilespmem:s11+$0x7720] =	vst v2  }
0x126: {  	[tilespmem:s11+$0x7730] =	vst v2  }
0x127: {  	[tilespmem:s11+$0x7740] =	vst v2  }
0x128: {  	[tilespmem:s11+$0x7750] =	vst v2;
	s11 =	sshra.s32 s12, $0x2;
	s12 =	sadd.s32 $0x240, s12  }
0x129: {  	[tilespmem:s11+$0x7760] =	vst v2  }
0x12a: {  	[tilespmem:s11+$0x76E0] =	vst v2  }
0x12b: {  	[tilespmem:s11+$0x76F0] =	vst v2  }
0x12c: {  	[tilespmem:s11+$0x7700] =	vst v2  }
0x12d: {  	[tilespmem:s11+$0x7710] =	vst v2  }
0x12e: {  	[tilespmem:s11+$0x7720] =	vst v2  }
0x12f: {  	[tilespmem:s11+$0x7730] =	vst v2  }
0x130: {  	[tilespmem:s11+$0x7740] =	vst v2  }
0x131: {  	[tilespmem:s11+$0x7750] =	vst v2  }
0x132: {  	[spmem:s9] =	stream.linear.scatter [tilespmem:s29], [sflag:$0x2], $0x2400, $0x38;
	[tilespmem:$0x1FA70] =	vst v63  }
0x133: {  	_ =	swait.ge [sflag:s26], $0x2400  }
0x134: {  	[sflag:s26] =	ssyncset.done $0x0  }
0x135: {  	[sflag:s26] =	ssyncadd.s32 $0xFFFFDC00  }
0x136: {  	[spmem:s15] =	stream.linear.scatter [tilespmem:s29], [sflag:$0x2], $0x2400, $0x38;
	[tilespmem:$0x1FA70] =	vst v63  }
0x137: {  	_ =	swait.ge [sflag:s26], $0x2400  }
0x138: {  	[sflag:s26] =	ssyncset.done $0x0  }
0x139: {  	[sflag:s26] =	ssyncadd.s32 $0xFFFFDC00  }
0x13a: {  	[spmem:s23] =	stream.linear.scatter [tilespmem:s29], [sflag:$0x2], $0x2400, $0x38;
	[tilespmem:$0x1FA70] =	vst v63  }
0x13b: {  	_ =	swait.ge [sflag:s26], $0x2400  }
0x13c: {  	[sflag:s26] =	ssyncset.done $0x0  }
0x13d: {  	s13 =	rddreg [dreg:$0x6];
	[sflag:s26] =	ssyncadd.s32 $0xFFFFDC00  }
0x13e: {  	[spmem:s13] =	stream.linear.scatter [tilespmem:s29], [sflag:$0x2], $0x2400, $0x38;
	[tilespmem:$0x1FA70] =	vst v63  }
0x13f: {  	_ =	swait.ge [sflag:s26], $0x2400  }
0x140: {  	[sflag:s26] =	ssyncset.done $0x0  }
0x141: {  	s14 =	rddreg [dreg:$0x7];
	[sflag:s26] =	ssyncadd.s32 $0xFFFFDC00  }
0x142: {  	[spmem:s14] =	stream.linear.scatter [tilespmem:s29], [sflag:$0x2], $0x2400, $0x38;
	[tilespmem:$0x1FA70] =	vst v63  }
0x143: {  	_ =	swait.ge [sflag:s26], $0x2400  }
0x144: {  	[sflag:s26] =	ssyncset.done $0x0  }
0x145: {  	s16 =	smov.u32 s15;
	s15 =	rddreg [dreg:$0x8];
	[sflag:s26] =	ssyncadd.s32 $0xFFFFDC00  }
0x146: {  	[spmem:s15] =	stream.linear.scatter [tilespmem:s29], [sflag:$0x2], $0x2400, $0x38;
	[tilespmem:$0x1FA70] =	vst v63  }
0x147: {  	_ =	swait.ge [sflag:s26], $0x2400  }
0x148: {  	[sflag:s26] =	ssyncset.done $0x0  }
0x149: {  	s21 =	rddreg [dreg:$0x9];
	[sflag:s26] =	ssyncadd.s32 $0xFFFFDC00  }
0x14a: {  	[spmem:s21] =	stream.linear.scatter [tilespmem:s29], [sflag:$0x2], $0x2400, $0x38;
	[tilespmem:$0x1FA70] =	vst v63  }
0x14b: {  	_ =	swait.ge [sflag:s26], $0x2400  }
0x14c: {  	[sflag:s26] =	ssyncset.done $0x0  }
0x14d: {  	s19 =	smov.u32 s23;
	s23 =	rddreg [dreg:$0xc];
	[sflag:s26] =	ssyncadd.s32 $0xFFFFDC00  }
0x14e: {  	[spmem:s23] =	stream.linear.scatter [tilespmem:s29], [sflag:$0x2], $0x2400, $0x38;
	[tilespmem:$0x1FA70] =	vst v63  }
0x14f: {  	_ =	swait.ge [sflag:s26], $0x2400  }
0x150: {  	[sflag:s26] =	ssyncset.done $0x0  }
0x151: {  	[sflag:s26] =	ssyncadd.s32 $0xFFFFDC00  }
0x152: {  	[spmem:s22] =	stream.linear.scatter [tilespmem:s29], [sflag:$0x2], $0x2400, $0x38;
	[tilespmem:$0x1FA70] =	vst v63  }
0x153: {  	_ =	swait.ge [sflag:s26], $0x2400  }
0x154: {  	[sflag:s26] =	ssyncset.done $0x0  }
0x155: {  	[sflag:s26] =	ssyncadd.s32 $0xFFFFDC00  }
0x156: {  	[spmem:s24] =	stream.linear.scatter [tilespmem:s29], [sflag:$0x2], $0x1B90, $0x38;
	[tilespmem:$0x1FA70] =	vst v63  }
0x157: {  	_ =	swait.ge [sflag:s26], $0x1B90  }
0x158: {  	[sflag:s26] =	ssyncset.done $0x0  }
0x159: {  	[sflag:s26] =	ssyncadd.s32 $0xFFFFE470  }
0x15a: {  	s21 =	simm.s32 $0x0;
	s23 =	simm.s32 $0x0;
	[bflag:$0x0] =	sbarrier.arrive $0xFFFF  }
.LBB2_12:
0x15b: {  	s11 =	sshll.u32 s23, $0xA  }
0x15c: {  	s12 =	sadd.s32 s7, s11  }
0x15d: {  	s12 =	sshrl.u32 s12, $0x3  }
0x15e: {  	s13 =	sadd.s32 s2, s12  }
0x15f: {  	[tilespmem:s21], [sflag:$0x2] =	stream.linear.gather [hbm4b:s13+s21], $0x400, $0x38;
	[tilespmem:$0x1FA70] =	vst v63  }
0x160: {  	_ =	swait.ge [sflag:s26], $0x400  }
0x161: {  	[sflag:s26] =	ssyncset.done $0x0  }
0x162: {  	s12 =	sadd.s32 s6, s12;
	[sflag:s26] =	ssyncadd.s32 $0xFFFFFC00  }
0x163: {  	[tilespmem:s30], [sflag:$0x2] =	stream.linear.gather [hbm4b:s12+s21], $0x400, $0x38;
	[tilespmem:$0x1FA70] =	vst v63  }
0x164: {  	_ =	swait.ge [sflag:s26], $0x400  }
0x165: {  	[sflag:s26] =	ssyncset.done $0x0  }
0x166: {  	s12 =	simm.s32 $0x0;
	[sflag:s26] =	ssyncadd.s32 $0xFFFFFC00  }
.LBB2_13:
0x167: {  	s13 =	sshll.u32 s12, $0x6  }
0x168: {  	v3 =	vld [tilespmem:s13+$0x0]  }
0x169: {  	v4 =	vld [tilespmem:s13+$0x400];
	_ =	sdelay $0x1  }
0x16a: {  	s14 =	sor.u32 s11, s13  }
0x16b: {  	p0 =	slt.u32 s14, $0x4E20  }
0x16c: {  	v3 =	vpsel !p0, $0x0, v3  }
0x16d: {  	v4 =	vpsel !p0, $0x0, v4;
	_ =	sdelay $0x3  }
0x16e: {  	v5 =	vld.idx.msk [tilespmem:v3+s25+$0x0], $0xffff  }
0x16f: {  	v6 =	vld.idx.msk [tilespmem:v4+s28+$0x0], $0xffff;
	_ =	sdelay $0x4  }
0x170: {  	v5 =	vadd.f32 v6, v5;
	_ =	sdelay $0x1  }
0x171: {  	v6 =	vmul.f32 $2.000000030e-01, v5  }
0x172: {  	vm1 =	vlt.f32 v5, $0.0e+00  }
0x173: {  	v5 =	vsel vm1, v6, v5  }
0x174: {  	v5 =	vmul.f32 $1.442695020e+00, v5;
	_ =	sdelay $0x1  }
0x175: {  	(erf) = vpow2.f32 v5;
	_ =	sdelay $0x8  }
0x176: {  	v3 =	vadd.s32 v1, v3;
	[tilespmem:$0x5660] =	vst v4;
	v5 =	vpop (erf)  }
0x177: {  	[tilespmem:$0x5620] =	vst v3;
	v3 =	vpsel !p0, $0x0, v5  }
0x178: {  	[tilespmem:$0x56A0] =	vst v3  }
0x179: {  	v3 =	vld [tilespmem:s13+$0x10]  }
0x17a: {  	v4 =	vld [tilespmem:s13+$0x410];
	_ =	sdelay $0x1  }
0x17b: {  	s15 =	sor.u32 $0x10, s14  }
0x17c: {  	p4 =	slt.u32 s15, $0x4E20  }
0x17d: {  	v3 =	vpsel !p4, $0x0, v3  }
0x17e: {  	v4 =	vpsel !p4, $0x0, v4;
	_ =	sdelay $0x3  }
0x17f: {  	v5 =	vld.idx.msk [tilespmem:v3+s25+$0x0], $0xffff  }
0x180: {  	v6 =	vld.idx.msk [tilespmem:v4+s28+$0x0], $0xffff;
	_ =	sdelay $0x4  }
0x181: {  	v5 =	vadd.f32 v6, v5;
	_ =	sdelay $0x1  }
0x182: {  	v6 =	vmul.f32 $2.000000030e-01, v5  }
0x183: {  	vm1 =	vlt.f32 v5, $0.0e+00  }
0x184: {  	v5 =	vsel vm1, v6, v5  }
0x185: {  	v5 =	vmul.f32 $1.442695020e+00, v5;
	_ =	sdelay $0x1  }
0x186: {  	(erf) = vpow2.f32 v5;
	_ =	sdelay $0x8  }
0x187: {  	v3 =	vadd.s32 v1, v3;
	[tilespmem:$0x5670] =	vst v4;
	v5 =	vpop (erf)  }
0x188: {  	[tilespmem:$0x5630] =	vst v3;
	v3 =	vpsel !p4, $0x0, v5  }
0x189: {  	[tilespmem:$0x56B0] =	vst v3  }
0x18a: {  	v3 =	vld [tilespmem:s13+$0x20]  }
0x18b: {  	v4 =	vld [tilespmem:s13+$0x420];
	_ =	sdelay $0x1  }
0x18c: {  	s15 =	sor.u32 $0x20, s14  }
0x18d: {  	p5 =	slt.u32 s15, $0x4E20  }
0x18e: {  	v3 =	vpsel !p5, $0x0, v3  }
0x18f: {  	v4 =	vpsel !p5, $0x0, v4;
	_ =	sdelay $0x3  }
0x190: {  	v5 =	vld.idx.msk [tilespmem:v3+s25+$0x0], $0xffff  }
0x191: {  	v6 =	vld.idx.msk [tilespmem:v4+s28+$0x0], $0xffff;
	_ =	sdelay $0x4  }
0x192: {  	v5 =	vadd.f32 v6, v5;
	_ =	sdelay $0x1  }
0x193: {  	v6 =	vmul.f32 $2.000000030e-01, v5  }
0x194: {  	vm1 =	vlt.f32 v5, $0.0e+00  }
0x195: {  	v5 =	vsel vm1, v6, v5  }
0x196: {  	v5 =	vmul.f32 $1.442695020e+00, v5;
	_ =	sdelay $0x1  }
0x197: {  	(erf) = vpow2.f32 v5;
	_ =	sdelay $0x8  }
0x198: {  	v3 =	vadd.s32 v1, v3;
	[tilespmem:$0x5680] =	vst v4;
	v5 =	vpop (erf)  }
0x199: {  	[tilespmem:$0x5640] =	vst v3;
	v3 =	vpsel !p5, $0x0, v5  }
0x19a: {  	[tilespmem:$0x56C0] =	vst v3  }
0x19b: {  	v3 =	vld [tilespmem:s13+$0x30]  }
0x19c: {  	v4 =	vld [tilespmem:s13+$0x430];
	_ =	sdelay $0x1  }
0x19d: {  	s14 =	sor.u32 $0x30, s14  }
0x19e: {  	p6 =	slt.u32 s14, $0x4E20  }
0x19f: {  	v3 =	vpsel !p6, $0x0, v3  }
0x1a0: {  	v4 =	vpsel !p6, $0x0, v4;
	_ =	sdelay $0x3  }
0x1a1: {  	v5 =	vld.idx.msk [tilespmem:v3+s25+$0x0], $0xffff  }
0x1a2: {  	v6 =	vld.idx.msk [tilespmem:v4+s28+$0x0], $0xffff;
	_ =	sdelay $0x4  }
0x1a3: {  	v5 =	vadd.f32 v6, v5;
	_ =	sdelay $0x1  }
0x1a4: {  	v6 =	vmul.f32 $2.000000030e-01, v5  }
0x1a5: {  	vm1 =	vlt.f32 v5, $0.0e+00  }
0x1a6: {  	v5 =	vsel vm1, v6, v5  }
0x1a7: {  	v5 =	vmul.f32 $1.442695020e+00, v5;
	_ =	sdelay $0x1  }
0x1a8: {  	(erf) = vpow2.f32 v5;
	_ =	sdelay $0x8  }
0x1a9: {  	v3 =	vadd.s32 v1, v3;
	[tilespmem:$0x5690] =	vst v4;
	v5 =	vpop (erf)  }
0x1aa: {  	s15 =	simm.s32 $0x0;
	[tilespmem:$0x5650] =	vst v3;
	v3 =	vpsel !p6, $0x0, v5  }
0x1ab: {  	[tilespmem:$0x56D0] =	vst v3;
	v3 =	vmov s15  }
0x1ac: {  	[tilespmem:s5], [sflag:$0x1] =	stream.indirect.gather [hbm4b:s1+s31], $0x80, s0, s31, $0xb8;
	[tilespmem:$0x1FA70] =	vst v63  }
0x1ad: {  	_ =	swait.ge [sflag:s4], $0x2000  }
0x1ae: {  	[sflag:s4] =	ssyncset.done $0x0  }
0x1af: {  	[sflag:s4] =	ssyncadd.s32 $0xFFFFE000  }
0x1b0: {  	s13 =	simm.s32 $0x5720;
	v3 =	vld.idx.msk [tilespmem:v3+s8+$0x0], $0xffff  }
0x1b1: {  	v4 =	vld [tilespmem:s13+$0xFFFFFFC0];
	_ =	sdelay $0x4  }
0x1b2: {  	v4 =	vmul.f32 v4, v3  }
0x1b3: {  	s14 =	simm.s32 $0x7720  }
0x1b4: {  	[tilespmem:s14+$0xFFFFFFC0] =	vst v4  }
0x1b5: {  	v4 =	vld [tilespmem:s13+$0xFFFFFFD0];
	_ =	sdelay $0x4  }
0x1b6: {  	v4 =	vmul.f32 v4, v3;
	_ =	sdelay $0x1  }
0x1b7: {  	[tilespmem:s14+$0xFFFFFFD0] =	vst v4  }
0x1b8: {  	v4 =	vld [tilespmem:s13+$0xFFFFFFE0];
	_ =	sdelay $0x4  }
0x1b9: {  	v4 =	vmul.f32 v4, v3;
	_ =	sdelay $0x1  }
0x1ba: {  	[tilespmem:s14+$0xFFFFFFE0] =	vst v4  }
0x1bb: {  	v4 =	vld [tilespmem:s13+$0xFFFFFFF0];
	_ =	sdelay $0x4  }
0x1bc: {  	v4 =	vmul.f32 v4, v3;
	_ =	sdelay $0x1  }
0x1bd: {  	[tilespmem:s14+$0xFFFFFFF0] =	vst v4  }
0x1be: {  	v4 =	vld [tilespmem:s13+$0x0];
	_ =	sdelay $0x4  }
0x1bf: {  	v4 =	vmul.f32 v4, v3;
	_ =	sdelay $0x1  }
0x1c0: {  	[tilespmem:s14+$0x0] =	vst v4  }
0x1c1: {  	v4 =	vld [tilespmem:s13+$0x10];
	_ =	sdelay $0x4  }
0x1c2: {  	v4 =	vmul.f32 v4, v3;
	_ =	sdelay $0x1  }
0x1c3: {  	[tilespmem:s14+$0x10] =	vst v4  }
0x1c4: {  	v4 =	vld [tilespmem:s13+$0x20];
	_ =	sdelay $0x4  }
0x1c5: {  	v4 =	vmul.f32 v4, v3;
	_ =	sdelay $0x1  }
0x1c6: {  	[tilespmem:s14+$0x20] =	vst v4  }
0x1c7: {  	v4 =	vld [tilespmem:s13+$0x30];
	_ =	sdelay $0x1  }
0x1c8: {  	s15 =	simm.s32 $0x1;
	v5 =	vnsel vm0, $0x0, v3  }
0x1c9: {  	[tilespmem:s14+$0x40] =	vst v5;
	v5 =	vmov s15;
	s15 =	simm.s32 $0x2  }
.LBB2_14:
0x1ca: {  	p0 =	sne.s32 s15, $0x3F  }
0x1cb: {  	v3 =	vmul.f32 v4, v3;
	_ =	sdelay $0x1  }
0x1cc: {  	[tilespmem:s14+$0x30] =	vst v3  }
0x1cd: {  	s13 =	sadd.s32 $0x80, s13;
	v3 =	vld.idx.msk [tilespmem:v5+s8+$0x0], $0xffff  }
0x1ce: {  	v4 =	vld [tilespmem:s13+$0xFFFFFFC0];
	_ =	sdelay $0x4  }
0x1cf: {  	v5 =	vnsel vm0, $0x0, v3;
	v4 =	vmul.f32 v4, v3  }
0x1d0: {  	s14 =	sadd.s32 $0x90, s14  }
0x1d1: {  	[tilespmem:s14+$0xFFFFFFC0] =	vst v4  }
0x1d2: {  	v4 =	vld [tilespmem:s13+$0xFFFFFFD0];
	_ =	sdelay $0x4  }
0x1d3: {  	v4 =	vmul.f32 v4, v3;
	_ =	sdelay $0x1  }
0x1d4: {  	[tilespmem:s14+$0xFFFFFFD0] =	vst v4  }
0x1d5: {  	v4 =	vld [tilespmem:s13+$0xFFFFFFE0];
	_ =	sdelay $0x4  }
0x1d6: {  	v4 =	vmul.f32 v4, v3;
	_ =	sdelay $0x1  }
0x1d7: {  	[tilespmem:s14+$0xFFFFFFE0] =	vst v4  }
0x1d8: {  	v4 =	vld [tilespmem:s13+$0xFFFFFFF0];
	_ =	sdelay $0x4  }
0x1d9: {  	v4 =	vmul.f32 v4, v3;
	_ =	sdelay $0x1  }
0x1da: {  	[tilespmem:s14+$0xFFFFFFF0] =	vst v4  }
0x1db: {  	v4 =	vld [tilespmem:s13+$0x0];
	_ =	sdelay $0x4  }
0x1dc: {  	v4 =	vmul.f32 v4, v3;
	_ =	sdelay $0x1  }
0x1dd: {  	[tilespmem:s14+$0x0] =	vst v4  }
0x1de: {  	v4 =	vld [tilespmem:s13+$0x10];
	_ =	sdelay $0x4  }
0x1df: {  	v4 =	vmul.f32 v4, v3;
	_ =	sdelay $0x1  }
0x1e0: {  	[tilespmem:s14+$0x10] =	vst v4  }
0x1e1: {  	v4 =	vld [tilespmem:s13+$0x20];
	_ =	sdelay $0x4  }
0x1e2: {  	v4 =	vmul.f32 v4, v3;
	_ =	sdelay $0x1  }
.Ltmp5:
0x1e3: {  	[tilespmem:s14+$0x20] =	vst v4;
	(pc) =	sbr.rel @p0 .LBB2_14-.Ltmp5, $2  }
0x1e4: {  	v4 =	vld [tilespmem:s13+$0x30];
	[tilespmem:s14+$0x40] =	vst v5;
	_ =	sdelay $0x2  }
0x1e5: {  	v5 =	vmov s15;
	s15 =	sadd.s32 $0x1, s15  }
0x1e6: {  	_ = 	snop  }
0x1e7: {  	v3 =	vmul.f32 v4, v3;
	_ =	sdelay $0x1  }
0x1e8: {  	[tilespmem:s14+$0x30] =	vst v3  }
0x1e9: {  	s13 =	sadd.s32 $0x80, s13;
	v3 =	vld.idx.msk [tilespmem:v5+s8+$0x0], $0xffff  }
0x1ea: {  	v63 =	vld [tilespmem:s13+$0xFFFFFFC0];
	_ =	sdelay $0x4  }
0x1eb: {  	v4 =	vmul.f32 v63, v3  }
0x1ec: {  	s15 =	sadd.s32 $0x90, s14  }
0x1ed: {  	[tilespmem:s15+$0xFFFFFFC0] =	vst v4  }
0x1ee: {  	v4 =	vld [tilespmem:s13+$0xFFFFFFD0];
	_ =	sdelay $0x4  }
0x1ef: {  	v4 =	vmul.f32 v4, v3;
	_ =	sdelay $0x1  }
0x1f0: {  	[tilespmem:s15+$0xFFFFFFD0] =	vst v4  }
0x1f1: {  	v4 =	vld [tilespmem:s13+$0xFFFFFFE0];
	_ =	sdelay $0x4  }
0x1f2: {  	v4 =	vmul.f32 v4, v3;
	_ =	sdelay $0x1  }
0x1f3: {  	[tilespmem:s15+$0xFFFFFFE0] =	vst v4  }
0x1f4: {  	v4 =	vld [tilespmem:s13+$0xFFFFFFF0];
	_ =	sdelay $0x4  }
0x1f5: {  	v4 =	vmul.f32 v4, v3;
	_ =	sdelay $0x1  }
0x1f6: {  	[tilespmem:s15+$0xFFFFFFF0] =	vst v4  }
0x1f7: {  	v4 =	vld [tilespmem:s13+$0x0];
	_ =	sdelay $0x4  }
0x1f8: {  	v4 =	vmul.f32 v4, v3;
	_ =	sdelay $0x1  }
0x1f9: {  	[tilespmem:s15+$0x0] =	vst v4  }
0x1fa: {  	v4 =	vld [tilespmem:s13+$0x10];
	_ =	sdelay $0x4  }
0x1fb: {  	v4 =	vmul.f32 v4, v3;
	_ =	sdelay $0x1  }
0x1fc: {  	[tilespmem:s15+$0x10] =	vst v4  }
0x1fd: {  	v4 =	vld [tilespmem:s13+$0x20];
	_ =	sdelay $0x4  }
0x1fe: {  	v4 =	vmul.f32 v4, v3;
	_ =	sdelay $0x1  }
0x1ff: {  	[tilespmem:s15+$0x20] =	vst v4  }
0x200: {  	v4 =	vld [tilespmem:s13+$0x30];
	_ =	sdelay $0x4  }
0x201: {  	s12 =	sadd.s32 $0x1, s12;
	v5 =	vnsel vm0, $0x0, v3;
	v3 =	vmul.f32 v4, v3  }
0x202: {  	p0 =	sne.s32 s12, $0x10;
	[tilespmem:s15+$0x40] =	vst v5  }
.Ltmp6:
0x203: {  	[tilespmem:s15+$0x30] =	vst v3;
	(pc) =	sbr.rel @p0 .LBB2_13-.Ltmp6, $4  }
0x204: {  	[spmem:s3] =	stream.indirect.scatter.add.f32 [tilespmem:s29], [sflag:$0x2], $0x90, s10, s31, $0xb8;
	[tilespmem:$0x1FA70] =	vst v63  }
0x205: {  	_ =	swait.ge [sflag:s26], $0x2400  }
0x206: {  	[sflag:s26] =	ssyncset.done $0x0  }
0x207: {  	[sflag:s26] =	ssyncadd.s32 $0xFFFFDC00  }
0x208: {  	s23 =	sadd.s32 $0x1, s23  }
0x209: {  	p0 =	sne.s32 s23, $0x14  }
.Ltmp7:
0x20a: {  	_ = 	snop;
	(pc) =	sbr.rel @p0 .LBB2_12-.Ltmp7, $1  }
0x20b: {  	_ =	sdelay $0x3  }
0x20c: {  	[bflag:$0x0] =	sbarrier.arrive $0xFFFF  }
0x20d: {  	s11 =	rddreg [dreg:$0xe]  }
0x20e: {  	[hbm:s11], [sflag:s18] =	dma.local [spmem:s20], $0x2BF2  }
0x20f: {  	_ =	swait.ge [sflag:s26], $0x2BF2  }
0x210: {  	s17 =	sadd.s32 $0x1, s17;
	s23 =	rddreg [dreg:$0xf]  }
0x211: {  	p0 =	sne.s32 s17, s23  }
.Ltmp8:
0x212: {  	_ = 	snop;
	(pc) =	sbr.rel @p0 .LBB2_1-.Ltmp8, $4  }
0x213: {  	[sflag:s26] =	ssyncset.done $0x0  }
0x214: {  	[sflag:s26] =	ssyncadd.s32 $0xFFFFD40E  }
0x215: {  	[bflag:$0x0] =	sbarrier.arrive $0xFFFF  }
0x216: {  	s15 =	smov.u32 s16;
	s23 =	smov.u32 s19  }
0x217: {  	_ =	sfence.sel $0x180000  }
0x218: {  	[bflag:$0x0] =	sbarrier.arrive $0xFFFF  }
0x219: {  	_ =	strace $0x90000047  }
0x21a: {  	s0 =	stileid.u32;
	[bflag:$0x2] =	sbarrier.arrive $0xFFFF  }
0x21b: {  	p0 =	sne.s32 s0, $0x0;
	s0 =	rddreg [dreg:$0x3]  }
0x21c: {  	s0 =	sadd.s32 @!p0 $0x100000, s0  }
0x21d: {  	[sflag:s0] =	ssyncadd.tile.s32 @!p0 $0x1;
	_ =	shalt  }
.Lfunc_end2:
_tile_overlayer_lowered:
.L_overlay_start_2:
0x21e: {  	(tag) =	ssettag $0x2  }
0x21f: {  	s0 =	rddreg [dreg:$0x0];
	s2 =	stileid.u32  }
0x220: {  	s1 =	rddreg [dreg:$0x1];
	p0 =	sne.s32 s2, $0x0  }
0x221: {  	s3 =	rddreg [dreg:$0x2];
	[bflag:$0x3] =	sbarrier.arrive $0xFFFF;
	s2 =	simm.s32 @!p0 $0x1C02  }
0x222: {  	[timem:s3], [sflag:s2] =	dma.local @!p0 [hbm:s0], s1  }
0x223: {  	s0 =	simm.s32 @!p0 $0x2  }
0x224: {  	_ =	swait.ge @!p0 [sflag:s0], s1  }
0x225: {  	s1 =	ssub.s32 @!p0 $0x0, s1;
	[sflag:s0] =	ssyncset.done @!p0 $0x0  }
0x226: {  	[sflag:s0] =	ssyncadd.s32 @!p0 s1  }
0x227: {  	[bflag:$0x3] =	sbarrier.arrive $0xFFFF  }
0x228: {  	_ =	shalt  }

</sc_bundles>
